<compile_context>
chip_gen: v7x
topology: tpu7x:2x2x1
jax: 0.10.2.dev20260603
libtpu: 0.0.44.dev20260713+nightly
codegen_flags: <defaults>
</compile_context>

<pallas_src>
import functools
import jax
import jax.numpy as jnp
from jax import lax
from jax.experimental import pallas as pl
from jax.experimental.pallas import tpu as pltpu
from jax.experimental.pallas import tpu_sc as plsc

_IOU_THR = 0.5
_CONF_THR = 0.05
_MAX_DET = 100
_N_PAD = 1024
_NC_PAD = _N_PAD + 16
_T_PAD = 128
_CHUNK = 256

f32 = jnp.float32
i32 = jnp.int32


def _sc_body(logit_h, y1_h, x1_h, y2_h, x2_h,
             scores_h, cs_h, ci_h, conf_h, cls_h, box_h, num_h,
             zbuf, s_v, y1_v, x1_v, y2_v, x2_v,
             sc_c, idx_c, y1c, x1c, y2c, x2c, areac, csv, civ,
             cs_m, ci_m, mo_conf, mo_cls,
             mo_y1, mo_x1, mo_y2, mo_x2, mo_num,
             sem_b, sem_s, sem_oc, sem_oi, sem_m, sem_w):
    C = 80
    TASKS_PER = C // 4
    NV = _N_PAD // 16
    CV = _CHUNK // 16
    NEG = f32(-jnp.inf)
    lane = lax.iota(i32, 16)
    zero16i = jnp.zeros((16,), i32)

    cid = lax.axis_index("c")
    sid = lax.axis_index("s")
    wid = cid * 16 + sid
    b = wid // 4
    q = wid % 4

    pltpu.async_copy(
        logit_h.at[b, :, pl.ds(q * _CHUNK, _CHUNK)], zbuf, sem_b).wait()

    def mx_body(c, carry):
        return tuple(
            jnp.maximum(carry[v], zbuf[c, pl.ds(v * 16, 16)])
            for v in range(CV))

    mxs = lax.fori_loop(0, C, mx_body,
                        tuple(jnp.full((16,), NEG, f32)
                              for _ in range(CV)))

    def es_body(c, carry):
        outs = []
        for v in range(CV):
            e = jnp.exp(zbuf[c, pl.ds(v * 16, 16)] - mxs[v])
            zbuf[c, pl.ds(v * 16, 16)] = e
            outs.append(carry[v] + e)
        return tuple(outs)

    sums = lax.fori_loop(0, C, es_body,
                         tuple(jnp.zeros((16,), f32) for _ in range(CV)))

    def dv_body(c, _):
        for v in range(CV):
            zbuf[c, pl.ds(v * 16, 16)] = (
                zbuf[c, pl.ds(v * 16, 16)] / sums[v])
        pltpu.async_copy(
            zbuf.at[c],
            scores_h.at[b * C + c, pl.ds(q * _CHUNK, _CHUNK)], sem_w)
        return 0

    lax.fori_loop(0, C, dv_body, 0)

    def dr_body(c, _):
        pltpu.make_async_copy(
            zbuf.at[c],
            scores_h.at[b * C + c, pl.ds(q * _CHUNK, _CHUNK)],
            sem_w).wait()
        return 0

    lax.fori_loop(0, C, dr_body, 0)

    plsc.subcore_barrier()

    c0 = q * TASKS_PER
    cb = [pltpu.async_copy(y1_h.at[b], y1_v, sem_b),
          pltpu.async_copy(x1_h.at[b], x1_v, sem_b),
          pltpu.async_copy(y2_h.at[b], y2_v, sem_b),
          pltpu.async_copy(x2_h.at[b], x2_v, sem_b)]
    for c in cb:
        c.wait()

    def task_body(ti, _):
        t = b * C + c0 + ti
        c_s = pltpu.async_copy(scores_h.at[t], s_v, sem_s)

        @pl.when(ti > 0)
        def _wait_prev_out():
            pltpu.make_async_copy(csv, cs_h.at[t], sem_oc).wait()
            pltpu.make_async_copy(civ, ci_h.at[t], sem_oi).wait()

        for j in range(_T_PAD // 16):
            csv[pl.ds(j * 16, 16)] = jnp.full((16,), -1.0, f32)
            civ[pl.ds(j * 16, 16)] = zero16i
        c_s.wait()

        def compact(i, offv):
            sl = pl.ds(i * 16, 16)
            sv = s_v[sl]
            msk = sv > _CONF_THR
            cum = plsc.cumsum(msk.astype(i32))
            pos = offv + cum - 1
            plsc.store_scatter(sc_c, [pos], sv, mask=msk)
            nidx = jnp.full((16,), i * 16, i32) + lane
            plsc.store_scatter(idx_c, [pos], nidx, mask=msk)
            return offv + plsc.all_reduce_population_count(msk)

        offv = lax.fori_loop(0, NV, compact, zero16i)
        K = jnp.max(offv)
        nv = (K + 15) // 16
        Kv = jnp.full((16,), K, i32)

        def gatherc(j, _):
            sl = pl.ds(j * 16, 16)
            posv = jnp.full((16,), j * 16, i32) + lane
            idxv = jnp.where(posv < Kv, idx_c[sl], 0)
            idx_c[sl] = idxv
            vy1 = plsc.load_gather(y1_v, [idxv])
            vx1 = plsc.load_gather(x1_v, [idxv])
            vy2 = plsc.load_gather(y2_v, [idxv])
            vx2 = plsc.load_gather(x2_v, [idxv])
            y1c[sl] = vy1
            x1c[sl] = vx1
            y2c[sl] = vy2
            x2c[sl] = vx2
            areac[sl] = (jnp.maximum(vy2 - vy1, 0.0) *
                         jnp.maximum(vx2 - vx1, 0.0))
            sc_c[sl] = jnp.where(posv < Kv, sc_c[sl], NEG)
            return 0

        lax.fori_loop(0, nv, gatherc, 0)

        def amx(j, carry):
            m, pb = carry
            v = sc_c[pl.ds(j * 16, 16)]
            posv = jnp.full((16,), j * 16, i32) + lane
            upd = v > m
            return jnp.where(upd, v, m), jnp.where(upd, posv, pb)

        m, pb = lax.fori_loop(0, nv, amx,
                              (jnp.full((16,), NEG, f32), zero16i))
        M = jnp.max(m)
        pstar = jnp.min(jnp.where(m == M, pb, 1 << 20))

        def g_cond(carry):
            tk, Mc, _ = carry
            return (Mc > _CONF_THR) & (tk < _MAX_DET)

        def g_body(carry):
            tk, Mc, p = carry
            tkv = jnp.full((16,), tk, i32)
            lane0 = lane == 0
            psplat = jnp.full((16,), p, i32)
            orig = plsc.load_gather(idx_c, [psplat])
            plsc.store_scatter(csv, [tkv], jnp.full((16,), Mc, f32),
                               mask=lane0)
            plsc.store_scatter(civ, [tkv], orig, mask=lane0)
            sy1 = plsc.load_gather(y1c, [psplat])
            sx1 = plsc.load_gather(x1c, [psplat])
            sy2 = plsc.load_gather(y2c, [psplat])
            sx2 = plsc.load_gather(x2c, [psplat])
            asel = plsc.load_gather(areac, [psplat])

            def sup(j, carry2):
                m2, pb2 = carry2
                sl = pl.ds(j * 16, 16)
                sv = sc_c[sl]
                iy1 = jnp.maximum(sy1, y1c[sl])
                ix1 = jnp.maximum(sx1, x1c[sl])
                iy2 = jnp.minimum(sy2, y2c[sl])
                ix2 = jnp.minimum(sx2, x2c[sl])
                inter = (jnp.maximum(iy2 - iy1, 0.0) *
                         jnp.maximum(ix2 - ix1, 0.0))
                union = asel + areac[sl] - inter
                iou = inter / (union + 1e-8)
                posv = jnp.full((16,), j * 16, i32) + lane
                kill = (iou > _IOU_THR) | (posv == psplat)
                sv2 = jnp.where(kill, NEG, sv)
                sc_c[sl] = sv2
                upd = sv2 > m2
                return jnp.where(upd, sv2, m2), jnp.where(upd, posv, pb2)

            m2, pb2 = lax.fori_loop(0, nv, sup,
                                    (jnp.full((16,), NEG, f32), zero16i))
            M2 = jnp.max(m2)
            p2 = jnp.min(jnp.where(m2 == M2, pb2, 1 << 20))
            return tk + 1, M2, p2

        lax.while_loop(g_cond, g_body, (jnp.array(0, i32), M, pstar))
        pltpu.async_copy(csv, cs_h.at[t], sem_oc)
        pltpu.async_copy(civ, ci_h.at[t], sem_oi)
        return 0

    lax.fori_loop(0, TASKS_PER, task_body, 0)
    t_last = b * C + c0 + TASKS_PER - 1
    pltpu.make_async_copy(csv, cs_h.at[t_last], sem_oc).wait()
    pltpu.make_async_copy(civ, ci_h.at[t_last], sem_oi).wait()

    plsc.subcore_barrier()

    @pl.when(sid < 4)
    def _merge():
        bm = cid * 4 + sid
        cm = [pltpu.async_copy(cs_h.at[pl.ds(bm * C, C)], cs_m, sem_m),
              pltpu.async_copy(ci_h.at[pl.ds(bm * C, C)], ci_m, sem_m),
              pltpu.async_copy(y1_h.at[bm], y1_v, sem_m),
              pltpu.async_copy(x1_h.at[bm], x1_v, sem_m),
              pltpu.async_copy(y2_h.at[bm], y2_v, sem_m),
              pltpu.async_copy(x2_h.at[bm], x2_v, sem_m)]
        for c in cm:
            c.wait()
        for j in range(_T_PAD // 16):
            sl = pl.ds(j * 16, 16)
            mo_conf[sl] = jnp.zeros((16,), f32)
            mo_cls[sl] = jnp.zeros((16,), f32)
            mo_y1[sl] = jnp.zeros((16,), f32)
            mo_x1[sl] = jnp.zeros((16,), f32)
            mo_y2[sl] = jnp.zeros((16,), f32)
            mo_x2[sl] = jnp.zeros((16,), f32)

        zero16 = jnp.zeros((16,), i32)
        for j in range(8):
            cvec = jnp.full((16,), j * 16, i32) + lane
            if j < 5:
                hv = plsc.load_gather(cs_m, [cvec, zero16])
                csv[pl.ds(j * 16, 16)] = hv
            else:
                csv[pl.ds(j * 16, 16)] = jnp.full((16,), NEG, f32)
            civ[pl.ds(j * 16, 16)] = zero16

        def head_amx(j, carry):
            m, cb2 = carry
            v = csv[pl.ds(j * 16, 16)]
            cvec = jnp.full((16,), j * 16, i32) + lane
            upd = v > m
            return jnp.where(upd, v, m), jnp.where(upd, cvec, cb2)

        def pick_head():
            m, cb2 = lax.fori_loop(
                0, 5, head_amx, (jnp.full((16,), NEG, f32), zero16i))
            M = jnp.max(m)
            cstar = jnp.min(jnp.where(m == M, cb2, 1 << 20))
            return M, cstar

        M0, c0m = pick_head()

        def m_cond(carry):
            k, Mc, _ = carry
            return (Mc > 0.0) & (k < _MAX_DET)

        def m_body(carry):
            k, Mc, cst = carry
            kv = jnp.full((16,), k, i32)
            lane0 = lane == 0
            csplat = jnp.full((16,), cst, i32)
            hp = plsc.load_gather(civ, [csplat])
            orig = plsc.load_gather(ci_m, [csplat, hp])
            plsc.store_scatter(mo_conf, [kv], jnp.full((16,), Mc, f32),
                               mask=lane0)
            plsc.store_scatter(mo_cls, [kv], csplat.astype(f32),
                               mask=lane0)
            plsc.store_scatter(mo_y1, [kv], plsc.load_gather(y1_v, [orig]),
                               mask=lane0)
            plsc.store_scatter(mo_x1, [kv], plsc.load_gather(x1_v, [orig]),
                               mask=lane0)
            plsc.store_scatter(mo_y2, [kv], plsc.load_gather(y2_v, [orig]),
                               mask=lane0)
            plsc.store_scatter(mo_x2, [kv], plsc.load_gather(x2_v, [orig]),
                               mask=lane0)
            hp2 = hp + 1
            plsc.store_scatter(civ, [csplat], hp2, mask=lane0)
            newhead = plsc.load_gather(cs_m, [csplat, hp2])
            plsc.store_scatter(csv, [csplat], newhead, mask=lane0)
            M2, c2 = pick_head()
            return k + 1, M2, c2

        kf, _, _ = lax.while_loop(m_cond, m_body,
                                  (jnp.array(0, i32), M0, c0m))
        plsc.store_scatter(mo_num, [zero16i], jnp.full((16,), kf, i32),
                           mask=lane == 0)

        pltpu.async_copy(mo_conf, conf_h.at[bm], sem_m)
        pltpu.async_copy(mo_cls, cls_h.at[bm], sem_m)
        pltpu.async_copy(mo_y1, box_h.at[bm, 0], sem_m)
        pltpu.async_copy(mo_x1, box_h.at[bm, 1], sem_m)
        pltpu.async_copy(mo_y2, box_h.at[bm, 2], sem_m)
        pltpu.async_copy(mo_x2, box_h.at[bm, 3], sem_m)
        pltpu.async_copy(mo_num, num_h.at[bm], sem_m)
        pltpu.make_async_copy(mo_conf, conf_h.at[bm], sem_m).wait()
        pltpu.make_async_copy(mo_cls, cls_h.at[bm], sem_m).wait()
        pltpu.make_async_copy(mo_y1, box_h.at[bm, 0], sem_m).wait()
        pltpu.make_async_copy(mo_x1, box_h.at[bm, 1], sem_m).wait()
        pltpu.make_async_copy(mo_y2, box_h.at[bm, 2], sem_m).wait()
        pltpu.make_async_copy(mo_x2, box_h.at[bm, 3], sem_m).wait()
        pltpu.make_async_copy(mo_num, num_h.at[bm], sem_m).wait()


def _run_sc_stage(logits, y1, x1, y2, x2):
    B, C, NP = logits.shape
    sc = functools.partial(
        pl.kernel,
        mesh=plsc.VectorSubcoreMesh(core_axis_name="c", subcore_axis_name="s"),
        compiler_params=pltpu.CompilerParams(needs_layout_passes=False),
        out_type=[
            jax.ShapeDtypeStruct((B * C, NP), f32),
            jax.ShapeDtypeStruct((B * C, _T_PAD), f32),
            jax.ShapeDtypeStruct((B * C, _T_PAD), i32),
            jax.ShapeDtypeStruct((B, _T_PAD), f32),
            jax.ShapeDtypeStruct((B, _T_PAD), f32),
            jax.ShapeDtypeStruct((B, 4, _T_PAD), f32),
            jax.ShapeDtypeStruct((B, 16), i32),
        ],
        scratch_types=[
            pltpu.VMEM((C, _CHUNK), f32),
            pltpu.VMEM((NP,), f32),
            pltpu.VMEM((NP,), f32),
            pltpu.VMEM((NP,), f32),
            pltpu.VMEM((NP,), f32),
            pltpu.VMEM((NP,), f32),
            pltpu.VMEM((_NC_PAD,), f32),
            pltpu.VMEM((_NC_PAD,), i32),
            pltpu.VMEM((_NC_PAD,), f32),
            pltpu.VMEM((_NC_PAD,), f32),
            pltpu.VMEM((_NC_PAD,), f32),
            pltpu.VMEM((_NC_PAD,), f32),
            pltpu.VMEM((_NC_PAD,), f32),
            pltpu.VMEM((_T_PAD,), f32),
            pltpu.VMEM((_T_PAD,), i32),
            pltpu.VMEM((80, _T_PAD), f32),
            pltpu.VMEM((80, _T_PAD), i32),
            pltpu.VMEM((_T_PAD,), f32),
            pltpu.VMEM((_T_PAD,), f32),
            pltpu.VMEM((_T_PAD,), f32),
            pltpu.VMEM((_T_PAD,), f32),
            pltpu.VMEM((_T_PAD,), f32),
            pltpu.VMEM((_T_PAD,), f32),
            pltpu.VMEM((16,), i32),
            pltpu.SemaphoreType.DMA,
            pltpu.SemaphoreType.DMA,
            pltpu.SemaphoreType.DMA,
            pltpu.SemaphoreType.DMA,
            pltpu.SemaphoreType.DMA,
            pltpu.SemaphoreType.DMA,
        ],
    )(_sc_body)
    return sc(logits, y1, x1, y2, x2)


def kernel(box_pred, confidence_pred):
    B, N, C = confidence_pred.shape
    NP = _N_PAD
    T = _MAX_DET
    conf_t = jnp.pad(jnp.transpose(confidence_pred, (0, 2, 1)),
                     ((0, 0), (0, 0), (0, NP - N)))
    box_t = jnp.pad(jnp.transpose(box_pred, (0, 2, 1)),
                    ((0, 0), (0, 0), (0, NP - N)))

    outs = _run_sc_stage(
        conf_t,
        box_t[:, 0, :], box_t[:, 1, :], box_t[:, 2, :], box_t[:, 3, :])
    _, _, _, conf_h, cls_h, box_h, num_h = outs

    boxes_out = jnp.transpose(box_h, (0, 2, 1))[:, :T, :]
    conf_out = conf_h[:, :T]
    cls_out = cls_h[:, :T]
    num = num_h[:, 0]
    return boxes_out, conf_out, cls_out, num

# --- scband reference (transcript-rebuilt; emitter-appended) ---
"""Pipeline reference for scband-nms-decoder-31937376813470 (READ-ONLY COPY).

The authoritative reference and input builder live on the scoring server;
editing this copy changes nothing except your own understanding.
"""

import jax, jax.numpy as jnp
import numpy as np

IOU_THR = 0.5
CONF_THR = 0.05
MAX_DET = 100
MAX_PER_CLASS = 100


def _iou_matrix(boxes):
    # boxes: [N, 4] in yxyx
    y1, x1, y2, x2 = boxes[:, 0], boxes[:, 1], boxes[:, 2], boxes[:, 3]
    area = jnp.maximum(y2 - y1, 0.0) * jnp.maximum(x2 - x1, 0.0)
    iy1 = jnp.maximum(y1[:, None], y1[None, :])
    ix1 = jnp.maximum(x1[:, None], x1[None, :])
    iy2 = jnp.minimum(y2[:, None], y2[None, :])
    ix2 = jnp.minimum(x2[:, None], x2[None, :])
    inter = jnp.maximum(iy2 - iy1, 0.0) * jnp.maximum(ix2 - ix1, 0.0)
    union = area[:, None] + area[None, :] - inter
    return inter / (union + 1e-8)


def _nms_one_class(scores, iou):
    # Greedy NMS for a single class. scores: [N], iou: [N, N]
    N = scores.shape[0]
    ar = jnp.arange(N)

    def step(s_work, _):
        i = jnp.argmax(s_work)
        si = s_work[i]
        valid = si > CONF_THR
        suppress = (iou[i] > IOU_THR) | (ar == i)
        s_new = jnp.where(valid & suppress, -jnp.inf, s_work)
        return s_new, (i.astype(jnp.int32), jnp.where(valid, si, -1.0))

    _, (idx, sel_s) = jax.lax.scan(step, scores, None, length=MAX_PER_CLASS)
    return idx, sel_s


def _decode_one(boxes, scores):
    # boxes: [N, 4], scores: [N, C] (post-softmax confidences)
    C = scores.shape[1]
    iou = _iou_matrix(boxes)
    idx, sel_s = jax.vmap(lambda s: _nms_one_class(s, iou), in_axes=1)(scores)  # [C, Tc]
    cls = jnp.broadcast_to(jnp.arange(C, dtype=jnp.int32)[:, None], idx.shape)
    flat_s = sel_s.reshape(-1)
    flat_i = idx.reshape(-1)
    flat_c = cls.reshape(-1)
    top_s, top_pos = jax.lax.top_k(flat_s, MAX_DET)
    b_idx = flat_i[top_pos]
    c_idx = flat_c[top_pos]
    valid = top_s > 0.0
    out_boxes = jnp.where(valid[:, None], boxes[b_idx], 0.0)
    out_conf = jnp.where(valid, top_s, 0.0)
    out_cls = jnp.where(valid, c_idx.astype(jnp.float32), 0.0)
    num = valid.sum().astype(jnp.int32)
    return out_boxes, out_conf, out_cls, num


def setup_inputs(seed: int = 0) -> dict:
    key = jax.random.key(seed)
    k1, k2 = jax.random.split(key)
    box_pred = jax.random.uniform(k1, (8, 1000, 4), dtype=jnp.float32)
    confidence_pred = jax.random.normal(k2, (8, 1000, 80), dtype=jnp.float32)
    return {"box_pred": box_pred, "confidence_pred": confidence_pred}


def reference(box_pred, confidence_pred):
    # bounding_box_format == 'yxyx' -> convert_format is the identity.
    # from_logits=True -> softmax over classes.
    scores = jax.nn.softmax(confidence_pred, axis=-1)
    boxes_out, conf_out, cls_out, num_det = jax.vmap(_decode_one)(box_pred, scores)
    return boxes_out, conf_out, cls_out, num_det

if __name__ == "__main__":
    import jax
    _d = setup_inputs()
    print(jax.jit(kernel)(*tuple(_d.values())))

</pallas_src>

<mosaic_0001>
#map = affine_map<(d0, d1) -> (0, 0, 0)>
#map1 = affine_map<(d0, d1) -> (0, 0)>
module attributes {stable_mosaic.version = 14 : i64} {
  func.func @_sc_body(%arg0: i32, %arg1: i32, %arg2: memref<8x80x1024xf32, #tpu.memory_space<hbm>>, %arg3: memref<8x1024xf32, #tpu.memory_space<hbm>>, %arg4: memref<8x1024xf32, #tpu.memory_space<hbm>>, %arg5: memref<8x1024xf32, #tpu.memory_space<hbm>>, %arg6: memref<8x1024xf32, #tpu.memory_space<hbm>>, %arg7: memref<640x1024xf32, #tpu.memory_space<hbm>>, %arg8: memref<640x128xf32, #tpu.memory_space<hbm>>, %arg9: memref<640x128xi32, #tpu.memory_space<hbm>>, %arg10: memref<8x128xf32, #tpu.memory_space<hbm>>, %arg11: memref<8x128xf32, #tpu.memory_space<hbm>>, %arg12: memref<8x4x128xf32, #tpu.memory_space<hbm>>, %arg13: memref<8x16xi32, #tpu.memory_space<hbm>>, %arg14: memref<80x256xf32, #tpu.memory_space<vmem>>, %arg15: memref<1024xf32, #tpu.memory_space<vmem>>, %arg16: memref<1024xf32, #tpu.memory_space<vmem>>, %arg17: memref<1024xf32, #tpu.memory_space<vmem>>, %arg18: memref<1024xf32, #tpu.memory_space<vmem>>, %arg19: memref<1024xf32, #tpu.memory_space<vmem>>, %arg20: memref<1040xf32, #tpu.memory_space<vmem>>, %arg21: memref<1040xi32, #tpu.memory_space<vmem>>, %arg22: memref<1040xf32, #tpu.memory_space<vmem>>, %arg23: memref<1040xf32, #tpu.memory_space<vmem>>, %arg24: memref<1040xf32, #tpu.memory_space<vmem>>, %arg25: memref<1040xf32, #tpu.memory_space<vmem>>, %arg26: memref<1040xf32, #tpu.memory_space<vmem>>, %arg27: memref<128xf32, #tpu.memory_space<vmem>>, %arg28: memref<128xi32, #tpu.memory_space<vmem>>, %arg29: memref<80x128xf32, #tpu.memory_space<vmem>>, %arg30: memref<80x128xi32, #tpu.memory_space<vmem>>, %arg31: memref<128xf32, #tpu.memory_space<vmem>>, %arg32: memref<128xf32, #tpu.memory_space<vmem>>, %arg33: memref<128xf32, #tpu.memory_space<vmem>>, %arg34: memref<128xf32, #tpu.memory_space<vmem>>, %arg35: memref<128xf32, #tpu.memory_space<vmem>>, %arg36: memref<128xf32, #tpu.memory_space<vmem>>, %arg37: memref<16xi32, #tpu.memory_space<vmem>>, %arg38: memref<!tpu.dma_semaphore, #tpu.memory_space<semaphore_mem>>, %arg39: memref<!tpu.dma_semaphore, #tpu.memory_space<semaphore_mem>>, %arg40: memref<!tpu.dma_semaphore, #tpu.memory_space<semaphore_mem>>, %arg41: memref<!tpu.dma_semaphore, #tpu.memory_space<semaphore_mem>>, %arg42: memref<!tpu.dma_semaphore, #tpu.memory_space<semaphore_mem>>, %arg43: memref<!tpu.dma_semaphore, #tpu.memory_space<semaphore_mem>>) attributes {dimension_semantics = [#tpu.dimension_semantics<core_parallel>, #tpu.dimension_semantics<subcore_parallel>], iteration_bounds = array<i64: 2, 16>, scalar_prefetch = 0 : i64, scratch_operands = 30 : i64, tpu.core_type = #tpu.core_type<sc_vector_subcore>, window_params = [{transform_indices = #map}, {transform_indices = #map1}, {transform_indices = #map1}, {transform_indices = #map1}, {transform_indices = #map1}, {transform_indices = #map1}, {transform_indices = #map1}, {transform_indices = #map1}, {transform_indices = #map1}, {transform_indices = #map1}, {transform_indices = #map}, {transform_indices = #map1}]} {
    %iota3A = tpu.iota {dimensions = array<i32: 0>} : vector<16xi32>
    %broadcast_in_dim3A = arith.constant 0 : i32
    %broadcast_in_dim3A_0 = vector.broadcast %broadcast_in_dim3A : i32 to vector<16xi32>
    %mul3A = arith.constant 16 : i32
    %mul3A_1 = arith.muli %arg0, %mul3A : i32
    %add3A = arith.addi %mul3A_1, %arg1 : i32
    %jit3A = arith.constant 4 : i32
    %div3A = arith.divsi %add3A, %jit3A : i32
    %sign3A = arith.constant 0 : i32
    %sign3A_2 = arith.cmpi sgt, %add3A, %sign3A : i32
    %sign3A_3 = arith.extui %sign3A_2 : i1 to i32
    %sign3A_4 = arith.constant 0 : i32
    %sign3A_5 = arith.cmpi slt, %add3A, %sign3A_4 : i32
    %sign3A_6 = arith.extui %sign3A_5 : i1 to i32
    %sign3A_7 = arith.subi %sign3A_3, %sign3A_6 : i32
    %sign3A_8 = arith.constant 0 : i32
    %sign3A_9 = arith.cmpi sgt, %jit3A, %sign3A_8 : i32
    %sign3A_10 = arith.extui %sign3A_9 : i1 to i32
    %sign3A_11 = arith.constant 0 : i32
    %sign3A_12 = arith.cmpi slt, %jit3A, %sign3A_11 : i32
    %sign3A_13 = arith.extui %sign3A_12 : i1 to i32
    %sign3A_14 = arith.subi %sign3A_10, %sign3A_13 : i32
    %ne3A = arith.cmpi ne, %sign3A_7, %sign3A_14 : i32
    %rem3A = arith.remsi %add3A, %jit3A : i32
    %ne3A_15 = arith.constant 0 : i32
    %ne3A_16 = arith.cmpi ne, %rem3A, %ne3A_15 : i32
    %and3A = arith.andi %ne3A, %ne3A_16 : i1
    %sub3A = arith.constant 1 : i32
    %sub3A_17 = arith.subi %div3A, %sub3A : i32
    %select_n3A = arith.select %and3A, %sub3A_17, %div3A : i32
    %jit3A_18 = arith.constant 4 : i32
    %eq3A = arith.constant 0 : i32
    %eq3A_19 = arith.cmpi eq, %jit3A_18, %eq3A : i32
    %jit3A_20 = arith.constant 1 : i32
    %select_n3A_21 = arith.select %eq3A_19, %jit3A_20, %jit3A_18 : i32
    %rem3A_22 = arith.remsi %add3A, %select_n3A_21 : i32
    %ne3A_23 = arith.constant 0 : i32
    %ne3A_24 = arith.cmpi ne, %rem3A_22, %ne3A_23 : i32
    %lt3A = arith.constant 0 : i32
    %lt3A_25 = arith.cmpi slt, %rem3A_22, %lt3A : i32
    %lt3A_26 = arith.constant 0 : i32
    %lt3A_27 = arith.cmpi slt, %select_n3A_21, %lt3A_26 : i32
    %ne3A_28 = arith.xori %lt3A_25, %lt3A_27 : i1
    %and3A_29 = arith.andi %ne3A_28, %ne3A_24 : i1
    %add3A_30 = arith.addi %rem3A_22, %select_n3A_21 : i32
    %select_n3A_31 = arith.select %and3A_29, %add3A_30, %rem3A_22 : i32
    %mul3A_32 = arith.constant 256 : i32
    %mul3A_33 = arith.muli %select_n3A_31, %mul3A_32 : i32
    %dma_start3A = arith.constant 0 : i32
    %dma_start3A_34 = tpu.memref_slice %arg2[%select_n3A, %dma_start3A, %mul3A_33] : memref<8x80x1024xf32, #tpu.memory_space<hbm>> -> memref<1x80x256xf32, #tpu.memory_space<hbm>>
    %dma_start3A_35 = tpu.memref_squeeze %dma_start3A_34 : memref<1x80x256xf32, #tpu.memory_space<hbm>> -> memref<80x256xf32, #tpu.memory_space<hbm>>
    %dma_start3A_36 = arith.constant 0 : i32
    %dma_start3A_37 = tpu.memref_slice %arg2[%select_n3A, %dma_start3A_36, %mul3A_33] : memref<8x80x1024xf32, #tpu.memory_space<hbm>> -> memref<1x80x256xf32, #tpu.memory_space<hbm>>
    %dma_start3A_38 = tpu.memref_squeeze %dma_start3A_37 : memref<1x80x256xf32, #tpu.memory_space<hbm>> -> memref<80x256xf32, #tpu.memory_space<hbm>>
    tpu.enqueue_dma source(%dma_start3A_38 : memref<80x256xf32, #tpu.memory_space<hbm>>) target(%arg14 : memref<80x256xf32, #tpu.memory_space<vmem>>) target_semaphore(%arg38 : memref<!tpu.dma_semaphore, #tpu.memory_space<semaphore_mem>>)
    %dma_wait3A = arith.constant 0 : i32
    %dma_wait3A_39 = tpu.memref_slice %arg2[%select_n3A, %dma_wait3A, %mul3A_33] : memref<8x80x1024xf32, #tpu.memory_space<hbm>> -> memref<1x80x256xf32, #tpu.memory_space<hbm>>
    %dma_wait3A_40 = tpu.memref_squeeze %dma_wait3A_39 : memref<1x80x256xf32, #tpu.memory_space<hbm>> -> memref<80x256xf32, #tpu.memory_space<hbm>>
    %dma_wait3A_41 = arith.constant 0 : i32
    %dma_wait3A_42 = tpu.memref_slice %arg2[%select_n3A, %dma_wait3A_41, %mul3A_33] : memref<8x80x1024xf32, #tpu.memory_space<hbm>> -> memref<1x80x256xf32, #tpu.memory_space<hbm>>
    %dma_wait3A_43 = tpu.memref_squeeze %dma_wait3A_42 : memref<1x80x256xf32, #tpu.memory_space<hbm>> -> memref<80x256xf32, #tpu.memory_space<hbm>>
    tpu.wait_dma2 semaphore(%arg38 : memref<!tpu.dma_semaphore, #tpu.memory_space<semaphore_mem>>) src(%dma_wait3A_43 : memref<80x256xf32, #tpu.memory_space<hbm>>) dst(%arg14 : memref<80x256xf32, #tpu.memory_space<vmem>>)
    %broadcast_in_dim3A_44 = arith.constant 0xFF800000 : f32
    %broadcast_in_dim3A_45 = vector.broadcast %broadcast_in_dim3A_44 : f32 to vector<16xf32>
    %broadcast_in_dim3A_46 = arith.constant 0xFF800000 : f32
    %broadcast_in_dim3A_47 = vector.broadcast %broadcast_in_dim3A_46 : f32 to vector<16xf32>
    %broadcast_in_dim3A_48 = arith.constant 0xFF800000 : f32
    %broadcast_in_dim3A_49 = vector.broadcast %broadcast_in_dim3A_48 : f32 to vector<16xf32>
    %broadcast_in_dim3A_50 = arith.constant 0xFF800000 : f32
    %broadcast_in_dim3A_51 = vector.broadcast %broadcast_in_dim3A_50 : f32 to vector<16xf32>
    %broadcast_in_dim3A_52 = arith.constant 0xFF800000 : f32
    %broadcast_in_dim3A_53 = vector.broadcast %broadcast_in_dim3A_52 : f32 to vector<16xf32>
    %broadcast_in_dim3A_54 = arith.constant 0xFF800000 : f32
    %broadcast_in_dim3A_55 = vector.broadcast %broadcast_in_dim3A_54 : f32 to vector<16xf32>
    %broadcast_in_dim3A_56 = arith.constant 0xFF800000 : f32
    %broadcast_in_dim3A_57 = vector.broadcast %broadcast_in_dim3A_56 : f32 to vector<16xf32>
    %broadcast_in_dim3A_58 = arith.constant 0xFF800000 : f32
    %broadcast_in_dim3A_59 = vector.broadcast %broadcast_in_dim3A_58 : f32 to vector<16xf32>
    %broadcast_in_dim3A_60 = arith.constant 0xFF800000 : f32
    %broadcast_in_dim3A_61 = vector.broadcast %broadcast_in_dim3A_60 : f32 to vector<16xf32>
    %broadcast_in_dim3A_62 = arith.constant 0xFF800000 : f32
    %broadcast_in_dim3A_63 = vector.broadcast %broadcast_in_dim3A_62 : f32 to vector<16xf32>
    %broadcast_in_dim3A_64 = arith.constant 0xFF800000 : f32
    %broadcast_in_dim3A_65 = vector.broadcast %broadcast_in_dim3A_64 : f32 to vector<16xf32>
    %broadcast_in_dim3A_66 = arith.constant 0xFF800000 : f32
    %broadcast_in_dim3A_67 = vector.broadcast %broadcast_in_dim3A_66 : f32 to vector<16xf32>
    %broadcast_in_dim3A_68 = arith.constant 0xFF800000 : f32
    %broadcast_in_dim3A_69 = vector.broadcast %broadcast_in_dim3A_68 : f32 to vector<16xf32>
    %broadcast_in_dim3A_70 = arith.constant 0xFF800000 : f32
    %broadcast_in_dim3A_71 = vector.broadcast %broadcast_in_dim3A_70 : f32 to vector<16xf32>
    %broadcast_in_dim3A_72 = arith.constant 0xFF800000 : f32
    %broadcast_in_dim3A_73 = vector.broadcast %broadcast_in_dim3A_72 : f32 to vector<16xf32>
    %broadcast_in_dim3A_74 = arith.constant 0xFF800000 : f32
    %broadcast_in_dim3A_75 = vector.broadcast %broadcast_in_dim3A_74 : f32 to vector<16xf32>
    %scan3A = arith.constant 0 : i32
    %scan3A_76 = arith.constant 80 : i32
    %scan3A_77 = arith.addi %scan3A, %scan3A_76 : i32
    %scan3A_78 = arith.constant 1 : i32
    %scan3A_79:16 = scf.for %scan3A_215 = %scan3A to %scan3A_77 step %scan3A_78 iter_args(%scan3A_216 = %broadcast_in_dim3A_45, %scan3A_217 = %broadcast_in_dim3A_47, %scan3A_218 = %broadcast_in_dim3A_49, %scan3A_219 = %broadcast_in_dim3A_51, %scan3A_220 = %broadcast_in_dim3A_53, %scan3A_221 = %broadcast_in_dim3A_55, %scan3A_222 = %broadcast_in_dim3A_57, %scan3A_223 = %broadcast_in_dim3A_59, %scan3A_224 = %broadcast_in_dim3A_61, %scan3A_225 = %broadcast_in_dim3A_63, %scan3A_226 = %broadcast_in_dim3A_65, %scan3A_227 = %broadcast_in_dim3A_67, %scan3A_228 = %broadcast_in_dim3A_69, %scan3A_229 = %broadcast_in_dim3A_71, %scan3A_230 = %broadcast_in_dim3A_73, %scan3A_231 = %broadcast_in_dim3A_75) -> (vector<16xf32>, vector<16xf32>, vector<16xf32>, vector<16xf32>, vector<16xf32>, vector<16xf32>, vector<16xf32>, vector<16xf32>, vector<16xf32>, vector<16xf32>, vector<16xf32>, vector<16xf32>, vector<16xf32>, vector<16xf32>, vector<16xf32>, vector<16xf32>)  : i32 {
      %get3A = arith.index_cast %scan3A_215 : i32 to index
      %get3A_232 = arith.constant 0 : index
      %get3A_233 = tpu.vector_load %arg14[%get3A, %get3A_232] {strides = array<i32>} : memref<80x256xf32, #tpu.memory_space<vmem>>, vector<16xf32>,
      %max3A = arith.maximumf %scan3A_216, %get3A_233 : vector<16xf32>
      %get3A_234 = arith.index_cast %scan3A_215 : i32 to index
      %get3A_235 = arith.constant 16 : index
      %get3A_236 = tpu.vector_load %arg14[%get3A_234, %get3A_235] {strides = array<i32>} : memref<80x256xf32, #tpu.memory_space<vmem>>, vector<16xf32>,
      %max3A_237 = arith.maximumf %scan3A_217, %get3A_236 : vector<16xf32>
      %get3A_238 = arith.index_cast %scan3A_215 : i32 to index
      %get3A_239 = arith.constant 32 : index
      %get3A_240 = tpu.vector_load %arg14[%get3A_238, %get3A_239] {strides = array<i32>} : memref<80x256xf32, #tpu.memory_space<vmem>>, vector<16xf32>,
      %max3A_241 = arith.maximumf %scan3A_218, %get3A_240 : vector<16xf32>
      %get3A_242 = arith.index_cast %scan3A_215 : i32 to index
      %get3A_243 = arith.constant 48 : index
      %get3A_244 = tpu.vector_load %arg14[%get3A_242, %get3A_243] {strides = array<i32>} : memref<80x256xf32, #tpu.memory_space<vmem>>, vector<16xf32>,
      %max3A_245 = arith.maximumf %scan3A_219, %get3A_244 : vector<16xf32>
      %get3A_246 = arith.index_cast %scan3A_215 : i32 to index
      %get3A_247 = arith.constant 64 : index
      %get3A_248 = tpu.vector_load %arg14[%get3A_246, %get3A_247] {strides = array<i32>} : memref<80x256xf32, #tpu.memory_space<vmem>>, vector<16xf32>,
      %max3A_249 = arith.maximumf %scan3A_220, %get3A_248 : vector<16xf32>
      %get3A_250 = arith.index_cast %scan3A_215 : i32 to index
      %get3A_251 = arith.constant 80 : index
      %get3A_252 = tpu.vector_load %arg14[%get3A_250, %get3A_251] {strides = array<i32>} : memref<80x256xf32, #tpu.memory_space<vmem>>, vector<16xf32>,
      %max3A_253 = arith.maximumf %scan3A_221, %get3A_252 : vector<16xf32>
      %get3A_254 = arith.index_cast %scan3A_215 : i32 to index
      %get3A_255 = arith.constant 96 : index
      %get3A_256 = tpu.vector_load %arg14[%get3A_254, %get3A_255] {strides = array<i32>} : memref<80x256xf32, #tpu.memory_space<vmem>>, vector<16xf32>,
      %max3A_257 = arith.maximumf %scan3A_222, %get3A_256 : vector<16xf32>
      %get3A_258 = arith.index_cast %scan3A_215 : i32 to index
      %get3A_259 = arith.constant 112 : index
      %get3A_260 = tpu.vector_load %arg14[%get3A_258, %get3A_259] {strides = array<i32>} : memref<80x256xf32, #tpu.memory_space<vmem>>, vector<16xf32>,
      %max3A_261 = arith.maximumf %scan3A_223, %get3A_260 : vector<16xf32>
      %get3A_262 = arith.index_cast %scan3A_215 : i32 to index
      %get3A_263 = arith.constant 128 : index
      %get3A_264 = tpu.vector_load %arg14[%get3A_262, %get3A_263] {strides = array<i32>} : memref<80x256xf32, #tpu.memory_space<vmem>>, vector<16xf32>,
      %max3A_265 = arith.maximumf %scan3A_224, %get3A_264 : vector<16xf32>
      %get3A_266 = arith.index_cast %scan3A_215 : i32 to index
      %get3A_267 = arith.constant 144 : index
      %get3A_268 = tpu.vector_load %arg14[%get3A_266, %get3A_267] {strides = array<i32>} : memref<80x256xf32, #tpu.memory_space<vmem>>, vector<16xf32>,
      %max3A_269 = arith.maximumf %scan3A_225, %get3A_268 : vector<16xf32>
      %get3A_270 = arith.index_cast %scan3A_215 : i32 to index
      %get3A_271 = arith.constant 160 : index
      %get3A_272 = tpu.vector_load %arg14[%get3A_270, %get3A_271] {strides = array<i32>} : memref<80x256xf32, #tpu.memory_space<vmem>>, vector<16xf32>,
      %max3A_273 = arith.maximumf %scan3A_226, %get3A_272 : vector<16xf32>
      %get3A_274 = arith.index_cast %scan3A_215 : i32 to index
      %get3A_275 = arith.constant 176 : index
      %get3A_276 = tpu.vector_load %arg14[%get3A_274, %get3A_275] {strides = array<i32>} : memref<80x256xf32, #tpu.memory_space<vmem>>, vector<16xf32>,
      %max3A_277 = arith.maximumf %scan3A_227, %get3A_276 : vector<16xf32>
      %get3A_278 = arith.index_cast %scan3A_215 : i32 to index
      %get3A_279 = arith.constant 192 : index
      %get3A_280 = tpu.vector_load %arg14[%get3A_278, %get3A_279] {strides = array<i32>} : memref<80x256xf32, #tpu.memory_space<vmem>>, vector<16xf32>,
      %max3A_281 = arith.maximumf %scan3A_228, %get3A_280 : vector<16xf32>
      %get3A_282 = arith.index_cast %scan3A_215 : i32 to index
      %get3A_283 = arith.constant 208 : index
      %get3A_284 = tpu.vector_load %arg14[%get3A_282, %get3A_283] {strides = array<i32>} : memref<80x256xf32, #tpu.memory_space<vmem>>, vector<16xf32>,
      %max3A_285 = arith.maximumf %scan3A_229, %get3A_284 : vector<16xf32>
      %get3A_286 = arith.index_cast %scan3A_215 : i32 to index
      %get3A_287 = arith.constant 224 : index
      %get3A_288 = tpu.vector_load %arg14[%get3A_286, %get3A_287] {strides = array<i32>} : memref<80x256xf32, #tpu.memory_space<vmem>>, vector<16xf32>,
      %max3A_289 = arith.maximumf %scan3A_230, %get3A_288 : vector<16xf32>
      %get3A_290 = arith.index_cast %scan3A_215 : i32 to index
      %get3A_291 = arith.constant 240 : index
      %get3A_292 = tpu.vector_load %arg14[%get3A_290, %get3A_291] {strides = array<i32>} : memref<80x256xf32, #tpu.memory_space<vmem>>, vector<16xf32>,
      %max3A_293 = arith.maximumf %scan3A_231, %get3A_292 : vector<16xf32>
      scf.yield %max3A, %max3A_237, %max3A_241, %max3A_245, %max3A_249, %max3A_253, %max3A_257, %max3A_261, %max3A_265, %max3A_269, %max3A_273, %max3A_277, %max3A_281, %max3A_285, %max3A_289, %max3A_293 : vector<16xf32>, vector<16xf32>, vector<16xf32>, vector<16xf32>, vector<16xf32>, vector<16xf32>, vector<16xf32>, vector<16xf32>, vector<16xf32>, vector<16xf32>, vector<16xf32>, vector<16xf32>, vector<16xf32>, vector<16xf32>, vector<16xf32>, vector<16xf32>
    }
    %scan3A_80 = arith.constant 80 : i32
    %broadcast_in_dim3A_81 = arith.constant 0.000000e+00 : f32
    %broadcast_in_dim3A_82 = vector.broadcast %broadcast_in_dim3A_81 : f32 to vector<16xf32>
    %broadcast_in_dim3A_83 = arith.constant 0.000000e+00 : f32
    %broadcast_in_dim3A_84 = vector.broadcast %broadcast_in_dim3A_83 : f32 to vector<16xf32>
    %broadcast_in_dim3A_85 = arith.constant 0.000000e+00 : f32
    %broadcast_in_dim3A_86 = vector.broadcast %broadcast_in_dim3A_85 : f32 to vector<16xf32>
    %broadcast_in_dim3A_87 = arith.constant 0.000000e+00 : f32
    %broadcast_in_dim3A_88 = vector.broadcast %broadcast_in_dim3A_87 : f32 to vector<16xf32>
    %broadcast_in_dim3A_89 = arith.constant 0.000000e+00 : f32
    %broadcast_in_dim3A_90 = vector.broadcast %broadcast_in_dim3A_89 : f32 to vector<16xf32>
    %broadcast_in_dim3A_91 = arith.constant 0.000000e+00 : f32
    %broadcast_in_dim3A_92 = vector.broadcast %broadcast_in_dim3A_91 : f32 to vector<16xf32>
    %broadcast_in_dim3A_93 = arith.constant 0.000000e+00 : f32
    %broadcast_in_dim3A_94 = vector.broadcast %broadcast_in_dim3A_93 : f32 to vector<16xf32>
    %broadcast_in_dim3A_95 = arith.constant 0.000000e+00 : f32
    %broadcast_in_dim3A_96 = vector.broadcast %broadcast_in_dim3A_95 : f32 to vector<16xf32>
    %broadcast_in_dim3A_97 = arith.constant 0.000000e+00 : f32
    %broadcast_in_dim3A_98 = vector.broadcast %broadcast_in_dim3A_97 : f32 to vector<16xf32>
    %broadcast_in_dim3A_99 = arith.constant 0.000000e+00 : f32
    %broadcast_in_dim3A_100 = vector.broadcast %broadcast_in_dim3A_99 : f32 to vector<16xf32>
    %broadcast_in_dim3A_101 = arith.constant 0.000000e+00 : f32
    %broadcast_in_dim3A_102 = vector.broadcast %broadcast_in_dim3A_101 : f32 to vector<16xf32>
    %broadcast_in_dim3A_103 = arith.constant 0.000000e+00 : f32
    %broadcast_in_dim3A_104 = vector.broadcast %broadcast_in_dim3A_103 : f32 to vector<16xf32>
    %broadcast_in_dim3A_105 = arith.constant 0.000000e+00 : f32
    %broadcast_in_dim3A_106 = vector.broadcast %broadcast_in_dim3A_105 : f32 to vector<16xf32>
    %broadcast_in_dim3A_107 = arith.constant 0.000000e+00 : f32
    %broadcast_in_dim3A_108 = vector.broadcast %broadcast_in_dim3A_107 : f32 to vector<16xf32>
    %broadcast_in_dim3A_109 = arith.constant 0.000000e+00 : f32
    %broadcast_in_dim3A_110 = vector.broadcast %broadcast_in_dim3A_109 : f32 to vector<16xf32>
    %broadcast_in_dim3A_111 = arith.constant 0.000000e+00 : f32
    %broadcast_in_dim3A_112 = vector.broadcast %broadcast_in_dim3A_111 : f32 to vector<16xf32>
    %scan3A_113 = arith.constant 0 : i32
    %scan3A_114 = arith.constant 80 : i32
    %scan3A_115 = arith.addi %scan3A_113, %scan3A_114 : i32
    %scan3A_116 = arith.constant 1 : i32
    %scan3A_117:16 = scf.for %scan3A_215 = %scan3A_113 to %scan3A_115 step %scan3A_116 iter_args(%scan3A_216 = %broadcast_in_dim3A_82, %scan3A_217 = %broadcast_in_dim3A_84, %scan3A_218 = %broadcast_in_dim3A_86, %scan3A_219 = %broadcast_in_dim3A_88, %scan3A_220 = %broadcast_in_dim3A_90, %scan3A_221 = %broadcast_in_dim3A_92, %scan3A_222 = %broadcast_in_dim3A_94, %scan3A_223 = %broadcast_in_dim3A_96, %scan3A_224 = %broadcast_in_dim3A_98, %scan3A_225 = %broadcast_in_dim3A_100, %scan3A_226 = %broadcast_in_dim3A_102, %scan3A_227 = %broadcast_in_dim3A_104, %scan3A_228 = %broadcast_in_dim3A_106, %scan3A_229 = %broadcast_in_dim3A_108, %scan3A_230 = %broadcast_in_dim3A_110, %scan3A_231 = %broadcast_in_dim3A_112) -> (vector<16xf32>, vector<16xf32>, vector<16xf32>, vector<16xf32>, vector<16xf32>, vector<16xf32>, vector<16xf32>, vector<16xf32>, vector<16xf32>, vector<16xf32>, vector<16xf32>, vector<16xf32>, vector<16xf32>, vector<16xf32>, vector<16xf32>, vector<16xf32>)  : i32 {
      %get3A = arith.index_cast %scan3A_215 : i32 to index
      %get3A_232 = arith.constant 0 : index
      %get3A_233 = tpu.vector_load %arg14[%get3A, %get3A_232] {strides = array<i32>} : memref<80x256xf32, #tpu.memory_space<vmem>>, vector<16xf32>,
      %sub3A_234 = arith.subf %get3A_233, %scan3A_79#0 : vector<16xf32>
      %exp3A = math.exp %sub3A_234 : vector<16xf32>
      %swap3A = arith.index_cast %scan3A_215 : i32 to index
      %swap3A_235 = arith.constant 0 : index
      %swap3A_236 = tpu.vector_load %arg14[%swap3A, %swap3A_235] {strides = array<i32>} : memref<80x256xf32, #tpu.memory_space<vmem>>, vector<16xf32>,
      tpu.vector_store %arg14[%swap3A, %swap3A_235], %exp3A {strides = array<i32>} : memref<80x256xf32, #tpu.memory_space<vmem>>, vector<16xf32>,
      %add3A_237 = arith.addf %scan3A_216, %exp3A : vector<16xf32>
      %get3A_238 = arith.index_cast %scan3A_215 : i32 to index
      %get3A_239 = arith.constant 16 : index
      %get3A_240 = tpu.vector_load %arg14[%get3A_238, %get3A_239] {strides = array<i32>} : memref<80x256xf32, #tpu.memory_space<vmem>>, vector<16xf32>,
      %sub3A_241 = arith.subf %get3A_240, %scan3A_79#1 : vector<16xf32>
      %exp3A_242 = math.exp %sub3A_241 : vector<16xf32>
      %swap3A_243 = arith.index_cast %scan3A_215 : i32 to index
      %swap3A_244 = arith.constant 16 : index
      %swap3A_245 = tpu.vector_load %arg14[%swap3A_243, %swap3A_244] {strides = array<i32>} : memref<80x256xf32, #tpu.memory_space<vmem>>, vector<16xf32>,
      tpu.vector_store %arg14[%swap3A_243, %swap3A_244], %exp3A_242 {strides = array<i32>} : memref<80x256xf32, #tpu.memory_space<vmem>>, vector<16xf32>,
      %add3A_246 = arith.addf %scan3A_217, %exp3A_242 : vector<16xf32>
      %get3A_247 = arith.index_cast %scan3A_215 : i32 to index
      %get3A_248 = arith.constant 32 : index
      %get3A_249 = tpu.vector_load %arg14[%get3A_247, %get3A_248] {strides = array<i32>} : memref<80x256xf32, #tpu.memory_space<vmem>>, vector<16xf32>,
      %sub3A_250 = arith.subf %get3A_249, %scan3A_79#2 : vector<16xf32>
      %exp3A_251 = math.exp %sub3A_250 : vector<16xf32>
      %swap3A_252 = arith.index_cast %scan3A_215 : i32 to index
      %swap3A_253 = arith.constant 32 : index
      %swap3A_254 = tpu.vector_load %arg14[%swap3A_252, %swap3A_253] {strides = array<i32>} : memref<80x256xf32, #tpu.memory_space<vmem>>, vector<16xf32>,
      tpu.vector_store %arg14[%swap3A_252, %swap3A_253], %exp3A_251 {strides = array<i32>} : memref<80x256xf32, #tpu.memory_space<vmem>>, vector<16xf32>,
      %add3A_255 = arith.addf %scan3A_218, %exp3A_251 : vector<16xf32>
      %get3A_256 = arith.index_cast %scan3A_215 : i32 to index
      %get3A_257 = arith.constant 48 : index
      %get3A_258 = tpu.vector_load %arg14[%get3A_256, %get3A_257] {strides = array<i32>} : memref<80x256xf32, #tpu.memory_space<vmem>>, vector<16xf32>,
      %sub3A_259 = arith.subf %get3A_258, %scan3A_79#3 : vector<16xf32>
      %exp3A_260 = math.exp %sub3A_259 : vector<16xf32>
      %swap3A_261 = arith.index_cast %scan3A_215 : i32 to index
      %swap3A_262 = arith.constant 48 : index
      %swap3A_263 = tpu.vector_load %arg14[%swap3A_261, %swap3A_262] {strides = array<i32>} : memref<80x256xf32, #tpu.memory_space<vmem>>, vector<16xf32>,
      tpu.vector_store %arg14[%swap3A_261, %swap3A_262], %exp3A_260 {strides = array<i32>} : memref<80x256xf32, #tpu.memory_space<vmem>>, vector<16xf32>,
      %add3A_264 = arith.addf %scan3A_219, %exp3A_260 : vector<16xf32>
      %get3A_265 = arith.index_cast %scan3A_215 : i32 to index
      %get3A_266 = arith.constant 64 : index
      %get3A_267 = tpu.vector_load %arg14[%get3A_265, %get3A_266] {strides = array<i32>} : memref<80x256xf32, #tpu.memory_space<vmem>>, vector<16xf32>,
      %sub3A_268 = arith.subf %get3A_267, %scan3A_79#4 : vector<16xf32>
      %exp3A_269 = math.exp %sub3A_268 : vector<16xf32>
      %swap3A_270 = arith.index_cast %scan3A_215 : i32 to index
      %swap3A_271 = arith.constant 64 : index
      %swap3A_272 = tpu.vector_load %arg14[%swap3A_270, %swap3A_271] {strides = array<i32>} : memref<80x256xf32, #tpu.memory_space<vmem>>, vector<16xf32>,
      tpu.vector_store %arg14[%swap3A_270, %swap3A_271], %exp3A_269 {strides = array<i32>} : memref<80x256xf32, #tpu.memory_space<vmem>>, vector<16xf32>,
      %add3A_273 = arith.addf %scan3A_220, %exp3A_269 : vector<16xf32>
      %get3A_274 = arith.index_cast %scan3A_215 : i32 to index
      %get3A_275 = arith.constant 80 : index
      %get3A_276 = tpu.vector_load %arg14[%get3A_274, %get3A_275] {strides = array<i32>} : memref<80x256xf32, #tpu.memory_space<vmem>>, vector<16xf32>,
      %sub3A_277 = arith.subf %get3A_276, %scan3A_79#5 : vector<16xf32>
      %exp3A_278 = math.exp %sub3A_277 : vector<16xf32>
      %swap3A_279 = arith.index_cast %scan3A_215 : i32 to index
      %swap3A_280 = arith.constant 80 : index
      %swap3A_281 = tpu.vector_load %arg14[%swap3A_279, %swap3A_280] {strides = array<i32>} : memref<80x256xf32, #tpu.memory_space<vmem>>, vector<16xf32>,
      tpu.vector_store %arg14[%swap3A_279, %swap3A_280], %exp3A_278 {strides = array<i32>} : memref<80x256xf32, #tpu.memory_space<vmem>>, vector<16xf32>,
      %add3A_282 = arith.addf %scan3A_221, %exp3A_278 : vector<16xf32>
      %get3A_283 = arith.index_cast %scan3A_215 : i32 to index
      %get3A_284 = arith.constant 96 : index
      %get3A_285 = tpu.vector_load %arg14[%get3A_283, %get3A_284] {strides = array<i32>} : memref<80x256xf32, #tpu.memory_space<vmem>>, vector<16xf32>,
      %sub3A_286 = arith.subf %get3A_285, %scan3A_79#6 : vector<16xf32>
      %exp3A_287 = math.exp %sub3A_286 : vector<16xf32>
      %swap3A_288 = arith.index_cast %scan3A_215 : i32 to index
      %swap3A_289 = arith.constant 96 : index
      %swap3A_290 = tpu.vector_load %arg14[%swap3A_288, %swap3A_289] {strides = array<i32>} : memref<80x256xf32, #tpu.memory_space<vmem>>, vector<16xf32>,
      tpu.vector_store %arg14[%swap3A_288, %swap3A_289], %exp3A_287 {strides = array<i32>} : memref<80x256xf32, #tpu.memory_space<vmem>>, vector<16xf32>,
      %add3A_291 = arith.addf %scan3A_222, %exp3A_287 : vector<16xf32>
      %get3A_292 = arith.index_cast %scan3A_215 : i32 to index
      %get3A_293 = arith.constant 112 : index
      %get3A_294 = tpu.vector_load %arg14[%get3A_292, %get3A_293] {strides = array<i32>} : memref<80x256xf32, #tpu.memory_space<vmem>>, vector<16xf32>,
      %sub3A_295 = arith.subf %get3A_294, %scan3A_79#7 : vector<16xf32>
      %exp3A_296 = math.exp %sub3A_295 : vector<16xf32>
      %swap3A_297 = arith.index_cast %scan3A_215 : i32 to index
      %swap3A_298 = arith.constant 112 : index
      %swap3A_299 = tpu.vector_load %arg14[%swap3A_297, %swap3A_298] {strides = array<i32>} : memref<80x256xf32, #tpu.memory_space<vmem>>, vector<16xf32>,
      tpu.vector_store %arg14[%swap3A_297, %swap3A_298], %exp3A_296 {strides = array<i32>} : memref<80x256xf32, #tpu.memory_space<vmem>>, vector<16xf32>,
      %add3A_300 = arith.addf %scan3A_223, %exp3A_296 : vector<16xf32>
      %get3A_301 = arith.index_cast %scan3A_215 : i32 to index
      %get3A_302 = arith.constant 128 : index
      %get3A_303 = tpu.vector_load %arg14[%get3A_301, %get3A_302] {strides = array<i32>} : memref<80x256xf32, #tpu.memory_space<vmem>>, vector<16xf32>,
      %sub3A_304 = arith.subf %get3A_303, %scan3A_79#8 : vector<16xf32>
      %exp3A_305 = math.exp %sub3A_304 : vector<16xf32>
      %swap3A_306 = arith.index_cast %scan3A_215 : i32 to index
      %swap3A_307 = arith.constant 128 : index
      %swap3A_308 = tpu.vector_load %arg14[%swap3A_306, %swap3A_307] {strides = array<i32>} : memref<80x256xf32, #tpu.memory_space<vmem>>, vector<16xf32>,
      tpu.vector_store %arg14[%swap3A_306, %swap3A_307], %exp3A_305 {strides = array<i32>} : memref<80x256xf32, #tpu.memory_space<vmem>>, vector<16xf32>,
      %add3A_309 = arith.addf %scan3A_224, %exp3A_305 : vector<16xf32>
      %get3A_310 = arith.index_cast %scan3A_215 : i32 to index
      %get3A_311 = arith.constant 144 : index
      %get3A_312 = tpu.vector_load %arg14[%get3A_310, %get3A_311] {strides = array<i32>} : memref<80x256xf32, #tpu.memory_space<vmem>>, vector<16xf32>,
      %sub3A_313 = arith.subf %get3A_312, %scan3A_79#9 : vector<16xf32>
      %exp3A_314 = math.exp %sub3A_313 : vector<16xf32>
      %swap3A_315 = arith.index_cast %scan3A_215 : i32 to index
      %swap3A_316 = arith.constant 144 : index
      %swap3A_317 = tpu.vector_load %arg14[%swap3A_315, %swap3A_316] {strides = array<i32>} : memref<80x256xf32, #tpu.memory_space<vmem>>, vector<16xf32>,
      tpu.vector_store %arg14[%swap3A_315, %swap3A_316], %exp3A_314 {strides = array<i32>} : memref<80x256xf32, #tpu.memory_space<vmem>>, vector<16xf32>,
      %add3A_318 = arith.addf %scan3A_225, %exp3A_314 : vector<16xf32>
      %get3A_319 = arith.index_cast %scan3A_215 : i32 to index
      %get3A_320 = arith.constant 160 : index
      %get3A_321 = tpu.vector_load %arg14[%get3A_319, %get3A_320] {strides = array<i32>} : memref<80x256xf32, #tpu.memory_space<vmem>>, vector<16xf32>,
      %sub3A_322 = arith.subf %get3A_321, %scan3A_79#10 : vector<16xf32>
      %exp3A_323 = math.exp %sub3A_322 : vector<16xf32>
      %swap3A_324 = arith.index_cast %scan3A_215 : i32 to index
      %swap3A_325 = arith.constant 160 : index
      %swap3A_326 = tpu.vector_load %arg14[%swap3A_324, %swap3A_325] {strides = array<i32>} : memref<80x256xf32, #tpu.memory_space<vmem>>, vector<16xf32>,
      tpu.vector_store %arg14[%swap3A_324, %swap3A_325], %exp3A_323 {strides = array<i32>} : memref<80x256xf32, #tpu.memory_space<vmem>>, vector<16xf32>,
      %add3A_327 = arith.addf %scan3A_226, %exp3A_323 : vector<16xf32>
      %get3A_328 = arith.index_cast %scan3A_215 : i32 to index
      %get3A_329 = arith.constant 176 : index
      %get3A_330 = tpu.vector_load %arg14[%get3A_328, %get3A_329] {strides = array<i32>} : memref<80x256xf32, #tpu.memory_space<vmem>>, vector<16xf32>,
      %sub3A_331 = arith.subf %get3A_330, %scan3A_79#11 : vector<16xf32>
      %exp3A_332 = math.exp %sub3A_331 : vector<16xf32>
      %swap3A_333 = arith.index_cast %scan3A_215 : i32 to index
      %swap3A_334 = arith.constant 176 : index
      %swap3A_335 = tpu.vector_load %arg14[%swap3A_333, %swap3A_334] {strides = array<i32>} : memref<80x256xf32, #tpu.memory_space<vmem>>, vector<16xf32>,
      tpu.vector_store %arg14[%swap3A_333, %swap3A_334], %exp3A_332 {strides = array<i32>} : memref<80x256xf32, #tpu.memory_space<vmem>>, vector<16xf32>,
      %add3A_336 = arith.addf %scan3A_227, %exp3A_332 : vector<16xf32>
      %get3A_337 = arith.index_cast %scan3A_215 : i32 to index
      %get3A_338 = arith.constant 192 : index
      %get3A_339 = tpu.vector_load %arg14[%get3A_337, %get3A_338] {strides = array<i32>} : memref<80x256xf32, #tpu.memory_space<vmem>>, vector<16xf32>,
      %sub3A_340 = arith.subf %get3A_339, %scan3A_79#12 : vector<16xf32>
      %exp3A_341 = math.exp %sub3A_340 : vector<16xf32>
      %swap3A_342 = arith.index_cast %scan3A_215 : i32 to index
      %swap3A_343 = arith.constant 192 : index
      %swap3A_344 = tpu.vector_load %arg14[%swap3A_342, %swap3A_343] {strides = array<i32>} : memref<80x256xf32, #tpu.memory_space<vmem>>, vector<16xf32>,
      tpu.vector_store %arg14[%swap3A_342, %swap3A_343], %exp3A_341 {strides = array<i32>} : memref<80x256xf32, #tpu.memory_space<vmem>>, vector<16xf32>,
      %add3A_345 = arith.addf %scan3A_228, %exp3A_341 : vector<16xf32>
      %get3A_346 = arith.index_cast %scan3A_215 : i32 to index
      %get3A_347 = arith.constant 208 : index
      %get3A_348 = tpu.vector_load %arg14[%get3A_346, %get3A_347] {strides = array<i32>} : memref<80x256xf32, #tpu.memory_space<vmem>>, vector<16xf32>,
      %sub3A_349 = arith.subf %get3A_348, %scan3A_79#13 : vector<16xf32>
      %exp3A_350 = math.exp %sub3A_349 : vector<16xf32>
      %swap3A_351 = arith.index_cast %scan3A_215 : i32 to index
      %swap3A_352 = arith.constant 208 : index
      %swap3A_353 = tpu.vector_load %arg14[%swap3A_351, %swap3A_352] {strides = array<i32>} : memref<80x256xf32, #tpu.memory_space<vmem>>, vector<16xf32>,
      tpu.vector_store %arg14[%swap3A_351, %swap3A_352], %exp3A_350 {strides = array<i32>} : memref<80x256xf32, #tpu.memory_space<vmem>>, vector<16xf32>,
      %add3A_354 = arith.addf %scan3A_229, %exp3A_350 : vector<16xf32>
      %get3A_355 = arith.index_cast %scan3A_215 : i32 to index
      %get3A_356 = arith.constant 224 : index
      %get3A_357 = tpu.vector_load %arg14[%get3A_355, %get3A_356] {strides = array<i32>} : memref<80x256xf32, #tpu.memory_space<vmem>>, vector<16xf32>,
      %sub3A_358 = arith.subf %get3A_357, %scan3A_79#14 : vector<16xf32>
      %exp3A_359 = math.exp %sub3A_358 : vector<16xf32>
      %swap3A_360 = arith.index_cast %scan3A_215 : i32 to index
      %swap3A_361 = arith.constant 224 : index
      %swap3A_362 = tpu.vector_load %arg14[%swap3A_360, %swap3A_361] {strides = array<i32>} : memref<80x256xf32, #tpu.memory_space<vmem>>, vector<16xf32>,
      tpu.vector_store %arg14[%swap3A_360, %swap3A_361], %exp3A_359 {strides = array<i32>} : memref<80x256xf32, #tpu.memory_space<vmem>>, vector<16xf32>,
      %add3A_363 = arith.addf %scan3A_230, %exp3A_359 : vector<16xf32>
      %get3A_364 = arith.index_cast %scan3A_215 : i32 to index
      %get3A_365 = arith.constant 240 : index
      %get3A_366 = tpu.vector_load %arg14[%get3A_364, %get3A_365] {strides = array<i32>} : memref<80x256xf32, #tpu.memory_space<vmem>>, vector<16xf32>,
      %sub3A_367 = arith.subf %get3A_366, %scan3A_79#15 : vector<16xf32>
      %exp3A_368 = math.exp %sub3A_367 : vector<16xf32>
      %swap3A_369 = arith.index_cast %scan3A_215 : i32 to index
      %swap3A_370 = arith.constant 240 : index
      %swap3A_371 = tpu.vector_load %arg14[%swap3A_369, %swap3A_370] {strides = array<i32>} : memref<80x256xf32, #tpu.memory_space<vmem>>, vector<16xf32>,
      tpu.vector_store %arg14[%swap3A_369, %swap3A_370], %exp3A_368 {strides = array<i32>} : memref<80x256xf32, #tpu.memory_space<vmem>>, vector<16xf32>,
      %add3A_372 = arith.addf %scan3A_231, %exp3A_368 : vector<16xf32>
      scf.yield %add3A_237, %add3A_246, %add3A_255, %add3A_264, %add3A_273, %add3A_282, %add3A_291, %add3A_300, %add3A_309, %add3A_318, %add3A_327, %add3A_336, %add3A_345, %add3A_354, %add3A_363, %add3A_372 : vector<16xf32>, vector<16xf32>, vector<16xf32>, vector<16xf32>, vector<16xf32>, vector<16xf32>, vector<16xf32>, vector<16xf32>, vector<16xf32>, vector<16xf32>, vector<16xf32>, vector<16xf32>, vector<16xf32>, vector<16xf32>, vector<16xf32>, vector<16xf32>
    }
    %scan3A_118 = arith.constant 80 : i32
    %scan3A_119 = arith.constant 0 : i32
    %scan3A_120 = arith.constant 0 : i32
    %scan3A_121 = arith.constant 80 : i32
    %scan3A_122 = arith.addi %scan3A_120, %scan3A_121 : i32
    %scan3A_123 = arith.constant 1 : i32
    %scan3A_124 = scf.for %scan3A_215 = %scan3A_120 to %scan3A_122 step %scan3A_123 iter_args(%scan3A_216 = %scan3A_119) -> (i32)  : i32 {
      %get3A = arith.index_cast %scan3A_215 : i32 to index
      %get3A_217 = arith.constant 0 : index
      %get3A_218 = tpu.vector_load %arg14[%get3A, %get3A_217] {strides = array<i32>} : memref<80x256xf32, #tpu.memory_space<vmem>>, vector<16xf32>,
      %div3A_219 = arith.divf %get3A_218, %scan3A_117#0 : vector<16xf32>
      %swap3A = arith.index_cast %scan3A_215 : i32 to index
      %swap3A_220 = arith.constant 0 : index
      %swap3A_221 = tpu.vector_load %arg14[%swap3A, %swap3A_220] {strides = array<i32>} : memref<80x256xf32, #tpu.memory_space<vmem>>, vector<16xf32>,
      tpu.vector_store %arg14[%swap3A, %swap3A_220], %div3A_219 {strides = array<i32>} : memref<80x256xf32, #tpu.memory_space<vmem>>, vector<16xf32>,
      %get3A_222 = arith.index_cast %scan3A_215 : i32 to index
      %get3A_223 = arith.constant 16 : index
      %get3A_224 = tpu.vector_load %arg14[%get3A_222, %get3A_223] {strides = array<i32>} : memref<80x256xf32, #tpu.memory_space<vmem>>, vector<16xf32>,
      %div3A_225 = arith.divf %get3A_224, %scan3A_117#1 : vector<16xf32>
      %swap3A_226 = arith.index_cast %scan3A_215 : i32 to index
      %swap3A_227 = arith.constant 16 : index
      %swap3A_228 = tpu.vector_load %arg14[%swap3A_226, %swap3A_227] {strides = array<i32>} : memref<80x256xf32, #tpu.memory_space<vmem>>, vector<16xf32>,
      tpu.vector_store %arg14[%swap3A_226, %swap3A_227], %div3A_225 {strides = array<i32>} : memref<80x256xf32, #tpu.memory_space<vmem>>, vector<16xf32>,
      %get3A_229 = arith.index_cast %scan3A_215 : i32 to index
      %get3A_230 = arith.constant 32 : index
      %get3A_231 = tpu.vector_load %arg14[%get3A_229, %get3A_230] {strides = array<i32>} : memref<80x256xf32, #tpu.memory_space<vmem>>, vector<16xf32>,
      %div3A_232 = arith.divf %get3A_231, %scan3A_117#2 : vector<16xf32>
      %swap3A_233 = arith.index_cast %scan3A_215 : i32 to index
      %swap3A_234 = arith.constant 32 : index
      %swap3A_235 = tpu.vector_load %arg14[%swap3A_233, %swap3A_234] {strides = array<i32>} : memref<80x256xf32, #tpu.memory_space<vmem>>, vector<16xf32>,
      tpu.vector_store %arg14[%swap3A_233, %swap3A_234], %div3A_232 {strides = array<i32>} : memref<80x256xf32, #tpu.memory_space<vmem>>, vector<16xf32>,
      %get3A_236 = arith.index_cast %scan3A_215 : i32 to index
      %get3A_237 = arith.constant 48 : index
      %get3A_238 = tpu.vector_load %arg14[%get3A_236, %get3A_237] {strides = array<i32>} : memref<80x256xf32, #tpu.memory_space<vmem>>, vector<16xf32>,
      %div3A_239 = arith.divf %get3A_238, %scan3A_117#3 : vector<16xf32>
      %swap3A_240 = arith.index_cast %scan3A_215 : i32 to index
      %swap3A_241 = arith.constant 48 : index
      %swap3A_242 = tpu.vector_load %arg14[%swap3A_240, %swap3A_241] {strides = array<i32>} : memref<80x256xf32, #tpu.memory_space<vmem>>, vector<16xf32>,
      tpu.vector_store %arg14[%swap3A_240, %swap3A_241], %div3A_239 {strides = array<i32>} : memref<80x256xf32, #tpu.memory_space<vmem>>, vector<16xf32>,
      %get3A_243 = arith.index_cast %scan3A_215 : i32 to index
      %get3A_244 = arith.constant 64 : index
      %get3A_245 = tpu.vector_load %arg14[%get3A_243, %get3A_244] {strides = array<i32>} : memref<80x256xf32, #tpu.memory_space<vmem>>, vector<16xf32>,
      %div3A_246 = arith.divf %get3A_245, %scan3A_117#4 : vector<16xf32>
      %swap3A_247 = arith.index_cast %scan3A_215 : i32 to index
      %swap3A_248 = arith.constant 64 : index
      %swap3A_249 = tpu.vector_load %arg14[%swap3A_247, %swap3A_248] {strides = array<i32>} : memref<80x256xf32, #tpu.memory_space<vmem>>, vector<16xf32>,
      tpu.vector_store %arg14[%swap3A_247, %swap3A_248], %div3A_246 {strides = array<i32>} : memref<80x256xf32, #tpu.memory_space<vmem>>, vector<16xf32>,
      %get3A_250 = arith.index_cast %scan3A_215 : i32 to index
      %get3A_251 = arith.constant 80 : index
      %get3A_252 = tpu.vector_load %arg14[%get3A_250, %get3A_251] {strides = array<i32>} : memref<80x256xf32, #tpu.memory_space<vmem>>, vector<16xf32>,
      %div3A_253 = arith.divf %get3A_252, %scan3A_117#5 : vector<16xf32>
      %swap3A_254 = arith.index_cast %scan3A_215 : i32 to index
      %swap3A_255 = arith.constant 80 : index
      %swap3A_256 = tpu.vector_load %arg14[%swap3A_254, %swap3A_255] {strides = array<i32>} : memref<80x256xf32, #tpu.memory_space<vmem>>, vector<16xf32>,
      tpu.vector_store %arg14[%swap3A_254, %swap3A_255], %div3A_253 {strides = array<i32>} : memref<80x256xf32, #tpu.memory_space<vmem>>, vector<16xf32>,
      %get3A_257 = arith.index_cast %scan3A_215 : i32 to index
      %get3A_258 = arith.constant 96 : index
      %get3A_259 = tpu.vector_load %arg14[%get3A_257, %get3A_258] {strides = array<i32>} : memref<80x256xf32, #tpu.memory_space<vmem>>, vector<16xf32>,
      %div3A_260 = arith.divf %get3A_259, %scan3A_117#6 : vector<16xf32>
      %swap3A_261 = arith.index_cast %scan3A_215 : i32 to index
      %swap3A_262 = arith.constant 96 : index
      %swap3A_263 = tpu.vector_load %arg14[%swap3A_261, %swap3A_262] {strides = array<i32>} : memref<80x256xf32, #tpu.memory_space<vmem>>, vector<16xf32>,
      tpu.vector_store %arg14[%swap3A_261, %swap3A_262], %div3A_260 {strides = array<i32>} : memref<80x256xf32, #tpu.memory_space<vmem>>, vector<16xf32>,
      %get3A_264 = arith.index_cast %scan3A_215 : i32 to index
      %get3A_265 = arith.constant 112 : index
      %get3A_266 = tpu.vector_load %arg14[%get3A_264, %get3A_265] {strides = array<i32>} : memref<80x256xf32, #tpu.memory_space<vmem>>, vector<16xf32>,
      %div3A_267 = arith.divf %get3A_266, %scan3A_117#7 : vector<16xf32>
      %swap3A_268 = arith.index_cast %scan3A_215 : i32 to index
      %swap3A_269 = arith.constant 112 : index
      %swap3A_270 = tpu.vector_load %arg14[%swap3A_268, %swap3A_269] {strides = array<i32>} : memref<80x256xf32, #tpu.memory_space<vmem>>, vector<16xf32>,
      tpu.vector_store %arg14[%swap3A_268, %swap3A_269], %div3A_267 {strides = array<i32>} : memref<80x256xf32, #tpu.memory_space<vmem>>, vector<16xf32>,
      %get3A_271 = arith.index_cast %scan3A_215 : i32 to index
      %get3A_272 = arith.constant 128 : index
      %get3A_273 = tpu.vector_load %arg14[%get3A_271, %get3A_272] {strides = array<i32>} : memref<80x256xf32, #tpu.memory_space<vmem>>, vector<16xf32>,
      %div3A_274 = arith.divf %get3A_273, %scan3A_117#8 : vector<16xf32>
      %swap3A_275 = arith.index_cast %scan3A_215 : i32 to index
      %swap3A_276 = arith.constant 128 : index
      %swap3A_277 = tpu.vector_load %arg14[%swap3A_275, %swap3A_276] {strides = array<i32>} : memref<80x256xf32, #tpu.memory_space<vmem>>, vector<16xf32>,
      tpu.vector_store %arg14[%swap3A_275, %swap3A_276], %div3A_274 {strides = array<i32>} : memref<80x256xf32, #tpu.memory_space<vmem>>, vector<16xf32>,
      %get3A_278 = arith.index_cast %scan3A_215 : i32 to index
      %get3A_279 = arith.constant 144 : index
      %get3A_280 = tpu.vector_load %arg14[%get3A_278, %get3A_279] {strides = array<i32>} : memref<80x256xf32, #tpu.memory_space<vmem>>, vector<16xf32>,
      %div3A_281 = arith.divf %get3A_280, %scan3A_117#9 : vector<16xf32>
      %swap3A_282 = arith.index_cast %scan3A_215 : i32 to index
      %swap3A_283 = arith.constant 144 : index
      %swap3A_284 = tpu.vector_load %arg14[%swap3A_282, %swap3A_283] {strides = array<i32>} : memref<80x256xf32, #tpu.memory_space<vmem>>, vector<16xf32>,
      tpu.vector_store %arg14[%swap3A_282, %swap3A_283], %div3A_281 {strides = array<i32>} : memref<80x256xf32, #tpu.memory_space<vmem>>, vector<16xf32>,
      %get3A_285 = arith.index_cast %scan3A_215 : i32 to index
      %get3A_286 = arith.constant 160 : index
      %get3A_287 = tpu.vector_load %arg14[%get3A_285, %get3A_286] {strides = array<i32>} : memref<80x256xf32, #tpu.memory_space<vmem>>, vector<16xf32>,
      %div3A_288 = arith.divf %get3A_287, %scan3A_117#10 : vector<16xf32>
      %swap3A_289 = arith.index_cast %scan3A_215 : i32 to index
      %swap3A_290 = arith.constant 160 : index
      %swap3A_291 = tpu.vector_load %arg14[%swap3A_289, %swap3A_290] {strides = array<i32>} : memref<80x256xf32, #tpu.memory_space<vmem>>, vector<16xf32>,
      tpu.vector_store %arg14[%swap3A_289, %swap3A_290], %div3A_288 {strides = array<i32>} : memref<80x256xf32, #tpu.memory_space<vmem>>, vector<16xf32>,
      %get3A_292 = arith.index_cast %scan3A_215 : i32 to index
      %get3A_293 = arith.constant 176 : index
      %get3A_294 = tpu.vector_load %arg14[%get3A_292, %get3A_293] {strides = array<i32>} : memref<80x256xf32, #tpu.memory_space<vmem>>, vector<16xf32>,
      %div3A_295 = arith.divf %get3A_294, %scan3A_117#11 : vector<16xf32>
      %swap3A_296 = arith.index_cast %scan3A_215 : i32 to index
      %swap3A_297 = arith.constant 176 : index
      %swap3A_298 = tpu.vector_load %arg14[%swap3A_296, %swap3A_297] {strides = array<i32>} : memref<80x256xf32, #tpu.memory_space<vmem>>, vector<16xf32>,
      tpu.vector_store %arg14[%swap3A_296, %swap3A_297], %div3A_295 {strides = array<i32>} : memref<80x256xf32, #tpu.memory_space<vmem>>, vector<16xf32>,
      %get3A_299 = arith.index_cast %scan3A_215 : i32 to index
      %get3A_300 = arith.constant 192 : index
      %get3A_301 = tpu.vector_load %arg14[%get3A_299, %get3A_300] {strides = array<i32>} : memref<80x256xf32, #tpu.memory_space<vmem>>, vector<16xf32>,
      %div3A_302 = arith.divf %get3A_301, %scan3A_117#12 : vector<16xf32>
      %swap3A_303 = arith.index_cast %scan3A_215 : i32 to index
      %swap3A_304 = arith.constant 192 : index
      %swap3A_305 = tpu.vector_load %arg14[%swap3A_303, %swap3A_304] {strides = array<i32>} : memref<80x256xf32, #tpu.memory_space<vmem>>, vector<16xf32>,
      tpu.vector_store %arg14[%swap3A_303, %swap3A_304], %div3A_302 {strides = array<i32>} : memref<80x256xf32, #tpu.memory_space<vmem>>, vector<16xf32>,
      %get3A_306 = arith.index_cast %scan3A_215 : i32 to index
      %get3A_307 = arith.constant 208 : index
      %get3A_308 = tpu.vector_load %arg14[%get3A_306, %get3A_307] {strides = array<i32>} : memref<80x256xf32, #tpu.memory_space<vmem>>, vector<16xf32>,
      %div3A_309 = arith.divf %get3A_308, %scan3A_117#13 : vector<16xf32>
      %swap3A_310 = arith.index_cast %scan3A_215 : i32 to index
      %swap3A_311 = arith.constant 208 : index
      %swap3A_312 = tpu.vector_load %arg14[%swap3A_310, %swap3A_311] {strides = array<i32>} : memref<80x256xf32, #tpu.memory_space<vmem>>, vector<16xf32>,
      tpu.vector_store %arg14[%swap3A_310, %swap3A_311], %div3A_309 {strides = array<i32>} : memref<80x256xf32, #tpu.memory_space<vmem>>, vector<16xf32>,
      %get3A_313 = arith.index_cast %scan3A_215 : i32 to index
      %get3A_314 = arith.constant 224 : index
      %get3A_315 = tpu.vector_load %arg14[%get3A_313, %get3A_314] {strides = array<i32>} : memref<80x256xf32, #tpu.memory_space<vmem>>, vector<16xf32>,
      %div3A_316 = arith.divf %get3A_315, %scan3A_117#14 : vector<16xf32>
      %swap3A_317 = arith.index_cast %scan3A_215 : i32 to index
      %swap3A_318 = arith.constant 224 : index
      %swap3A_319 = tpu.vector_load %arg14[%swap3A_317, %swap3A_318] {strides = array<i32>} : memref<80x256xf32, #tpu.memory_space<vmem>>, vector<16xf32>,
      tpu.vector_store %arg14[%swap3A_317, %swap3A_318], %div3A_316 {strides = array<i32>} : memref<80x256xf32, #tpu.memory_space<vmem>>, vector<16xf32>,
      %get3A_320 = arith.index_cast %scan3A_215 : i32 to index
      %get3A_321 = arith.constant 240 : index
      %get3A_322 = tpu.vector_load %arg14[%get3A_320, %get3A_321] {strides = array<i32>} : memref<80x256xf32, #tpu.memory_space<vmem>>, vector<16xf32>,
      %div3A_323 = arith.divf %get3A_322, %scan3A_117#15 : vector<16xf32>
      %swap3A_324 = arith.index_cast %scan3A_215 : i32 to index
      %swap3A_325 = arith.constant 240 : index
      %swap3A_326 = tpu.vector_load %arg14[%swap3A_324, %swap3A_325] {strides = array<i32>} : memref<80x256xf32, #tpu.memory_space<vmem>>, vector<16xf32>,
      tpu.vector_store %arg14[%swap3A_324, %swap3A_325], %div3A_323 {strides = array<i32>} : memref<80x256xf32, #tpu.memory_space<vmem>>, vector<16xf32>,
      %mul3A_327 = arith.constant 80 : i32
      %mul3A_328 = arith.muli %select_n3A, %mul3A_327 : i32
      %add3A_329 = arith.addi %mul3A_328, %scan3A_215 : i32
      %mul3A_330 = arith.constant 256 : i32
      %mul3A_331 = arith.muli %select_n3A_31, %mul3A_330 : i32
      %dma_start3A_332 = arith.constant 0 : i32
      %dma_start3A_333 = tpu.memref_slice %arg14[%scan3A_215, %dma_start3A_332] : memref<80x256xf32, #tpu.memory_space<vmem>> -> memref<1x256xf32, #tpu.memory_space<vmem>>
      %dma_start3A_334 = tpu.memref_squeeze %dma_start3A_333 : memref<1x256xf32, #tpu.memory_space<vmem>> -> memref<256xf32, #tpu.memory_space<vmem>>
      %dma_start3A_335 = tpu.memref_slice %arg7[%add3A_329, %mul3A_331] : memref<640x1024xf32, #tpu.memory_space<hbm>> -> memref<1x256xf32, #tpu.memory_space<hbm>>
      %dma_start3A_336 = tpu.memref_squeeze %dma_start3A_335 : memref<1x256xf32, #tpu.memory_space<hbm>> -> memref<256xf32, #tpu.memory_space<hbm>>
      %dma_start3A_337 = tpu.memref_slice %arg7[%add3A_329, %mul3A_331] : memref<640x1024xf32, #tpu.memory_space<hbm>> -> memref<1x256xf32, #tpu.memory_space<hbm>>
      %dma_start3A_338 = tpu.memref_squeeze %dma_start3A_337 : memref<1x256xf32, #tpu.memory_space<hbm>> -> memref<256xf32, #tpu.memory_space<hbm>>
      %dma_start3A_339 = arith.constant 0 : i32
      %dma_start3A_340 = tpu.memref_slice %arg14[%scan3A_215, %dma_start3A_339] : memref<80x256xf32, #tpu.memory_space<vmem>> -> memref<1x256xf32, #tpu.memory_space<vmem>>
      %dma_start3A_341 = tpu.memref_squeeze %dma_start3A_340 : memref<1x256xf32, #tpu.memory_space<vmem>> -> memref<256xf32, #tpu.memory_space<vmem>>
      tpu.enqueue_dma source(%dma_start3A_341 : memref<256xf32, #tpu.memory_space<vmem>>) target(%dma_start3A_338 : memref<256xf32, #tpu.memory_space<hbm>>) target_semaphore(%arg43 : memref<!tpu.dma_semaphore, #tpu.memory_space<semaphore_mem>>)
      %scan3A_342 = arith.constant 0 : i32
      scf.yield %scan3A_342 : i32
    }
    %scan3A_125 = arith.constant 80 : i32
    %scan3A_126 = arith.constant 0 : i32
    %scan3A_127 = arith.constant 0 : i32
    %scan3A_128 = arith.constant 80 : i32
    %scan3A_129 = arith.addi %scan3A_127, %scan3A_128 : i32
    %scan3A_130 = arith.constant 1 : i32
    %scan3A_131 = scf.for %scan3A_215 = %scan3A_127 to %scan3A_129 step %scan3A_130 iter_args(%scan3A_216 = %scan3A_126) -> (i32)  : i32 {
      %mul3A_217 = arith.constant 80 : i32
      %mul3A_218 = arith.muli %select_n3A, %mul3A_217 : i32
      %add3A_219 = arith.addi %mul3A_218, %scan3A_215 : i32
      %mul3A_220 = arith.constant 256 : i32
      %mul3A_221 = arith.muli %select_n3A_31, %mul3A_220 : i32
      %dma_wait3A_222 = arith.constant 0 : i32
      %dma_wait3A_223 = tpu.memref_slice %arg14[%scan3A_215, %dma_wait3A_222] : memref<80x256xf32, #tpu.memory_space<vmem>> -> memref<1x256xf32, #tpu.memory_space<vmem>>
      %dma_wait3A_224 = tpu.memref_squeeze %dma_wait3A_223 : memref<1x256xf32, #tpu.memory_space<vmem>> -> memref<256xf32, #tpu.memory_space<vmem>>
      %dma_wait3A_225 = tpu.memref_slice %arg7[%add3A_219, %mul3A_221] : memref<640x1024xf32, #tpu.memory_space<hbm>> -> memref<1x256xf32, #tpu.memory_space<hbm>>
      %dma_wait3A_226 = tpu.memref_squeeze %dma_wait3A_225 : memref<1x256xf32, #tpu.memory_space<hbm>> -> memref<256xf32, #tpu.memory_space<hbm>>
      %dma_wait3A_227 = tpu.memref_slice %arg7[%add3A_219, %mul3A_221] : memref<640x1024xf32, #tpu.memory_space<hbm>> -> memref<1x256xf32, #tpu.memory_space<hbm>>
      %dma_wait3A_228 = tpu.memref_squeeze %dma_wait3A_227 : memref<1x256xf32, #tpu.memory_space<hbm>> -> memref<256xf32, #tpu.memory_space<hbm>>
      %dma_wait3A_229 = arith.constant 0 : i32
      %dma_wait3A_230 = tpu.memref_slice %arg14[%scan3A_215, %dma_wait3A_229] : memref<80x256xf32, #tpu.memory_space<vmem>> -> memref<1x256xf32, #tpu.memory_space<vmem>>
      %dma_wait3A_231 = tpu.memref_squeeze %dma_wait3A_230 : memref<1x256xf32, #tpu.memory_space<vmem>> -> memref<256xf32, #tpu.memory_space<vmem>>
      tpu.wait_dma2 semaphore(%arg43 : memref<!tpu.dma_semaphore, #tpu.memory_space<semaphore_mem>>) src(%dma_wait3A_231 : memref<256xf32, #tpu.memory_space<vmem>>) dst(%dma_wait3A_228 : memref<256xf32, #tpu.memory_space<hbm>>)
      %scan3A_232 = arith.constant 0 : i32
      scf.yield %scan3A_232 : i32
    }
    %scan3A_132 = arith.constant 80 : i32
    %barrier3A = arith.constant 0 : index
    tpu.barrier barrier_id(%barrier3A)
    %mul3A_133 = arith.constant 20 : i32
    %mul3A_134 = arith.muli %select_n3A_31, %mul3A_133 : i32
    %dma_start3A_135 = arith.constant 0 : i32
    %dma_start3A_136 = tpu.memref_slice %arg3[%select_n3A, %dma_start3A_135] : memref<8x1024xf32, #tpu.memory_space<hbm>> -> memref<1x1024xf32, #tpu.memory_space<hbm>>
    %dma_start3A_137 = tpu.memref_squeeze %dma_start3A_136 : memref<1x1024xf32, #tpu.memory_space<hbm>> -> memref<1024xf32, #tpu.memory_space<hbm>>
    %dma_start3A_138 = arith.constant 0 : i32
    %dma_start3A_139 = tpu.memref_slice %arg3[%select_n3A, %dma_start3A_138] : memref<8x1024xf32, #tpu.memory_space<hbm>> -> memref<1x1024xf32, #tpu.memory_space<hbm>>
    %dma_start3A_140 = tpu.memref_squeeze %dma_start3A_139 : memref<1x1024xf32, #tpu.memory_space<hbm>> -> memref<1024xf32, #tpu.memory_space<hbm>>
    tpu.enqueue_dma source(%dma_start3A_140 : memref<1024xf32, #tpu.memory_space<hbm>>) target(%arg16 : memref<1024xf32, #tpu.memory_space<vmem>>) target_semaphore(%arg38 : memref<!tpu.dma_semaphore, #tpu.memory_space<semaphore_mem>>)
    %dma_start3A_141 = arith.constant 0 : i32
    %dma_start3A_142 = tpu.memref_slice %arg4[%select_n3A, %dma_start3A_141] : memref<8x1024xf32, #tpu.memory_space<hbm>> -> memref<1x1024xf32, #tpu.memory_space<hbm>>
    %dma_start3A_143 = tpu.memref_squeeze %dma_start3A_142 : memref<1x1024xf32, #tpu.memory_space<hbm>> -> memref<1024xf32, #tpu.memory_space<hbm>>
    %dma_start3A_144 = arith.constant 0 : i32
    %dma_start3A_145 = tpu.memref_slice %arg4[%select_n3A, %dma_start3A_144] : memref<8x1024xf32, #tpu.memory_space<hbm>> -> memref<1x1024xf32, #tpu.memory_space<hbm>>
    %dma_start3A_146 = tpu.memref_squeeze %dma_start3A_145 : memref<1x1024xf32, #tpu.memory_space<hbm>> -> memref<1024xf32, #tpu.memory_space<hbm>>
    tpu.enqueue_dma source(%dma_start3A_146 : memref<1024xf32, #tpu.memory_space<hbm>>) target(%arg17 : memref<1024xf32, #tpu.memory_space<vmem>>) target_semaphore(%arg38 : memref<!tpu.dma_semaphore, #tpu.memory_space<semaphore_mem>>)
    %dma_start3A_147 = arith.constant 0 : i32
    %dma_start3A_148 = tpu.memref_slice %arg5[%select_n3A, %dma_start3A_147] : memref<8x1024xf32, #tpu.memory_space<hbm>> -> memref<1x1024xf32, #tpu.memory_space<hbm>>
    %dma_start3A_149 = tpu.memref_squeeze %dma_start3A_148 : memref<1x1024xf32, #tpu.memory_space<hbm>> -> memref<1024xf32, #tpu.memory_space<hbm>>
    %dma_start3A_150 = arith.constant 0 : i32
    %dma_start3A_151 = tpu.memref_slice %arg5[%select_n3A, %dma_start3A_150] : memref<8x1024xf32, #tpu.memory_space<hbm>> -> memref<1x1024xf32, #tpu.memory_space<hbm>>
    %dma_start3A_152 = tpu.memref_squeeze %dma_start3A_151 : memref<1x1024xf32, #tpu.memory_space<hbm>> -> memref<1024xf32, #tpu.memory_space<hbm>>
    tpu.enqueue_dma source(%dma_start3A_152 : memref<1024xf32, #tpu.memory_space<hbm>>) target(%arg18 : memref<1024xf32, #tpu.memory_space<vmem>>) target_semaphore(%arg38 : memref<!tpu.dma_semaphore, #tpu.memory_space<semaphore_mem>>)
    %dma_start3A_153 = arith.constant 0 : i32
    %dma_start3A_154 = tpu.memref_slice %arg6[%select_n3A, %dma_start3A_153] : memref<8x1024xf32, #tpu.memory_space<hbm>> -> memref<1x1024xf32, #tpu.memory_space<hbm>>
    %dma_start3A_155 = tpu.memref_squeeze %dma_start3A_154 : memref<1x1024xf32, #tpu.memory_space<hbm>> -> memref<1024xf32, #tpu.memory_space<hbm>>
    %dma_start3A_156 = arith.constant 0 : i32
    %dma_start3A_157 = tpu.memref_slice %arg6[%select_n3A, %dma_start3A_156] : memref<8x1024xf32, #tpu.memory_space<hbm>> -> memref<1x1024xf32, #tpu.memory_space<hbm>>
    %dma_start3A_158 = tpu.memref_squeeze %dma_start3A_157 : memref<1x1024xf32, #tpu.memory_space<hbm>> -> memref<1024xf32, #tpu.memory_space<hbm>>
    tpu.enqueue_dma source(%dma_start3A_158 : memref<1024xf32, #tpu.memory_space<hbm>>) target(%arg19 : memref<1024xf32, #tpu.memory_space<vmem>>) target_semaphore(%arg38 : memref<!tpu.dma_semaphore, #tpu.memory_space<semaphore_mem>>)
    %dma_wait3A_159 = arith.constant 0 : i32
    %dma_wait3A_160 = tpu.memref_slice %arg3[%select_n3A, %dma_wait3A_159] : memref<8x1024xf32, #tpu.memory_space<hbm>> -> memref<1x1024xf32, #tpu.memory_space<hbm>>
    %dma_wait3A_161 = tpu.memref_squeeze %dma_wait3A_160 : memref<1x1024xf32, #tpu.memory_space<hbm>> -> memref<1024xf32, #tpu.memory_space<hbm>>
    %dma_wait3A_162 = arith.constant 0 : i32
    %dma_wait3A_163 = tpu.memref_slice %arg3[%select_n3A, %dma_wait3A_162] : memref<8x1024xf32, #tpu.memory_space<hbm>> -> memref<1x1024xf32, #tpu.memory_space<hbm>>
    %dma_wait3A_164 = tpu.memref_squeeze %dma_wait3A_163 : memref<1x1024xf32, #tpu.memory_space<hbm>> -> memref<1024xf32, #tpu.memory_space<hbm>>
    tpu.wait_dma2 semaphore(%arg38 : memref<!tpu.dma_semaphore, #tpu.memory_space<semaphore_mem>>) src(%dma_wait3A_164 : memref<1024xf32, #tpu.memory_space<hbm>>) dst(%arg16 : memref<1024xf32, #tpu.memory_space<vmem>>)
    %dma_wait3A_165 = arith.constant 0 : i32
    %dma_wait3A_166 = tpu.memref_slice %arg4[%select_n3A, %dma_wait3A_165] : memref<8x1024xf32, #tpu.memory_space<hbm>> -> memref<1x1024xf32, #tpu.memory_space<hbm>>
    %dma_wait3A_167 = tpu.memref_squeeze %dma_wait3A_166 : memref<1x1024xf32, #tpu.memory_space<hbm>> -> memref<1024xf32, #tpu.memory_space<hbm>>
    %dma_wait3A_168 = arith.constant 0 : i32
    %dma_wait3A_169 = tpu.memref_slice %arg4[%select_n3A, %dma_wait3A_168] : memref<8x1024xf32, #tpu.memory_space<hbm>> -> memref<1x1024xf32, #tpu.memory_space<hbm>>
    %dma_wait3A_170 = tpu.memref_squeeze %dma_wait3A_169 : memref<1x1024xf32, #tpu.memory_space<hbm>> -> memref<1024xf32, #tpu.memory_space<hbm>>
    tpu.wait_dma2 semaphore(%arg38 : memref<!tpu.dma_semaphore, #tpu.memory_space<semaphore_mem>>) src(%dma_wait3A_170 : memref<1024xf32, #tpu.memory_space<hbm>>) dst(%arg17 : memref<1024xf32, #tpu.memory_space<vmem>>)
    %dma_wait3A_171 = arith.constant 0 : i32
    %dma_wait3A_172 = tpu.memref_slice %arg5[%select_n3A, %dma_wait3A_171] : memref<8x1024xf32, #tpu.memory_space<hbm>> -> memref<1x1024xf32, #tpu.memory_space<hbm>>
    %dma_wait3A_173 = tpu.memref_squeeze %dma_wait3A_172 : memref<1x1024xf32, #tpu.memory_space<hbm>> -> memref<1024xf32, #tpu.memory_space<hbm>>
    %dma_wait3A_174 = arith.constant 0 : i32
    %dma_wait3A_175 = tpu.memref_slice %arg5[%select_n3A, %dma_wait3A_174] : memref<8x1024xf32, #tpu.memory_space<hbm>> -> memref<1x1024xf32, #tpu.memory_space<hbm>>
    %dma_wait3A_176 = tpu.memref_squeeze %dma_wait3A_175 : memref<1x1024xf32, #tpu.memory_space<hbm>> -> memref<1024xf32, #tpu.memory_space<hbm>>
    tpu.wait_dma2 semaphore(%arg38 : memref<!tpu.dma_semaphore, #tpu.memory_space<semaphore_mem>>) src(%dma_wait3A_176 : memref<1024xf32, #tpu.memory_space<hbm>>) dst(%arg18 : memref<1024xf32, #tpu.memory_space<vmem>>)
    %dma_wait3A_177 = arith.constant 0 : i32
    %dma_wait3A_178 = tpu.memref_slice %arg6[%select_n3A, %dma_wait3A_177] : memref<8x1024xf32, #tpu.memory_space<hbm>> -> memref<1x1024xf32, #tpu.memory_space<hbm>>
    %dma_wait3A_179 = tpu.memref_squeeze %dma_wait3A_178 : memref<1x1024xf32, #tpu.memory_space<hbm>> -> memref<1024xf32, #tpu.memory_space<hbm>>
    %dma_wait3A_180 = arith.constant 0 : i32
    %dma_wait3A_181 = tpu.memref_slice %arg6[%select_n3A, %dma_wait3A_180] : memref<8x1024xf32, #tpu.memory_space<hbm>> -> memref<1x1024xf32, #tpu.memory_space<hbm>>
    %dma_wait3A_182 = tpu.memref_squeeze %dma_wait3A_181 : memref<1x1024xf32, #tpu.memory_space<hbm>> -> memref<1024xf32, #tpu.memory_space<hbm>>
    tpu.wait_dma2 semaphore(%arg38 : memref<!tpu.dma_semaphore, #tpu.memory_space<semaphore_mem>>) src(%dma_wait3A_182 : memref<1024xf32, #tpu.memory_space<hbm>>) dst(%arg19 : memref<1024xf32, #tpu.memory_space<vmem>>)
    %scan3A_183 = arith.constant 0xFF800000 : f32
    %scan3A_184 = arith.constant 0 : i32
    %scan3A_185 = arith.constant 0 : i32
    %scan3A_186 = arith.constant 20 : i32
    %scan3A_187 = arith.addi %scan3A_185, %scan3A_186 : i32
    %scan3A_188 = arith.constant 1 : i32
    %scan3A_189 = scf.for %scan3A_215 = %scan3A_185 to %scan3A_187 step %scan3A_188 iter_args(%scan3A_216 = %scan3A_184) -> (i32)  : i32 {
      %mul3A_217 = arith.constant 80 : i32
      %mul3A_218 = arith.muli %select_n3A, %mul3A_217 : i32
      %add3A_219 = arith.addi %mul3A_218, %mul3A_134 : i32
      %add3A_220 = arith.addi %add3A_219, %scan3A_215 : i32
      %dma_start3A_221 = arith.constant 0 : i32
      %dma_start3A_222 = tpu.memref_slice %arg7[%add3A_220, %dma_start3A_221] : memref<640x1024xf32, #tpu.memory_space<hbm>> -> memref<1x1024xf32, #tpu.memory_space<hbm>>
      %dma_start3A_223 = tpu.memref_squeeze %dma_start3A_222 : memref<1x1024xf32, #tpu.memory_space<hbm>> -> memref<1024xf32, #tpu.memory_space<hbm>>
      %dma_start3A_224 = arith.constant 0 : i32
      %dma_start3A_225 = tpu.memref_slice %arg7[%add3A_220, %dma_start3A_224] : memref<640x1024xf32, #tpu.memory_space<hbm>> -> memref<1x1024xf32, #tpu.memory_space<hbm>>
      %dma_start3A_226 = tpu.memref_squeeze %dma_start3A_225 : memref<1x1024xf32, #tpu.memory_space<hbm>> -> memref<1024xf32, #tpu.memory_space<hbm>>
      tpu.enqueue_dma source(%dma_start3A_226 : memref<1024xf32, #tpu.memory_space<hbm>>) target(%arg15 : memref<1024xf32, #tpu.memory_space<vmem>>) target_semaphore(%arg39 : memref<!tpu.dma_semaphore, #tpu.memory_space<semaphore_mem>>)
      %gt3A = arith.constant 0 : i32
      %gt3A_227 = arith.cmpi sgt, %scan3A_215, %gt3A : i32
      %convert_element_type3A_228 = arith.extui %gt3A_227 : i1 to i32
      %cond3A_229 = arith.constant 0 : i32
      %cond3A_230 = arith.cmpi ne, %convert_element_type3A_228, %cond3A_229 : i32
      scf.if %cond3A_230 {
        %dma_wait3A_378 = arith.constant 0 : i32
        %dma_wait3A_379 = tpu.memref_slice %arg8[%add3A_220, %dma_wait3A_378] : memref<640x128xf32, #tpu.memory_space<hbm>> -> memref<1x128xf32, #tpu.memory_space<hbm>>
        %dma_wait3A_380 = tpu.memref_squeeze %dma_wait3A_379 : memref<1x128xf32, #tpu.memory_space<hbm>> -> memref<128xf32, #tpu.memory_space<hbm>>
        %dma_wait3A_381 = arith.constant 0 : i32
        %dma_wait3A_382 = tpu.memref_slice %arg8[%add3A_220, %dma_wait3A_381] : memref<640x128xf32, #tpu.memory_space<hbm>> -> memref<1x128xf32, #tpu.memory_space<hbm>>
        %dma_wait3A_383 = tpu.memref_squeeze %dma_wait3A_382 : memref<1x128xf32, #tpu.memory_space<hbm>> -> memref<128xf32, #tpu.memory_space<hbm>>
        tpu.wait_dma2 semaphore(%arg40 : memref<!tpu.dma_semaphore, #tpu.memory_space<semaphore_mem>>) src(%arg27 : memref<128xf32, #tpu.memory_space<vmem>>) dst(%dma_wait3A_383 : memref<128xf32, #tpu.memory_space<hbm>>)
        %dma_wait3A_384 = arith.constant 0 : i32
        %dma_wait3A_385 = tpu.memref_slice %arg9[%add3A_220, %dma_wait3A_384] : memref<640x128xi32, #tpu.memory_space<hbm>> -> memref<1x128xi32, #tpu.memory_space<hbm>>
        %dma_wait3A_386 = tpu.memref_squeeze %dma_wait3A_385 : memref<1x128xi32, #tpu.memory_space<hbm>> -> memref<128xi32, #tpu.memory_space<hbm>>
        %dma_wait3A_387 = arith.constant 0 : i32
        %dma_wait3A_388 = tpu.memref_slice %arg9[%add3A_220, %dma_wait3A_387] : memref<640x128xi32, #tpu.memory_space<hbm>> -> memref<1x128xi32, #tpu.memory_space<hbm>>
        %dma_wait3A_389 = tpu.memref_squeeze %dma_wait3A_388 : memref<1x128xi32, #tpu.memory_space<hbm>> -> memref<128xi32, #tpu.memory_space<hbm>>
        tpu.wait_dma2 semaphore(%arg41 : memref<!tpu.dma_semaphore, #tpu.memory_space<semaphore_mem>>) src(%arg28 : memref<128xi32, #tpu.memory_space<vmem>>) dst(%dma_wait3A_389 : memref<128xi32, #tpu.memory_space<hbm>>)
      } else {
      }
      %broadcast_in_dim3A_231 = arith.constant -1.000000e+00 : f32
      %broadcast_in_dim3A_232 = vector.broadcast %broadcast_in_dim3A_231 : f32 to vector<16xf32>
      %swap3A = arith.constant 0 : index
      %swap3A_233 = tpu.vector_load %arg27[%swap3A] {strides = array<i32>} : memref<128xf32, #tpu.memory_space<vmem>>, vector<16xf32>,
      tpu.vector_store %arg27[%swap3A], %broadcast_in_dim3A_232 {strides = array<i32>} : memref<128xf32, #tpu.memory_space<vmem>>, vector<16xf32>,
      %swap3A_234 = arith.constant 0 : index
      %swap3A_235 = tpu.vector_load %arg28[%swap3A_234] {strides = array<i32>} : memref<128xi32, #tpu.memory_space<vmem>>, vector<16xi32>,
      tpu.vector_store %arg28[%swap3A_234], %broadcast_in_dim3A_0 {strides = array<i32>} : memref<128xi32, #tpu.memory_space<vmem>>, vector<16xi32>,
      %broadcast_in_dim3A_236 = arith.constant -1.000000e+00 : f32
      %broadcast_in_dim3A_237 = vector.broadcast %broadcast_in_dim3A_236 : f32 to vector<16xf32>
      %swap3A_238 = arith.constant 16 : index
      %swap3A_239 = tpu.vector_load %arg27[%swap3A_238] {strides = array<i32>} : memref<128xf32, #tpu.memory_space<vmem>>, vector<16xf32>,
      tpu.vector_store %arg27[%swap3A_238], %broadcast_in_dim3A_237 {strides = array<i32>} : memref<128xf32, #tpu.memory_space<vmem>>, vector<16xf32>,
      %swap3A_240 = arith.constant 16 : index
      %swap3A_241 = tpu.vector_load %arg28[%swap3A_240] {strides = array<i32>} : memref<128xi32, #tpu.memory_space<vmem>>, vector<16xi32>,
      tpu.vector_store %arg28[%swap3A_240], %broadcast_in_dim3A_0 {strides = array<i32>} : memref<128xi32, #tpu.memory_space<vmem>>, vector<16xi32>,
      %broadcast_in_dim3A_242 = arith.constant -1.000000e+00 : f32
      %broadcast_in_dim3A_243 = vector.broadcast %broadcast_in_dim3A_242 : f32 to vector<16xf32>
      %swap3A_244 = arith.constant 32 : index
      %swap3A_245 = tpu.vector_load %arg27[%swap3A_244] {strides = array<i32>} : memref<128xf32, #tpu.memory_space<vmem>>, vector<16xf32>,
      tpu.vector_store %arg27[%swap3A_244], %broadcast_in_dim3A_243 {strides = array<i32>} : memref<128xf32, #tpu.memory_space<vmem>>, vector<16xf32>,
      %swap3A_246 = arith.constant 32 : index
      %swap3A_247 = tpu.vector_load %arg28[%swap3A_246] {strides = array<i32>} : memref<128xi32, #tpu.memory_space<vmem>>, vector<16xi32>,
      tpu.vector_store %arg28[%swap3A_246], %broadcast_in_dim3A_0 {strides = array<i32>} : memref<128xi32, #tpu.memory_space<vmem>>, vector<16xi32>,
      %broadcast_in_dim3A_248 = arith.constant -1.000000e+00 : f32
      %broadcast_in_dim3A_249 = vector.broadcast %broadcast_in_dim3A_248 : f32 to vector<16xf32>
      %swap3A_250 = arith.constant 48 : index
      %swap3A_251 = tpu.vector_load %arg27[%swap3A_250] {strides = array<i32>} : memref<128xf32, #tpu.memory_space<vmem>>, vector<16xf32>,
      tpu.vector_store %arg27[%swap3A_250], %broadcast_in_dim3A_249 {strides = array<i32>} : memref<128xf32, #tpu.memory_space<vmem>>, vector<16xf32>,
      %swap3A_252 = arith.constant 48 : index
      %swap3A_253 = tpu.vector_load %arg28[%swap3A_252] {strides = array<i32>} : memref<128xi32, #tpu.memory_space<vmem>>, vector<16xi32>,
      tpu.vector_store %arg28[%swap3A_252], %broadcast_in_dim3A_0 {strides = array<i32>} : memref<128xi32, #tpu.memory_space<vmem>>, vector<16xi32>,
      %broadcast_in_dim3A_254 = arith.constant -1.000000e+00 : f32
      %broadcast_in_dim3A_255 = vector.broadcast %broadcast_in_dim3A_254 : f32 to vector<16xf32>
      %swap3A_256 = arith.constant 64 : index
      %swap3A_257 = tpu.vector_load %arg27[%swap3A_256] {strides = array<i32>} : memref<128xf32, #tpu.memory_space<vmem>>, vector<16xf32>,
      tpu.vector_store %arg27[%swap3A_256], %broadcast_in_dim3A_255 {strides = array<i32>} : memref<128xf32, #tpu.memory_space<vmem>>, vector<16xf32>,
      %swap3A_258 = arith.constant 64 : index
      %swap3A_259 = tpu.vector_load %arg28[%swap3A_258] {strides = array<i32>} : memref<128xi32, #tpu.memory_space<vmem>>, vector<16xi32>,
      tpu.vector_store %arg28[%swap3A_258], %broadcast_in_dim3A_0 {strides = array<i32>} : memref<128xi32, #tpu.memory_space<vmem>>, vector<16xi32>,
      %broadcast_in_dim3A_260 = arith.constant -1.000000e+00 : f32
      %broadcast_in_dim3A_261 = vector.broadcast %broadcast_in_dim3A_260 : f32 to vector<16xf32>
      %swap3A_262 = arith.constant 80 : index
      %swap3A_263 = tpu.vector_load %arg27[%swap3A_262] {strides = array<i32>} : memref<128xf32, #tpu.memory_space<vmem>>, vector<16xf32>,
      tpu.vector_store %arg27[%swap3A_262], %broadcast_in_dim3A_261 {strides = array<i32>} : memref<128xf32, #tpu.memory_space<vmem>>, vector<16xf32>,
      %swap3A_264 = arith.constant 80 : index
      %swap3A_265 = tpu.vector_load %arg28[%swap3A_264] {strides = array<i32>} : memref<128xi32, #tpu.memory_space<vmem>>, vector<16xi32>,
      tpu.vector_store %arg28[%swap3A_264], %broadcast_in_dim3A_0 {strides = array<i32>} : memref<128xi32, #tpu.memory_space<vmem>>, vector<16xi32>,
      %broadcast_in_dim3A_266 = arith.constant -1.000000e+00 : f32
      %broadcast_in_dim3A_267 = vector.broadcast %broadcast_in_dim3A_266 : f32 to vector<16xf32>
      %swap3A_268 = arith.constant 96 : index
      %swap3A_269 = tpu.vector_load %arg27[%swap3A_268] {strides = array<i32>} : memref<128xf32, #tpu.memory_space<vmem>>, vector<16xf32>,
      tpu.vector_store %arg27[%swap3A_268], %broadcast_in_dim3A_267 {strides = array<i32>} : memref<128xf32, #tpu.memory_space<vmem>>, vector<16xf32>,
      %swap3A_270 = arith.constant 96 : index
      %swap3A_271 = tpu.vector_load %arg28[%swap3A_270] {strides = array<i32>} : memref<128xi32, #tpu.memory_space<vmem>>, vector<16xi32>,
      tpu.vector_store %arg28[%swap3A_270], %broadcast_in_dim3A_0 {strides = array<i32>} : memref<128xi32, #tpu.memory_space<vmem>>, vector<16xi32>,
      %broadcast_in_dim3A_272 = arith.constant -1.000000e+00 : f32
      %broadcast_in_dim3A_273 = vector.broadcast %broadcast_in_dim3A_272 : f32 to vector<16xf32>
      %swap3A_274 = arith.constant 112 : index
      %swap3A_275 = tpu.vector_load %arg27[%swap3A_274] {strides = array<i32>} : memref<128xf32, #tpu.memory_space<vmem>>, vector<16xf32>,
      tpu.vector_store %arg27[%swap3A_274], %broadcast_in_dim3A_273 {strides = array<i32>} : memref<128xf32, #tpu.memory_space<vmem>>, vector<16xf32>,
      %swap3A_276 = arith.constant 112 : index
      %swap3A_277 = tpu.vector_load %arg28[%swap3A_276] {strides = array<i32>} : memref<128xi32, #tpu.memory_space<vmem>>, vector<16xi32>,
      tpu.vector_store %arg28[%swap3A_276], %broadcast_in_dim3A_0 {strides = array<i32>} : memref<128xi32, #tpu.memory_space<vmem>>, vector<16xi32>,
      %dma_wait3A_278 = arith.constant 0 : i32
      %dma_wait3A_279 = tpu.memref_slice %arg7[%add3A_220, %dma_wait3A_278] : memref<640x1024xf32, #tpu.memory_space<hbm>> -> memref<1x1024xf32, #tpu.memory_space<hbm>>
      %dma_wait3A_280 = tpu.memref_squeeze %dma_wait3A_279 : memref<1x1024xf32, #tpu.memory_space<hbm>> -> memref<1024xf32, #tpu.memory_space<hbm>>
      %dma_wait3A_281 = arith.constant 0 : i32
      %dma_wait3A_282 = tpu.memref_slice %arg7[%add3A_220, %dma_wait3A_281] : memref<640x1024xf32, #tpu.memory_space<hbm>> -> memref<1x1024xf32, #tpu.memory_space<hbm>>
      %dma_wait3A_283 = tpu.memref_squeeze %dma_wait3A_282 : memref<1x1024xf32, #tpu.memory_space<hbm>> -> memref<1024xf32, #tpu.memory_space<hbm>>
      tpu.wait_dma2 semaphore(%arg39 : memref<!tpu.dma_semaphore, #tpu.memory_space<semaphore_mem>>) src(%dma_wait3A_283 : memref<1024xf32, #tpu.memory_space<hbm>>) dst(%arg15 : memref<1024xf32, #tpu.memory_space<vmem>>)
      %scan3A_284 = arith.constant 0 : i32
      %scan3A_285 = arith.constant 64 : i32
      %scan3A_286 = arith.addi %scan3A_284, %scan3A_285 : i32
      %scan3A_287 = arith.constant 1 : i32
      %scan3A_288 = scf.for %scan3A_378 = %scan3A_284 to %scan3A_286 step %scan3A_287 iter_args(%scan3A_379 = %broadcast_in_dim3A_0) -> (vector<16xi32>)  : i32 {
        %mul3A_380 = arith.constant 16 : i32
        %mul3A_381 = arith.muli %scan3A_378, %mul3A_380 : i32
        %get3A = arith.index_cast %mul3A_381 : i32 to index
        %get3A_382 = tpu.vector_load %arg15[%get3A] {strides = array<i32>} : memref<1024xf32, #tpu.memory_space<vmem>>, vector<16xf32>,
        %gt3A_383 = arith.constant 5.000000e-02 : f32
        %gt3A_384 = vector.broadcast %gt3A_383 : f32 to vector<16xf32>
        %gt3A_385 = arith.cmpf ogt, %get3A_382, %gt3A_384 : vector<16xf32>
        %convert_element_type3A_386 = arith.extui %gt3A_385 : vector<16xi1> to vector<16xi32>
        %broadcast_in_dim3A_387 = arith.constant true
        %broadcast_in_dim3A_388 = vector.broadcast %broadcast_in_dim3A_387 : i1 to vector<16xi1>
        %masked_cumsum3A = tpu.scan <sum>, %convert_element_type3A_386 masked %broadcast_in_dim3A_388 : vector<16xi32>, vector<16xi1> -> vector<16xi32>
        %add3A_389 = arith.addi %scan3A_379, %masked_cumsum3A : vector<16xi32>
        %sub3A_390 = arith.constant 1 : i32
        %sub3A_391 = vector.broadcast %sub3A_390 : i32 to vector<16xi32>
        %sub3A_392 = arith.subi %add3A_389, %sub3A_391 : vector<16xi32>
        tpu.vector_store_idx %arg20[%sub3A_392], %get3A_382 masked %gt3A_385 : memref<1040xf32, #tpu.memory_space<vmem>>[vector<16xi32>], vector<16xf32>, vector<16xi1>
        %mul3A_393 = arith.constant 16 : i32
        %mul3A_394 = arith.muli %scan3A_378, %mul3A_393 : i32
        %broadcast_in_dim3A_395 = vector.broadcast %mul3A_394 : i32 to vector<16xi32>
        %add3A_396 = arith.addi %broadcast_in_dim3A_395, %iota3A : vector<16xi32>
        tpu.vector_store_idx %arg21[%sub3A_392], %add3A_396 masked %gt3A_385 : memref<1040xi32, #tpu.memory_space<vmem>>[vector<16xi32>], vector<16xi32>, vector<16xi1>
        %all_reduce_population_count3A = tpu.all_reduce %gt3A_385 {dim = 0 : i64, kind = #tpu.reduction_kind<sum>} : vector<16xi1> -> vector<16xi32>
        %add3A_397 = arith.addi %scan3A_379, %all_reduce_population_count3A : vector<16xi32>
        scf.yield %add3A_397 : vector<16xi32>
      }
      %scan3A_289 = arith.constant 64 : i32
      %reduce_max3A = arith.constant true
      %reduce_max3A_290 = vector.broadcast %reduce_max3A : i1 to vector<16xi1>
      %reduce_max3A_291 = arith.constant -2147483648 : i32
      %reduce_max3A_292 = vector.broadcast %reduce_max3A_291 : i32 to vector<16xi32>
      %reduce_max3A_293 = arith.xori %scan3A_288, %reduce_max3A_292 : vector<16xi32>
      %reduce_max3A_294 = tpu.scan <max>, %reduce_max3A_293 masked %reduce_max3A_290 : vector<16xi32>, vector<16xi1> -> vector<16xi32>
      %reduce_max3A_295 = arith.xori %reduce_max3A_294, %reduce_max3A_292 : vector<16xi32>
      %reduce_max3A_296 = vector.extract %reduce_max3A_295[15] : i32 from vector<16xi32>
      %add3A_297 = arith.constant 15 : i32
      %add3A_298 = arith.addi %reduce_max3A_296, %add3A_297 : i32
      %jit3A_299 = arith.constant 16 : i32
      %div3A_300 = arith.divsi %add3A_298, %jit3A_299 : i32
      %sign3A_301 = arith.constant 0 : i32
      %sign3A_302 = arith.cmpi sgt, %add3A_298, %sign3A_301 : i32
      %sign3A_303 = arith.extui %sign3A_302 : i1 to i32
      %sign3A_304 = arith.constant 0 : i32
      %sign3A_305 = arith.cmpi slt, %add3A_298, %sign3A_304 : i32
      %sign3A_306 = arith.extui %sign3A_305 : i1 to i32
      %sign3A_307 = arith.subi %sign3A_303, %sign3A_306 : i32
      %sign3A_308 = arith.constant 0 : i32
      %sign3A_309 = arith.cmpi sgt, %jit3A_299, %sign3A_308 : i32
      %sign3A_310 = arith.extui %sign3A_309 : i1 to i32
      %sign3A_311 = arith.constant 0 : i32
      %sign3A_312 = arith.cmpi slt, %jit3A_299, %sign3A_311 : i32
      %sign3A_313 = arith.extui %sign3A_312 : i1 to i32
      %sign3A_314 = arith.subi %sign3A_310, %sign3A_313 : i32
      %ne3A_315 = arith.cmpi ne, %sign3A_307, %sign3A_314 : i32
      %rem3A_316 = arith.remsi %add3A_298, %jit3A_299 : i32
      %ne3A_317 = arith.constant 0 : i32
      %ne3A_318 = arith.cmpi ne, %rem3A_316, %ne3A_317 : i32
      %and3A_319 = arith.andi %ne3A_315, %ne3A_318 : i1
      %sub3A_320 = arith.constant 1 : i32
      %sub3A_321 = arith.subi %div3A_300, %sub3A_320 : i32
      %select_n3A_322 = arith.select %and3A_319, %sub3A_321, %div3A_300 : i32
      %broadcast_in_dim3A_323 = vector.broadcast %reduce_max3A_296 : i32 to vector<16xi32>
      %while3A = arith.constant 0 : i32
      %while3A_324 = arith.constant 0 : i32
      %while3A_325 = arith.subi %select_n3A_322, %while3A : i32
      %while3A_326 = arith.addi %while3A, %while3A_325 : i32
      %while3A_327 = arith.constant 1 : i32
      %while3A_328 = arith.divsi %while3A_325, %while3A_327 : i32
      %while3A_329 = arith.muli %while3A_328, %while3A_327 : i32
      %while3A_330 = arith.addi %while3A, %while3A_329 : i32
      %while3A_331 = arith.constant 1 : i32
      %while3A_332 = scf.for %while3A_378 = %while3A to %while3A_330 step %while3A_331 iter_args(%while3A_379 = %while3A_324) -> (i32)  : i32 {
        %mul3A_380 = arith.constant 16 : i32
        %mul3A_381 = arith.muli %while3A_378, %mul3A_380 : i32
        %mul3A_382 = arith.constant 16 : i32
        %mul3A_383 = arith.muli %while3A_378, %mul3A_382 : i32
        %broadcast_in_dim3A_384 = vector.broadcast %mul3A_383 : i32 to vector<16xi32>
        %add3A_385 = arith.addi %broadcast_in_dim3A_384, %iota3A : vector<16xi32>
        %lt3A_386 = arith.cmpi slt, %add3A_385, %broadcast_in_dim3A_323 : vector<16xi32>
        %get3A = arith.index_cast %mul3A_381 : i32 to index
        %get3A_387 = tpu.vector_load %arg21[%get3A] {strides = array<i32>} : memref<1040xi32, #tpu.memory_space<vmem>>, vector<16xi32>,
        %jit3A_388 = arith.constant 0 : i32
        %broadcast_in_dim3A_389 = vector.broadcast %jit3A_388 : i32 to vector<16xi32>
        %select_n3A_390 = arith.select %lt3A_386, %get3A_387, %broadcast_in_dim3A_389 : vector<16xi1>, vector<16xi32>
        %swap3A_391 = arith.index_cast %mul3A_381 : i32 to index
        %swap3A_392 = tpu.vector_load %arg21[%swap3A_391] {strides = array<i32>} : memref<1040xi32, #tpu.memory_space<vmem>>, vector<16xi32>,
        tpu.vector_store %arg21[%swap3A_391], %select_n3A_390 {strides = array<i32>} : memref<1040xi32, #tpu.memory_space<vmem>>, vector<16xi32>,
        %gather3A = tpu.vector_load_idx %arg16[%select_n3A_390] : memref<1024xf32, #tpu.memory_space<vmem>>[vector<16xi32>], vector<16xf32>,
        %gather3A_393 = tpu.vector_load_idx %arg17[%select_n3A_390] : memref<1024xf32, #tpu.memory_space<vmem>>[vector<16xi32>], vector<16xf32>,
        %gather3A_394 = tpu.vector_load_idx %arg18[%select_n3A_390] : memref<1024xf32, #tpu.memory_space<vmem>>[vector<16xi32>], vector<16xf32>,
        %gather3A_395 = tpu.vector_load_idx %arg19[%select_n3A_390] : memref<1024xf32, #tpu.memory_space<vmem>>[vector<16xi32>], vector<16xf32>,
        %swap3A_396 = arith.index_cast %mul3A_381 : i32 to index
        %swap3A_397 = tpu.vector_load %arg22[%swap3A_396] {strides = array<i32>} : memref<1040xf32, #tpu.memory_space<vmem>>, vector<16xf32>,
        tpu.vector_store %arg22[%swap3A_396], %gather3A {strides = array<i32>} : memref<1040xf32, #tpu.memory_space<vmem>>, vector<16xf32>,
        %swap3A_398 = arith.index_cast %mul3A_381 : i32 to index
        %swap3A_399 = tpu.vector_load %arg23[%swap3A_398] {strides = array<i32>} : memref<1040xf32, #tpu.memory_space<vmem>>, vector<16xf32>,
        tpu.vector_store %arg23[%swap3A_398], %gather3A_393 {strides = array<i32>} : memref<1040xf32, #tpu.memory_space<vmem>>, vector<16xf32>,
        %swap3A_400 = arith.index_cast %mul3A_381 : i32 to index
        %swap3A_401 = tpu.vector_load %arg24[%swap3A_400] {strides = array<i32>} : memref<1040xf32, #tpu.memory_space<vmem>>, vector<16xf32>,
        tpu.vector_store %arg24[%swap3A_400], %gather3A_394 {strides = array<i32>} : memref<1040xf32, #tpu.memory_space<vmem>>, vector<16xf32>,
        %swap3A_402 = arith.index_cast %mul3A_381 : i32 to index
        %swap3A_403 = tpu.vector_load %arg25[%swap3A_402] {strides = array<i32>} : memref<1040xf32, #tpu.memory_space<vmem>>, vector<16xf32>,
        tpu.vector_store %arg25[%swap3A_402], %gather3A_395 {strides = array<i32>} : memref<1040xf32, #tpu.memory_space<vmem>>, vector<16xf32>,
        %sub3A_404 = arith.subf %gather3A_394, %gather3A : vector<16xf32>
        %max3A = arith.constant 0.000000e+00 : f32
        %max3A_405 = vector.broadcast %max3A : f32 to vector<16xf32>
        %max3A_406 = arith.maximumf %sub3A_404, %max3A_405 : vector<16xf32>
        %sub3A_407 = arith.subf %gather3A_395, %gather3A_393 : vector<16xf32>
        %max3A_408 = arith.constant 0.000000e+00 : f32
        %max3A_409 = vector.broadcast %max3A_408 : f32 to vector<16xf32>
        %max3A_410 = arith.maximumf %sub3A_407, %max3A_409 : vector<16xf32>
        %mul3A_411 = arith.mulf %max3A_406, %max3A_410 : vector<16xf32>
        %swap3A_412 = arith.index_cast %mul3A_381 : i32 to index
        %swap3A_413 = tpu.vector_load %arg26[%swap3A_412] {strides = array<i32>} : memref<1040xf32, #tpu.memory_space<vmem>>, vector<16xf32>,
        tpu.vector_store %arg26[%swap3A_412], %mul3A_411 {strides = array<i32>} : memref<1040xf32, #tpu.memory_space<vmem>>, vector<16xf32>,
        %lt3A_414 = arith.cmpi slt, %add3A_385, %broadcast_in_dim3A_323 : vector<16xi32>
        %get3A_415 = arith.index_cast %mul3A_381 : i32 to index
        %get3A_416 = tpu.vector_load %arg20[%get3A_415] {strides = array<i32>} : memref<1040xf32, #tpu.memory_space<vmem>>, vector<16xf32>,
        %broadcast_in_dim3A_417 = vector.broadcast %scan3A_183 : f32 to vector<16xf32>
        %select_n3A_418 = arith.select %lt3A_414, %get3A_416, %broadcast_in_dim3A_417 : vector<16xi1>, vector<16xf32>
        %swap3A_419 = arith.index_cast %mul3A_381 : i32 to index
        %swap3A_420 = tpu.vector_load %arg20[%swap3A_419] {strides = array<i32>} : memref<1040xf32, #tpu.memory_space<vmem>>, vector<16xf32>,
        tpu.vector_store %arg20[%swap3A_419], %select_n3A_418 {strides = array<i32>} : memref<1040xf32, #tpu.memory_space<vmem>>, vector<16xf32>,
        %while3A_421 = arith.constant 0 : i32
        scf.yield %while3A_421 : i32
      }
      %while3A_333 = arith.constant 1 : i32
      %while3A_334 = scf.for %while3A_378 = %while3A_330 to %while3A_326 step %while3A_333 iter_args(%while3A_379 = %while3A_332) -> (i32)  : i32 {
        %mul3A_380 = arith.constant 16 : i32
        %mul3A_381 = arith.muli %while3A_378, %mul3A_380 : i32
        %mul3A_382 = arith.constant 16 : i32
        %mul3A_383 = arith.muli %while3A_378, %mul3A_382 : i32
        %broadcast_in_dim3A_384 = vector.broadcast %mul3A_383 : i32 to vector<16xi32>
        %add3A_385 = arith.addi %broadcast_in_dim3A_384, %iota3A : vector<16xi32>
        %lt3A_386 = arith.cmpi slt, %add3A_385, %broadcast_in_dim3A_323 : vector<16xi32>
        %get3A = arith.index_cast %mul3A_381 : i32 to index
        %get3A_387 = tpu.vector_load %arg21[%get3A] {strides = array<i32>} : memref<1040xi32, #tpu.memory_space<vmem>>, vector<16xi32>,
        %jit3A_388 = arith.constant 0 : i32
        %broadcast_in_dim3A_389 = vector.broadcast %jit3A_388 : i32 to vector<16xi32>
        %select_n3A_390 = arith.select %lt3A_386, %get3A_387, %broadcast_in_dim3A_389 : vector<16xi1>, vector<16xi32>
        %swap3A_391 = arith.index_cast %mul3A_381 : i32 to index
        %swap3A_392 = tpu.vector_load %arg21[%swap3A_391] {strides = array<i32>} : memref<1040xi32, #tpu.memory_space<vmem>>, vector<16xi32>,
        tpu.vector_store %arg21[%swap3A_391], %select_n3A_390 {strides = array<i32>} : memref<1040xi32, #tpu.memory_space<vmem>>, vector<16xi32>,
        %gather3A = tpu.vector_load_idx %arg16[%select_n3A_390] : memref<1024xf32, #tpu.memory_space<vmem>>[vector<16xi32>], vector<16xf32>,
        %gather3A_393 = tpu.vector_load_idx %arg17[%select_n3A_390] : memref<1024xf32, #tpu.memory_space<vmem>>[vector<16xi32>], vector<16xf32>,
        %gather3A_394 = tpu.vector_load_idx %arg18[%select_n3A_390] : memref<1024xf32, #tpu.memory_space<vmem>>[vector<16xi32>], vector<16xf32>,
        %gather3A_395 = tpu.vector_load_idx %arg19[%select_n3A_390] : memref<1024xf32, #tpu.memory_space<vmem>>[vector<16xi32>], vector<16xf32>,
        %swap3A_396 = arith.index_cast %mul3A_381 : i32 to index
        %swap3A_397 = tpu.vector_load %arg22[%swap3A_396] {strides = array<i32>} : memref<1040xf32, #tpu.memory_space<vmem>>, vector<16xf32>,
        tpu.vector_store %arg22[%swap3A_396], %gather3A {strides = array<i32>} : memref<1040xf32, #tpu.memory_space<vmem>>, vector<16xf32>,
        %swap3A_398 = arith.index_cast %mul3A_381 : i32 to index
        %swap3A_399 = tpu.vector_load %arg23[%swap3A_398] {strides = array<i32>} : memref<1040xf32, #tpu.memory_space<vmem>>, vector<16xf32>,
        tpu.vector_store %arg23[%swap3A_398], %gather3A_393 {strides = array<i32>} : memref<1040xf32, #tpu.memory_space<vmem>>, vector<16xf32>,
        %swap3A_400 = arith.index_cast %mul3A_381 : i32 to index
        %swap3A_401 = tpu.vector_load %arg24[%swap3A_400] {strides = array<i32>} : memref<1040xf32, #tpu.memory_space<vmem>>, vector<16xf32>,
        tpu.vector_store %arg24[%swap3A_400], %gather3A_394 {strides = array<i32>} : memref<1040xf32, #tpu.memory_space<vmem>>, vector<16xf32>,
        %swap3A_402 = arith.index_cast %mul3A_381 : i32 to index
        %swap3A_403 = tpu.vector_load %arg25[%swap3A_402] {strides = array<i32>} : memref<1040xf32, #tpu.memory_space<vmem>>, vector<16xf32>,
        tpu.vector_store %arg25[%swap3A_402], %gather3A_395 {strides = array<i32>} : memref<1040xf32, #tpu.memory_space<vmem>>, vector<16xf32>,
        %sub3A_404 = arith.subf %gather3A_394, %gather3A : vector<16xf32>
        %max3A = arith.constant 0.000000e+00 : f32
        %max3A_405 = vector.broadcast %max3A : f32 to vector<16xf32>
        %max3A_406 = arith.maximumf %sub3A_404, %max3A_405 : vector<16xf32>
        %sub3A_407 = arith.subf %gather3A_395, %gather3A_393 : vector<16xf32>
        %max3A_408 = arith.constant 0.000000e+00 : f32
        %max3A_409 = vector.broadcast %max3A_408 : f32 to vector<16xf32>
        %max3A_410 = arith.maximumf %sub3A_407, %max3A_409 : vector<16xf32>
        %mul3A_411 = arith.mulf %max3A_406, %max3A_410 : vector<16xf32>
        %swap3A_412 = arith.index_cast %mul3A_381 : i32 to index
        %swap3A_413 = tpu.vector_load %arg26[%swap3A_412] {strides = array<i32>} : memref<1040xf32, #tpu.memory_space<vmem>>, vector<16xf32>,
        tpu.vector_store %arg26[%swap3A_412], %mul3A_411 {strides = array<i32>} : memref<1040xf32, #tpu.memory_space<vmem>>, vector<16xf32>,
        %lt3A_414 = arith.cmpi slt, %add3A_385, %broadcast_in_dim3A_323 : vector<16xi32>
        %get3A_415 = arith.index_cast %mul3A_381 : i32 to index
        %get3A_416 = tpu.vector_load %arg20[%get3A_415] {strides = array<i32>} : memref<1040xf32, #tpu.memory_space<vmem>>, vector<16xf32>,
        %broadcast_in_dim3A_417 = vector.broadcast %scan3A_183 : f32 to vector<16xf32>
        %select_n3A_418 = arith.select %lt3A_414, %get3A_416, %broadcast_in_dim3A_417 : vector<16xi1>, vector<16xf32>
        %swap3A_419 = arith.index_cast %mul3A_381 : i32 to index
        %swap3A_420 = tpu.vector_load %arg20[%swap3A_419] {strides = array<i32>} : memref<1040xf32, #tpu.memory_space<vmem>>, vector<16xf32>,
        tpu.vector_store %arg20[%swap3A_419], %select_n3A_418 {strides = array<i32>} : memref<1040xf32, #tpu.memory_space<vmem>>, vector<16xf32>,
        %while3A_421 = arith.constant 0 : i32
        scf.yield %while3A_421 : i32
      }
      %broadcast_in_dim3A_335 = vector.broadcast %scan3A_183 : f32 to vector<16xf32>
      %while3A_336 = arith.constant 0 : i32
      %while3A_337 = arith.subi %select_n3A_322, %while3A_336 : i32
      %while3A_338 = arith.addi %while3A_336, %while3A_337 : i32
      %while3A_339 = arith.constant 1 : i32
      %while3A_340 = arith.divsi %while3A_337, %while3A_339 : i32
      %while3A_341 = arith.muli %while3A_340, %while3A_339 : i32
      %while3A_342 = arith.addi %while3A_336, %while3A_341 : i32
      %while3A_343 = arith.constant 1 : i32
      %while3A_344:2 = scf.for %while3A_378 = %while3A_336 to %while3A_342 step %while3A_343 iter_args(%while3A_379 = %broadcast_in_dim3A_335, %while3A_380 = %broadcast_in_dim3A_0) -> (vector<16xf32>, vector<16xi32>)  : i32 {
        %mul3A_381 = arith.constant 16 : i32
        %mul3A_382 = arith.muli %while3A_378, %mul3A_381 : i32
        %get3A = arith.index_cast %mul3A_382 : i32 to index
        %get3A_383 = tpu.vector_load %arg20[%get3A] {strides = array<i32>} : memref<1040xf32, #tpu.memory_space<vmem>>, vector<16xf32>,
        %mul3A_384 = arith.constant 16 : i32
        %mul3A_385 = arith.muli %while3A_378, %mul3A_384 : i32
        %broadcast_in_dim3A_386 = vector.broadcast %mul3A_385 : i32 to vector<16xi32>
        %add3A_387 = arith.addi %broadcast_in_dim3A_386, %iota3A : vector<16xi32>
        %gt3A_388 = arith.cmpf ogt, %get3A_383, %while3A_379 : vector<16xf32>
        %select_n3A_389 = arith.select %gt3A_388, %get3A_383, %while3A_379 : vector<16xi1>, vector<16xf32>
        %select_n3A_390 = arith.select %gt3A_388, %add3A_387, %while3A_380 : vector<16xi1>, vector<16xi32>
        scf.yield %select_n3A_389, %select_n3A_390 : vector<16xf32>, vector<16xi32>
      }
      %while3A_345 = arith.constant 1 : i32
      %while3A_346:2 = scf.for %while3A_378 = %while3A_342 to %while3A_338 step %while3A_345 iter_args(%while3A_379 = %while3A_344#0, %while3A_380 = %while3A_344#1) -> (vector<16xf32>, vector<16xi32>)  : i32 {
        %mul3A_381 = arith.constant 16 : i32
        %mul3A_382 = arith.muli %while3A_378, %mul3A_381 : i32
        %get3A = arith.index_cast %mul3A_382 : i32 to index
        %get3A_383 = tpu.vector_load %arg20[%get3A] {strides = array<i32>} : memref<1040xf32, #tpu.memory_space<vmem>>, vector<16xf32>,
        %mul3A_384 = arith.constant 16 : i32
        %mul3A_385 = arith.muli %while3A_378, %mul3A_384 : i32
        %broadcast_in_dim3A_386 = vector.broadcast %mul3A_385 : i32 to vector<16xi32>
        %add3A_387 = arith.addi %broadcast_in_dim3A_386, %iota3A : vector<16xi32>
        %gt3A_388 = arith.cmpf ogt, %get3A_383, %while3A_379 : vector<16xf32>
        %select_n3A_389 = arith.select %gt3A_388, %get3A_383, %while3A_379 : vector<16xi1>, vector<16xf32>
        %select_n3A_390 = arith.select %gt3A_388, %add3A_387, %while3A_380 : vector<16xi1>, vector<16xi32>
        scf.yield %select_n3A_389, %select_n3A_390 : vector<16xf32>, vector<16xi32>
      }
      %reduce_max3A_347 = arith.constant true
      %reduce_max3A_348 = vector.broadcast %reduce_max3A_347 : i1 to vector<16xi1>
      %reduce_max3A_349 = tpu.scan <max>, %while3A_346#0 masked %reduce_max3A_348 : vector<16xf32>, vector<16xi1> -> vector<16xf32>
      %reduce_max3A_350 = vector.extract %reduce_max3A_349[15] : f32 from vector<16xf32>
      %eq3A_351 = vector.broadcast %reduce_max3A_350 : f32 to vector<16xf32>
      %eq3A_352 = arith.cmpf oeq, %while3A_346#0, %eq3A_351 : vector<16xf32>
      %jit3A_353 = arith.constant 1048576 : i32
      %broadcast_in_dim3A_354 = vector.broadcast %jit3A_353 : i32 to vector<16xi32>
      %select_n3A_355 = arith.select %eq3A_352, %while3A_346#1, %broadcast_in_dim3A_354 : vector<16xi1>, vector<16xi32>
      %reduce_min3A = arith.constant true
      %reduce_min3A_356 = vector.broadcast %reduce_min3A : i1 to vector<16xi1>
      %reduce_min3A_357 = arith.constant -2147483648 : i32
      %reduce_min3A_358 = vector.broadcast %reduce_min3A_357 : i32 to vector<16xi32>
      %reduce_min3A_359 = arith.xori %select_n3A_355, %reduce_min3A_358 : vector<16xi32>
      %reduce_min3A_360 = tpu.scan <min>, %reduce_min3A_359 masked %reduce_min3A_356 : vector<16xi32>, vector<16xi1> -> vector<16xi32>
      %reduce_min3A_361 = arith.xori %reduce_min3A_360, %reduce_min3A_358 : vector<16xi32>
      %reduce_min3A_362 = vector.extract %reduce_min3A_361[15] : i32 from vector<16xi32>
      %while3A_363 = arith.constant 0 : i32
      %while3A_364:3 = scf.while (%while3A_378 = %while3A_363, %while3A_379 = %reduce_max3A_350, %while3A_380 = %reduce_min3A_362) : (i32, f32, i32) -> (i32, f32, i32) {
        %gt3A_381 = arith.constant 5.000000e-02 : f32
        %gt3A_382 = arith.cmpf ogt, %while3A_379, %gt3A_381 : f32
        %lt3A_383 = arith.constant 100 : i32
        %lt3A_384 = arith.cmpi slt, %while3A_378, %lt3A_383 : i32
        %and3A_385 = arith.andi %gt3A_382, %lt3A_384 : i1
        scf.condition(%and3A_385) %while3A_378, %while3A_379, %while3A_380 : i32, f32, i32
      } do {
      ^bb0(%while3A_378: i32, %while3A_379: f32, %while3A_380: i32):
        %broadcast_in_dim3A_381 = vector.broadcast %while3A_378 : i32 to vector<16xi32>
        %eq3A_382 = arith.constant 0 : i32
        %eq3A_383 = vector.broadcast %eq3A_382 : i32 to vector<16xi32>
        %eq3A_384 = arith.cmpi eq, %iota3A, %eq3A_383 : vector<16xi32>
        %broadcast_in_dim3A_385 = vector.broadcast %while3A_380 : i32 to vector<16xi32>
        %gather3A = tpu.vector_load_idx %arg21[%broadcast_in_dim3A_385] : memref<1040xi32, #tpu.memory_space<vmem>>[vector<16xi32>], vector<16xi32>,
        %broadcast_in_dim3A_386 = vector.broadcast %while3A_379 : f32 to vector<16xf32>
        tpu.vector_store_idx %arg27[%broadcast_in_dim3A_381], %broadcast_in_dim3A_386 masked %eq3A_384 : memref<128xf32, #tpu.memory_space<vmem>>[vector<16xi32>], vector<16xf32>, vector<16xi1>
        tpu.vector_store_idx %arg28[%broadcast_in_dim3A_381], %gather3A masked %eq3A_384 : memref<128xi32, #tpu.memory_space<vmem>>[vector<16xi32>], vector<16xi32>, vector<16xi1>
        %gather3A_387 = tpu.vector_load_idx %arg22[%broadcast_in_dim3A_385] : memref<1040xf32, #tpu.memory_space<vmem>>[vector<16xi32>], vector<16xf32>,
        %gather3A_388 = tpu.vector_load_idx %arg23[%broadcast_in_dim3A_385] : memref<1040xf32, #tpu.memory_space<vmem>>[vector<16xi32>], vector<16xf32>,
        %gather3A_389 = tpu.vector_load_idx %arg24[%broadcast_in_dim3A_385] : memref<1040xf32, #tpu.memory_space<vmem>>[vector<16xi32>], vector<16xf32>,
        %gather3A_390 = tpu.vector_load_idx %arg25[%broadcast_in_dim3A_385] : memref<1040xf32, #tpu.memory_space<vmem>>[vector<16xi32>], vector<16xf32>,
        %gather3A_391 = tpu.vector_load_idx %arg26[%broadcast_in_dim3A_385] : memref<1040xf32, #tpu.memory_space<vmem>>[vector<16xi32>], vector<16xf32>,
        %broadcast_in_dim3A_392 = vector.broadcast %scan3A_183 : f32 to vector<16xf32>
        %while3A_393 = arith.constant 0 : i32
        %while3A_394 = arith.subi %select_n3A_322, %while3A_393 : i32
        %while3A_395 = arith.addi %while3A_393, %while3A_394 : i32
        %while3A_396 = arith.constant 1 : i32
        %while3A_397 = arith.divsi %while3A_394, %while3A_396 : i32
        %while3A_398 = arith.muli %while3A_397, %while3A_396 : i32
        %while3A_399 = arith.addi %while3A_393, %while3A_398 : i32
        %while3A_400 = arith.constant 1 : i32
        %while3A_401:2 = scf.for %while3A_423 = %while3A_393 to %while3A_399 step %while3A_400 iter_args(%while3A_424 = %broadcast_in_dim3A_392, %while3A_425 = %broadcast_in_dim3A_0) -> (vector<16xf32>, vector<16xi32>)  : i32 {
          %mul3A_426 = arith.constant 16 : i32
          %mul3A_427 = arith.muli %while3A_423, %mul3A_426 : i32
          %get3A = arith.index_cast %mul3A_427 : i32 to index
          %get3A_428 = tpu.vector_load %arg20[%get3A] {strides = array<i32>} : memref<1040xf32, #tpu.memory_space<vmem>>, vector<16xf32>,
          %get3A_429 = arith.index_cast %mul3A_427 : i32 to index
          %get3A_430 = tpu.vector_load %arg22[%get3A_429] {strides = array<i32>} : memref<1040xf32, #tpu.memory_space<vmem>>, vector<16xf32>,
          %max3A = arith.maximumf %gather3A_387, %get3A_430 : vector<16xf32>
          %get3A_431 = arith.index_cast %mul3A_427 : i32 to index
          %get3A_432 = tpu.vector_load %arg23[%get3A_431] {strides = array<i32>} : memref<1040xf32, #tpu.memory_space<vmem>>, vector<16xf32>,
          %max3A_433 = arith.maximumf %gather3A_388, %get3A_432 : vector<16xf32>
          %get3A_434 = arith.index_cast %mul3A_427 : i32 to index
          %get3A_435 = tpu.vector_load %arg24[%get3A_434] {strides = array<i32>} : memref<1040xf32, #tpu.memory_space<vmem>>, vector<16xf32>,
          %min3A = arith.minimumf %gather3A_389, %get3A_435 : vector<16xf32>
          %get3A_436 = arith.index_cast %mul3A_427 : i32 to index
          %get3A_437 = tpu.vector_load %arg25[%get3A_436] {strides = array<i32>} : memref<1040xf32, #tpu.memory_space<vmem>>, vector<16xf32>,
          %min3A_438 = arith.minimumf %gather3A_390, %get3A_437 : vector<16xf32>
          %sub3A_439 = arith.subf %min3A, %max3A : vector<16xf32>
          %max3A_440 = arith.constant 0.000000e+00 : f32
          %max3A_441 = vector.broadcast %max3A_440 : f32 to vector<16xf32>
          %max3A_442 = arith.maximumf %sub3A_439, %max3A_441 : vector<16xf32>
          %sub3A_443 = arith.subf %min3A_438, %max3A_433 : vector<16xf32>
          %max3A_444 = arith.constant 0.000000e+00 : f32
          %max3A_445 = vector.broadcast %max3A_444 : f32 to vector<16xf32>
          %max3A_446 = arith.maximumf %sub3A_443, %max3A_445 : vector<16xf32>
          %mul3A_447 = arith.mulf %max3A_442, %max3A_446 : vector<16xf32>
          %get3A_448 = arith.index_cast %mul3A_427 : i32 to index
          %get3A_449 = tpu.vector_load %arg26[%get3A_448] {strides = array<i32>} : memref<1040xf32, #tpu.memory_space<vmem>>, vector<16xf32>,
          %add3A_450 = arith.addf %gather3A_391, %get3A_449 : vector<16xf32>
          %sub3A_451 = arith.subf %add3A_450, %mul3A_447 : vector<16xf32>
          %add3A_452 = arith.constant 9.99999993E-9 : f32
          %add3A_453 = vector.broadcast %add3A_452 : f32 to vector<16xf32>
          %add3A_454 = arith.addf %sub3A_451, %add3A_453 : vector<16xf32>
          %div3A_455 = arith.divf %mul3A_447, %add3A_454 : vector<16xf32>
          %mul3A_456 = arith.constant 16 : i32
          %mul3A_457 = arith.muli %while3A_423, %mul3A_456 : i32
          %broadcast_in_dim3A_458 = vector.broadcast %mul3A_457 : i32 to vector<16xi32>
          %add3A_459 = arith.addi %broadcast_in_dim3A_458, %iota3A : vector<16xi32>
          %gt3A_460 = arith.constant 5.000000e-01 : f32
          %gt3A_461 = vector.broadcast %gt3A_460 : f32 to vector<16xf32>
          %gt3A_462 = arith.cmpf ogt, %div3A_455, %gt3A_461 : vector<16xf32>
          %eq3A_463 = arith.cmpi eq, %add3A_459, %broadcast_in_dim3A_385 : vector<16xi32>
          %or3A = arith.ori %gt3A_462, %eq3A_463 : vector<16xi1>
          %broadcast_in_dim3A_464 = vector.broadcast %scan3A_183 : f32 to vector<16xf32>
          %select_n3A_465 = arith.select %or3A, %broadcast_in_dim3A_464, %get3A_428 : vector<16xi1>, vector<16xf32>
          %swap3A_466 = arith.index_cast %mul3A_427 : i32 to index
          %swap3A_467 = tpu.vector_load %arg20[%swap3A_466] {strides = array<i32>} : memref<1040xf32, #tpu.memory_space<vmem>>, vector<16xf32>,
          tpu.vector_store %arg20[%swap3A_466], %select_n3A_465 {strides = array<i32>} : memref<1040xf32, #tpu.memory_space<vmem>>, vector<16xf32>,
          %gt3A_468 = arith.cmpf ogt, %select_n3A_465, %while3A_424 : vector<16xf32>
          %select_n3A_469 = arith.select %gt3A_468, %select_n3A_465, %while3A_424 : vector<16xi1>, vector<16xf32>
          %select_n3A_470 = arith.select %gt3A_468, %add3A_459, %while3A_425 : vector<16xi1>, vector<16xi32>
          scf.yield %select_n3A_469, %select_n3A_470 : vector<16xf32>, vector<16xi32>
        }
        %while3A_402 = arith.constant 1 : i32
        %while3A_403:2 = scf.for %while3A_423 = %while3A_399 to %while3A_395 step %while3A_402 iter_args(%while3A_424 = %while3A_401#0, %while3A_425 = %while3A_401#1) -> (vector<16xf32>, vector<16xi32>)  : i32 {
          %mul3A_426 = arith.constant 16 : i32
          %mul3A_427 = arith.muli %while3A_423, %mul3A_426 : i32
          %get3A = arith.index_cast %mul3A_427 : i32 to index
          %get3A_428 = tpu.vector_load %arg20[%get3A] {strides = array<i32>} : memref<1040xf32, #tpu.memory_space<vmem>>, vector<16xf32>,
          %get3A_429 = arith.index_cast %mul3A_427 : i32 to index
          %get3A_430 = tpu.vector_load %arg22[%get3A_429] {strides = array<i32>} : memref<1040xf32, #tpu.memory_space<vmem>>, vector<16xf32>,
          %max3A = arith.maximumf %gather3A_387, %get3A_430 : vector<16xf32>
          %get3A_431 = arith.index_cast %mul3A_427 : i32 to index
          %get3A_432 = tpu.vector_load %arg23[%get3A_431] {strides = array<i32>} : memref<1040xf32, #tpu.memory_space<vmem>>, vector<16xf32>,
          %max3A_433 = arith.maximumf %gather3A_388, %get3A_432 : vector<16xf32>
          %get3A_434 = arith.index_cast %mul3A_427 : i32 to index
          %get3A_435 = tpu.vector_load %arg24[%get3A_434] {strides = array<i32>} : memref<1040xf32, #tpu.memory_space<vmem>>, vector<16xf32>,
          %min3A = arith.minimumf %gather3A_389, %get3A_435 : vector<16xf32>
          %get3A_436 = arith.index_cast %mul3A_427 : i32 to index
          %get3A_437 = tpu.vector_load %arg25[%get3A_436] {strides = array<i32>} : memref<1040xf32, #tpu.memory_space<vmem>>, vector<16xf32>,
          %min3A_438 = arith.minimumf %gather3A_390, %get3A_437 : vector<16xf32>
          %sub3A_439 = arith.subf %min3A, %max3A : vector<16xf32>
          %max3A_440 = arith.constant 0.000000e+00 : f32
          %max3A_441 = vector.broadcast %max3A_440 : f32 to vector<16xf32>
          %max3A_442 = arith.maximumf %sub3A_439, %max3A_441 : vector<16xf32>
          %sub3A_443 = arith.subf %min3A_438, %max3A_433 : vector<16xf32>
          %max3A_444 = arith.constant 0.000000e+00 : f32
          %max3A_445 = vector.broadcast %max3A_444 : f32 to vector<16xf32>
          %max3A_446 = arith.maximumf %sub3A_443, %max3A_445 : vector<16xf32>
          %mul3A_447 = arith.mulf %max3A_442, %max3A_446 : vector<16xf32>
          %get3A_448 = arith.index_cast %mul3A_427 : i32 to index
          %get3A_449 = tpu.vector_load %arg26[%get3A_448] {strides = array<i32>} : memref<1040xf32, #tpu.memory_space<vmem>>, vector<16xf32>,
          %add3A_450 = arith.addf %gather3A_391, %get3A_449 : vector<16xf32>
          %sub3A_451 = arith.subf %add3A_450, %mul3A_447 : vector<16xf32>
          %add3A_452 = arith.constant 9.99999993E-9 : f32
          %add3A_453 = vector.broadcast %add3A_452 : f32 to vector<16xf32>
          %add3A_454 = arith.addf %sub3A_451, %add3A_453 : vector<16xf32>
          %div3A_455 = arith.divf %mul3A_447, %add3A_454 : vector<16xf32>
          %mul3A_456 = arith.constant 16 : i32
          %mul3A_457 = arith.muli %while3A_423, %mul3A_456 : i32
          %broadcast_in_dim3A_458 = vector.broadcast %mul3A_457 : i32 to vector<16xi32>
          %add3A_459 = arith.addi %broadcast_in_dim3A_458, %iota3A : vector<16xi32>
          %gt3A_460 = arith.constant 5.000000e-01 : f32
          %gt3A_461 = vector.broadcast %gt3A_460 : f32 to vector<16xf32>
          %gt3A_462 = arith.cmpf ogt, %div3A_455, %gt3A_461 : vector<16xf32>
          %eq3A_463 = arith.cmpi eq, %add3A_459, %broadcast_in_dim3A_385 : vector<16xi32>
          %or3A = arith.ori %gt3A_462, %eq3A_463 : vector<16xi1>
          %broadcast_in_dim3A_464 = vector.broadcast %scan3A_183 : f32 to vector<16xf32>
          %select_n3A_465 = arith.select %or3A, %broadcast_in_dim3A_464, %get3A_428 : vector<16xi1>, vector<16xf32>
          %swap3A_466 = arith.index_cast %mul3A_427 : i32 to index
          %swap3A_467 = tpu.vector_load %arg20[%swap3A_466] {strides = array<i32>} : memref<1040xf32, #tpu.memory_space<vmem>>, vector<16xf32>,
          tpu.vector_store %arg20[%swap3A_466], %select_n3A_465 {strides = array<i32>} : memref<1040xf32, #tpu.memory_space<vmem>>, vector<16xf32>,
          %gt3A_468 = arith.cmpf ogt, %select_n3A_465, %while3A_424 : vector<16xf32>
          %select_n3A_469 = arith.select %gt3A_468, %select_n3A_465, %while3A_424 : vector<16xi1>, vector<16xf32>
          %select_n3A_470 = arith.select %gt3A_468, %add3A_459, %while3A_425 : vector<16xi1>, vector<16xi32>
          scf.yield %select_n3A_469, %select_n3A_470 : vector<16xf32>, vector<16xi32>
        }
        %reduce_max3A_404 = arith.constant true
        %reduce_max3A_405 = vector.broadcast %reduce_max3A_404 : i1 to vector<16xi1>
        %reduce_max3A_406 = tpu.scan <max>, %while3A_403#0 masked %reduce_max3A_405 : vector<16xf32>, vector<16xi1> -> vector<16xf32>
        %reduce_max3A_407 = vector.extract %reduce_max3A_406[15] : f32 from vector<16xf32>
        %eq3A_408 = vector.broadcast %reduce_max3A_407 : f32 to vector<16xf32>
        %eq3A_409 = arith.cmpf oeq, %while3A_403#0, %eq3A_408 : vector<16xf32>
        %jit3A_410 = arith.constant 1048576 : i32
        %broadcast_in_dim3A_411 = vector.broadcast %jit3A_410 : i32 to vector<16xi32>
        %select_n3A_412 = arith.select %eq3A_409, %while3A_403#1, %broadcast_in_dim3A_411 : vector<16xi1>, vector<16xi32>
        %reduce_min3A_413 = arith.constant true
        %reduce_min3A_414 = vector.broadcast %reduce_min3A_413 : i1 to vector<16xi1>
        %reduce_min3A_415 = arith.constant -2147483648 : i32
        %reduce_min3A_416 = vector.broadcast %reduce_min3A_415 : i32 to vector<16xi32>
        %reduce_min3A_417 = arith.xori %select_n3A_412, %reduce_min3A_416 : vector<16xi32>
        %reduce_min3A_418 = tpu.scan <min>, %reduce_min3A_417 masked %reduce_min3A_414 : vector<16xi32>, vector<16xi1> -> vector<16xi32>
        %reduce_min3A_419 = arith.xori %reduce_min3A_418, %reduce_min3A_416 : vector<16xi32>
        %reduce_min3A_420 = vector.extract %reduce_min3A_419[15] : i32 from vector<16xi32>
        %add3A_421 = arith.constant 1 : i32
        %add3A_422 = arith.addi %while3A_378, %add3A_421 : i32
        scf.yield %add3A_422, %reduce_max3A_407, %reduce_min3A_420 : i32, f32, i32
      }
      %dma_start3A_365 = arith.constant 0 : i32
      %dma_start3A_366 = tpu.memref_slice %arg8[%add3A_220, %dma_start3A_365] : memref<640x128xf32, #tpu.memory_space<hbm>> -> memref<1x128xf32, #tpu.memory_space<hbm>>
      %dma_start3A_367 = tpu.memref_squeeze %dma_start3A_366 : memref<1x128xf32, #tpu.memory_space<hbm>> -> memref<128xf32, #tpu.memory_space<hbm>>
      %dma_start3A_368 = arith.constant 0 : i32
      %dma_start3A_369 = tpu.memref_slice %arg8[%add3A_220, %dma_start3A_368] : memref<640x128xf32, #tpu.memory_space<hbm>> -> memref<1x128xf32, #tpu.memory_space<hbm>>
      %dma_start3A_370 = tpu.memref_squeeze %dma_start3A_369 : memref<1x128xf32, #tpu.memory_space<hbm>> -> memref<128xf32, #tpu.memory_space<hbm>>
      tpu.enqueue_dma source(%arg27 : memref<128xf32, #tpu.memory_space<vmem>>) target(%dma_start3A_370 : memref<128xf32, #tpu.memory_space<hbm>>) target_semaphore(%arg40 : memref<!tpu.dma_semaphore, #tpu.memory_space<semaphore_mem>>)
      %dma_start3A_371 = arith.constant 0 : i32
      %dma_start3A_372 = tpu.memref_slice %arg9[%add3A_220, %dma_start3A_371] : memref<640x128xi32, #tpu.memory_space<hbm>> -> memref<1x128xi32, #tpu.memory_space<hbm>>
      %dma_start3A_373 = tpu.memref_squeeze %dma_start3A_372 : memref<1x128xi32, #tpu.memory_space<hbm>> -> memref<128xi32, #tpu.memory_space<hbm>>
      %dma_start3A_374 = arith.constant 0 : i32
      %dma_start3A_375 = tpu.memref_slice %arg9[%add3A_220, %dma_start3A_374] : memref<640x128xi32, #tpu.memory_space<hbm>> -> memref<1x128xi32, #tpu.memory_space<hbm>>
      %dma_start3A_376 = tpu.memref_squeeze %dma_start3A_375 : memref<1x128xi32, #tpu.memory_space<hbm>> -> memref<128xi32, #tpu.memory_space<hbm>>
      tpu.enqueue_dma source(%arg28 : memref<128xi32, #tpu.memory_space<vmem>>) target(%dma_start3A_376 : memref<128xi32, #tpu.memory_space<hbm>>) target_semaphore(%arg41 : memref<!tpu.dma_semaphore, #tpu.memory_space<semaphore_mem>>)
      %scan3A_377 = arith.constant 0 : i32
      scf.yield %scan3A_377 : i32
    }
    %scan3A_190 = arith.constant 20 : i32
    %mul3A_191 = arith.constant 80 : i32
    %mul3A_192 = arith.muli %select_n3A, %mul3A_191 : i32
    %add3A_193 = arith.addi %mul3A_192, %mul3A_134 : i32
    %add3A_194 = arith.constant 20 : i32
    %add3A_195 = arith.addi %add3A_193, %add3A_194 : i32
    %sub3A_196 = arith.constant 1 : i32
    %sub3A_197 = arith.subi %add3A_195, %sub3A_196 : i32
    %dma_wait3A_198 = arith.constant 0 : i32
    %dma_wait3A_199 = tpu.memref_slice %arg8[%sub3A_197, %dma_wait3A_198] : memref<640x128xf32, #tpu.memory_space<hbm>> -> memref<1x128xf32, #tpu.memory_space<hbm>>
    %dma_wait3A_200 = tpu.memref_squeeze %dma_wait3A_199 : memref<1x128xf32, #tpu.memory_space<hbm>> -> memref<128xf32, #tpu.memory_space<hbm>>
    %dma_wait3A_201 = arith.constant 0 : i32
    %dma_wait3A_202 = tpu.memref_slice %arg8[%sub3A_197, %dma_wait3A_201] : memref<640x128xf32, #tpu.memory_space<hbm>> -> memref<1x128xf32, #tpu.memory_space<hbm>>
    %dma_wait3A_203 = tpu.memref_squeeze %dma_wait3A_202 : memref<1x128xf32, #tpu.memory_space<hbm>> -> memref<128xf32, #tpu.memory_space<hbm>>
    tpu.wait_dma2 semaphore(%arg40 : memref<!tpu.dma_semaphore, #tpu.memory_space<semaphore_mem>>) src(%arg27 : memref<128xf32, #tpu.memory_space<vmem>>) dst(%dma_wait3A_203 : memref<128xf32, #tpu.memory_space<hbm>>)
    %dma_wait3A_204 = arith.constant 0 : i32
    %dma_wait3A_205 = tpu.memref_slice %arg9[%sub3A_197, %dma_wait3A_204] : memref<640x128xi32, #tpu.memory_space<hbm>> -> memref<1x128xi32, #tpu.memory_space<hbm>>
    %dma_wait3A_206 = tpu.memref_squeeze %dma_wait3A_205 : memref<1x128xi32, #tpu.memory_space<hbm>> -> memref<128xi32, #tpu.memory_space<hbm>>
    %dma_wait3A_207 = arith.constant 0 : i32
    %dma_wait3A_208 = tpu.memref_slice %arg9[%sub3A_197, %dma_wait3A_207] : memref<640x128xi32, #tpu.memory_space<hbm>> -> memref<1x128xi32, #tpu.memory_space<hbm>>
    %dma_wait3A_209 = tpu.memref_squeeze %dma_wait3A_208 : memref<1x128xi32, #tpu.memory_space<hbm>> -> memref<128xi32, #tpu.memory_space<hbm>>
    tpu.wait_dma2 semaphore(%arg41 : memref<!tpu.dma_semaphore, #tpu.memory_space<semaphore_mem>>) src(%arg28 : memref<128xi32, #tpu.memory_space<vmem>>) dst(%dma_wait3A_209 : memref<128xi32, #tpu.memory_space<hbm>>)
    %barrier3A_210 = arith.constant 0 : index
    tpu.barrier barrier_id(%barrier3A_210)
    %lt3A_211 = arith.constant 4 : i32
    %lt3A_212 = arith.cmpi slt, %arg1, %lt3A_211 : i32
    %convert_element_type3A = arith.extui %lt3A_212 : i1 to i32
    %cond3A = arith.constant 0xFF800000 : f32
    %cond3A_213 = arith.constant 0 : i32
    %cond3A_214 = arith.cmpi ne, %convert_element_type3A, %cond3A_213 : i32
    scf.if %cond3A_214 {
      %mul3A_215 = arith.constant 4 : i32
      %mul3A_216 = arith.muli %arg0, %mul3A_215 : i32
      %add3A_217 = arith.addi %mul3A_216, %arg1 : i32
      %mul3A_218 = arith.constant 80 : i32
      %mul3A_219 = arith.muli %add3A_217, %mul3A_218 : i32
      %dma_start3A_220 = arith.constant 0 : i32
      %dma_start3A_221 = tpu.memref_slice %arg8[%mul3A_219, %dma_start3A_220] : memref<640x128xf32, #tpu.memory_space<hbm>> -> memref<80x128xf32, #tpu.memory_space<hbm>>
      %dma_start3A_222 = arith.constant 0 : i32
      %dma_start3A_223 = tpu.memref_slice %arg8[%mul3A_219, %dma_start3A_222] : memref<640x128xf32, #tpu.memory_space<hbm>> -> memref<80x128xf32, #tpu.memory_space<hbm>>
      tpu.enqueue_dma source(%dma_start3A_223 : memref<80x128xf32, #tpu.memory_space<hbm>>) target(%arg29 : memref<80x128xf32, #tpu.memory_space<vmem>>) target_semaphore(%arg42 : memref<!tpu.dma_semaphore, #tpu.memory_space<semaphore_mem>>)
      %mul3A_224 = arith.constant 80 : i32
      %mul3A_225 = arith.muli %add3A_217, %mul3A_224 : i32
      %dma_start3A_226 = arith.constant 0 : i32
      %dma_start3A_227 = tpu.memref_slice %arg9[%mul3A_225, %dma_start3A_226] : memref<640x128xi32, #tpu.memory_space<hbm>> -> memref<80x128xi32, #tpu.memory_space<hbm>>
      %dma_start3A_228 = arith.constant 0 : i32
      %dma_start3A_229 = tpu.memref_slice %arg9[%mul3A_225, %dma_start3A_228] : memref<640x128xi32, #tpu.memory_space<hbm>> -> memref<80x128xi32, #tpu.memory_space<hbm>>
      tpu.enqueue_dma source(%dma_start3A_229 : memref<80x128xi32, #tpu.memory_space<hbm>>) target(%arg30 : memref<80x128xi32, #tpu.memory_space<vmem>>) target_semaphore(%arg42 : memref<!tpu.dma_semaphore, #tpu.memory_space<semaphore_mem>>)
      %dma_start3A_230 = arith.constant 0 : i32
      %dma_start3A_231 = tpu.memref_slice %arg3[%add3A_217, %dma_start3A_230] : memref<8x1024xf32, #tpu.memory_space<hbm>> -> memref<1x1024xf32, #tpu.memory_space<hbm>>
      %dma_start3A_232 = tpu.memref_squeeze %dma_start3A_231 : memref<1x1024xf32, #tpu.memory_space<hbm>> -> memref<1024xf32, #tpu.memory_space<hbm>>
      %dma_start3A_233 = arith.constant 0 : i32
      %dma_start3A_234 = tpu.memref_slice %arg3[%add3A_217, %dma_start3A_233] : memref<8x1024xf32, #tpu.memory_space<hbm>> -> memref<1x1024xf32, #tpu.memory_space<hbm>>
      %dma_start3A_235 = tpu.memref_squeeze %dma_start3A_234 : memref<1x1024xf32, #tpu.memory_space<hbm>> -> memref<1024xf32, #tpu.memory_space<hbm>>
      tpu.enqueue_dma source(%dma_start3A_235 : memref<1024xf32, #tpu.memory_space<hbm>>) target(%arg16 : memref<1024xf32, #tpu.memory_space<vmem>>) target_semaphore(%arg42 : memref<!tpu.dma_semaphore, #tpu.memory_space<semaphore_mem>>)
      %dma_start3A_236 = arith.constant 0 : i32
      %dma_start3A_237 = tpu.memref_slice %arg4[%add3A_217, %dma_start3A_236] : memref<8x1024xf32, #tpu.memory_space<hbm>> -> memref<1x1024xf32, #tpu.memory_space<hbm>>
      %dma_start3A_238 = tpu.memref_squeeze %dma_start3A_237 : memref<1x1024xf32, #tpu.memory_space<hbm>> -> memref<1024xf32, #tpu.memory_space<hbm>>
      %dma_start3A_239 = arith.constant 0 : i32
      %dma_start3A_240 = tpu.memref_slice %arg4[%add3A_217, %dma_start3A_239] : memref<8x1024xf32, #tpu.memory_space<hbm>> -> memref<1x1024xf32, #tpu.memory_space<hbm>>
      %dma_start3A_241 = tpu.memref_squeeze %dma_start3A_240 : memref<1x1024xf32, #tpu.memory_space<hbm>> -> memref<1024xf32, #tpu.memory_space<hbm>>
      tpu.enqueue_dma source(%dma_start3A_241 : memref<1024xf32, #tpu.memory_space<hbm>>) target(%arg17 : memref<1024xf32, #tpu.memory_space<vmem>>) target_semaphore(%arg42 : memref<!tpu.dma_semaphore, #tpu.memory_space<semaphore_mem>>)
      %dma_start3A_242 = arith.constant 0 : i32
      %dma_start3A_243 = tpu.memref_slice %arg5[%add3A_217, %dma_start3A_242] : memref<8x1024xf32, #tpu.memory_space<hbm>> -> memref<1x1024xf32, #tpu.memory_space<hbm>>
      %dma_start3A_244 = tpu.memref_squeeze %dma_start3A_243 : memref<1x1024xf32, #tpu.memory_space<hbm>> -> memref<1024xf32, #tpu.memory_space<hbm>>
      %dma_start3A_245 = arith.constant 0 : i32
      %dma_start3A_246 = tpu.memref_slice %arg5[%add3A_217, %dma_start3A_245] : memref<8x1024xf32, #tpu.memory_space<hbm>> -> memref<1x1024xf32, #tpu.memory_space<hbm>>
      %dma_start3A_247 = tpu.memref_squeeze %dma_start3A_246 : memref<1x1024xf32, #tpu.memory_space<hbm>> -> memref<1024xf32, #tpu.memory_space<hbm>>
      tpu.enqueue_dma source(%dma_start3A_247 : memref<1024xf32, #tpu.memory_space<hbm>>) target(%arg18 : memref<1024xf32, #tpu.memory_space<vmem>>) target_semaphore(%arg42 : memref<!tpu.dma_semaphore, #tpu.memory_space<semaphore_mem>>)
      %dma_start3A_248 = arith.constant 0 : i32
      %dma_start3A_249 = tpu.memref_slice %arg6[%add3A_217, %dma_start3A_248] : memref<8x1024xf32, #tpu.memory_space<hbm>> -> memref<1x1024xf32, #tpu.memory_space<hbm>>
      %dma_start3A_250 = tpu.memref_squeeze %dma_start3A_249 : memref<1x1024xf32, #tpu.memory_space<hbm>> -> memref<1024xf32, #tpu.memory_space<hbm>>
      %dma_start3A_251 = arith.constant 0 : i32
      %dma_start3A_252 = tpu.memref_slice %arg6[%add3A_217, %dma_start3A_251] : memref<8x1024xf32, #tpu.memory_space<hbm>> -> memref<1x1024xf32, #tpu.memory_space<hbm>>
      %dma_start3A_253 = tpu.memref_squeeze %dma_start3A_252 : memref<1x1024xf32, #tpu.memory_space<hbm>> -> memref<1024xf32, #tpu.memory_space<hbm>>
      tpu.enqueue_dma source(%dma_start3A_253 : memref<1024xf32, #tpu.memory_space<hbm>>) target(%arg19 : memref<1024xf32, #tpu.memory_space<vmem>>) target_semaphore(%arg42 : memref<!tpu.dma_semaphore, #tpu.memory_space<semaphore_mem>>)
      %dma_wait3A_254 = arith.constant 0 : i32
      %dma_wait3A_255 = tpu.memref_slice %arg8[%mul3A_219, %dma_wait3A_254] : memref<640x128xf32, #tpu.memory_space<hbm>> -> memref<80x128xf32, #tpu.memory_space<hbm>>
      %dma_wait3A_256 = arith.constant 0 : i32
      %dma_wait3A_257 = tpu.memref_slice %arg8[%mul3A_219, %dma_wait3A_256] : memref<640x128xf32, #tpu.memory_space<hbm>> -> memref<80x128xf32, #tpu.memory_space<hbm>>
      tpu.wait_dma2 semaphore(%arg42 : memref<!tpu.dma_semaphore, #tpu.memory_space<semaphore_mem>>) src(%dma_wait3A_257 : memref<80x128xf32, #tpu.memory_space<hbm>>) dst(%arg29 : memref<80x128xf32, #tpu.memory_space<vmem>>)
      %dma_wait3A_258 = arith.constant 0 : i32
      %dma_wait3A_259 = tpu.memref_slice %arg9[%mul3A_225, %dma_wait3A_258] : memref<640x128xi32, #tpu.memory_space<hbm>> -> memref<80x128xi32, #tpu.memory_space<hbm>>
      %dma_wait3A_260 = arith.constant 0 : i32
      %dma_wait3A_261 = tpu.memref_slice %arg9[%mul3A_225, %dma_wait3A_260] : memref<640x128xi32, #tpu.memory_space<hbm>> -> memref<80x128xi32, #tpu.memory_space<hbm>>
      tpu.wait_dma2 semaphore(%arg42 : memref<!tpu.dma_semaphore, #tpu.memory_space<semaphore_mem>>) src(%dma_wait3A_261 : memref<80x128xi32, #tpu.memory_space<hbm>>) dst(%arg30 : memref<80x128xi32, #tpu.memory_space<vmem>>)
      %dma_wait3A_262 = arith.constant 0 : i32
      %dma_wait3A_263 = tpu.memref_slice %arg3[%add3A_217, %dma_wait3A_262] : memref<8x1024xf32, #tpu.memory_space<hbm>> -> memref<1x1024xf32, #tpu.memory_space<hbm>>
      %dma_wait3A_264 = tpu.memref_squeeze %dma_wait3A_263 : memref<1x1024xf32, #tpu.memory_space<hbm>> -> memref<1024xf32, #tpu.memory_space<hbm>>
      %dma_wait3A_265 = arith.constant 0 : i32
      %dma_wait3A_266 = tpu.memref_slice %arg3[%add3A_217, %dma_wait3A_265] : memref<8x1024xf32, #tpu.memory_space<hbm>> -> memref<1x1024xf32, #tpu.memory_space<hbm>>
      %dma_wait3A_267 = tpu.memref_squeeze %dma_wait3A_266 : memref<1x1024xf32, #tpu.memory_space<hbm>> -> memref<1024xf32, #tpu.memory_space<hbm>>
      tpu.wait_dma2 semaphore(%arg42 : memref<!tpu.dma_semaphore, #tpu.memory_space<semaphore_mem>>) src(%dma_wait3A_267 : memref<1024xf32, #tpu.memory_space<hbm>>) dst(%arg16 : memref<1024xf32, #tpu.memory_space<vmem>>)
      %dma_wait3A_268 = arith.constant 0 : i32
      %dma_wait3A_269 = tpu.memref_slice %arg4[%add3A_217, %dma_wait3A_268] : memref<8x1024xf32, #tpu.memory_space<hbm>> -> memref<1x1024xf32, #tpu.memory_space<hbm>>
      %dma_wait3A_270 = tpu.memref_squeeze %dma_wait3A_269 : memref<1x1024xf32, #tpu.memory_space<hbm>> -> memref<1024xf32, #tpu.memory_space<hbm>>
      %dma_wait3A_271 = arith.constant 0 : i32
      %dma_wait3A_272 = tpu.memref_slice %arg4[%add3A_217, %dma_wait3A_271] : memref<8x1024xf32, #tpu.memory_space<hbm>> -> memref<1x1024xf32, #tpu.memory_space<hbm>>
      %dma_wait3A_273 = tpu.memref_squeeze %dma_wait3A_272 : memref<1x1024xf32, #tpu.memory_space<hbm>> -> memref<1024xf32, #tpu.memory_space<hbm>>
      tpu.wait_dma2 semaphore(%arg42 : memref<!tpu.dma_semaphore, #tpu.memory_space<semaphore_mem>>) src(%dma_wait3A_273 : memref<1024xf32, #tpu.memory_space<hbm>>) dst(%arg17 : memref<1024xf32, #tpu.memory_space<vmem>>)
      %dma_wait3A_274 = arith.constant 0 : i32
      %dma_wait3A_275 = tpu.memref_slice %arg5[%add3A_217, %dma_wait3A_274] : memref<8x1024xf32, #tpu.memory_space<hbm>> -> memref<1x1024xf32, #tpu.memory_space<hbm>>
      %dma_wait3A_276 = tpu.memref_squeeze %dma_wait3A_275 : memref<1x1024xf32, #tpu.memory_space<hbm>> -> memref<1024xf32, #tpu.memory_space<hbm>>
      %dma_wait3A_277 = arith.constant 0 : i32
      %dma_wait3A_278 = tpu.memref_slice %arg5[%add3A_217, %dma_wait3A_277] : memref<8x1024xf32, #tpu.memory_space<hbm>> -> memref<1x1024xf32, #tpu.memory_space<hbm>>
      %dma_wait3A_279 = tpu.memref_squeeze %dma_wait3A_278 : memref<1x1024xf32, #tpu.memory_space<hbm>> -> memref<1024xf32, #tpu.memory_space<hbm>>
      tpu.wait_dma2 semaphore(%arg42 : memref<!tpu.dma_semaphore, #tpu.memory_space<semaphore_mem>>) src(%dma_wait3A_279 : memref<1024xf32, #tpu.memory_space<hbm>>) dst(%arg18 : memref<1024xf32, #tpu.memory_space<vmem>>)
      %dma_wait3A_280 = arith.constant 0 : i32
      %dma_wait3A_281 = tpu.memref_slice %arg6[%add3A_217, %dma_wait3A_280] : memref<8x1024xf32, #tpu.memory_space<hbm>> -> memref<1x1024xf32, #tpu.memory_space<hbm>>
      %dma_wait3A_282 = tpu.memref_squeeze %dma_wait3A_281 : memref<1x1024xf32, #tpu.memory_space<hbm>> -> memref<1024xf32, #tpu.memory_space<hbm>>
      %dma_wait3A_283 = arith.constant 0 : i32
      %dma_wait3A_284 = tpu.memref_slice %arg6[%add3A_217, %dma_wait3A_283] : memref<8x1024xf32, #tpu.memory_space<hbm>> -> memref<1x1024xf32, #tpu.memory_space<hbm>>
      %dma_wait3A_285 = tpu.memref_squeeze %dma_wait3A_284 : memref<1x1024xf32, #tpu.memory_space<hbm>> -> memref<1024xf32, #tpu.memory_space<hbm>>
      tpu.wait_dma2 semaphore(%arg42 : memref<!tpu.dma_semaphore, #tpu.memory_space<semaphore_mem>>) src(%dma_wait3A_285 : memref<1024xf32, #tpu.memory_space<hbm>>) dst(%arg19 : memref<1024xf32, #tpu.memory_space<vmem>>)
      %broadcast_in_dim3A_286 = arith.constant 0.000000e+00 : f32
      %broadcast_in_dim3A_287 = vector.broadcast %broadcast_in_dim3A_286 : f32 to vector<16xf32>
      %swap3A = arith.constant 0 : index
      %swap3A_288 = tpu.vector_load %arg31[%swap3A] {strides = array<i32>} : memref<128xf32, #tpu.memory_space<vmem>>, vector<16xf32>,
      tpu.vector_store %arg31[%swap3A], %broadcast_in_dim3A_287 {strides = array<i32>} : memref<128xf32, #tpu.memory_space<vmem>>, vector<16xf32>,
      %broadcast_in_dim3A_289 = arith.constant 0.000000e+00 : f32
      %broadcast_in_dim3A_290 = vector.broadcast %broadcast_in_dim3A_289 : f32 to vector<16xf32>
      %swap3A_291 = arith.constant 0 : index
      %swap3A_292 = tpu.vector_load %arg32[%swap3A_291] {strides = array<i32>} : memref<128xf32, #tpu.memory_space<vmem>>, vector<16xf32>,
      tpu.vector_store %arg32[%swap3A_291], %broadcast_in_dim3A_290 {strides = array<i32>} : memref<128xf32, #tpu.memory_space<vmem>>, vector<16xf32>,
      %broadcast_in_dim3A_293 = arith.constant 0.000000e+00 : f32
      %broadcast_in_dim3A_294 = vector.broadcast %broadcast_in_dim3A_293 : f32 to vector<16xf32>
      %swap3A_295 = arith.constant 0 : index
      %swap3A_296 = tpu.vector_load %arg33[%swap3A_295] {strides = array<i32>} : memref<128xf32, #tpu.memory_space<vmem>>, vector<16xf32>,
      tpu.vector_store %arg33[%swap3A_295], %broadcast_in_dim3A_294 {strides = array<i32>} : memref<128xf32, #tpu.memory_space<vmem>>, vector<16xf32>,
      %broadcast_in_dim3A_297 = arith.constant 0.000000e+00 : f32
      %broadcast_in_dim3A_298 = vector.broadcast %broadcast_in_dim3A_297 : f32 to vector<16xf32>
      %swap3A_299 = arith.constant 0 : index
      %swap3A_300 = tpu.vector_load %arg34[%swap3A_299] {strides = array<i32>} : memref<128xf32, #tpu.memory_space<vmem>>, vector<16xf32>,
      tpu.vector_store %arg34[%swap3A_299], %broadcast_in_dim3A_298 {strides = array<i32>} : memref<128xf32, #tpu.memory_space<vmem>>, vector<16xf32>,
      %broadcast_in_dim3A_301 = arith.constant 0.000000e+00 : f32
      %broadcast_in_dim3A_302 = vector.broadcast %broadcast_in_dim3A_301 : f32 to vector<16xf32>
      %swap3A_303 = arith.constant 0 : index
      %swap3A_304 = tpu.vector_load %arg35[%swap3A_303] {strides = array<i32>} : memref<128xf32, #tpu.memory_space<vmem>>, vector<16xf32>,
      tpu.vector_store %arg35[%swap3A_303], %broadcast_in_dim3A_302 {strides = array<i32>} : memref<128xf32, #tpu.memory_space<vmem>>, vector<16xf32>,
      %broadcast_in_dim3A_305 = arith.constant 0.000000e+00 : f32
      %broadcast_in_dim3A_306 = vector.broadcast %broadcast_in_dim3A_305 : f32 to vector<16xf32>
      %swap3A_307 = arith.constant 0 : index
      %swap3A_308 = tpu.vector_load %arg36[%swap3A_307] {strides = array<i32>} : memref<128xf32, #tpu.memory_space<vmem>>, vector<16xf32>,
      tpu.vector_store %arg36[%swap3A_307], %broadcast_in_dim3A_306 {strides = array<i32>} : memref<128xf32, #tpu.memory_space<vmem>>, vector<16xf32>,
      %broadcast_in_dim3A_309 = arith.constant 0.000000e+00 : f32
      %broadcast_in_dim3A_310 = vector.broadcast %broadcast_in_dim3A_309 : f32 to vector<16xf32>
      %swap3A_311 = arith.constant 16 : index
      %swap3A_312 = tpu.vector_load %arg31[%swap3A_311] {strides = array<i32>} : memref<128xf32, #tpu.memory_space<vmem>>, vector<16xf32>,
      tpu.vector_store %arg31[%swap3A_311], %broadcast_in_dim3A_310 {strides = array<i32>} : memref<128xf32, #tpu.memory_space<vmem>>, vector<16xf32>,
      %broadcast_in_dim3A_313 = arith.constant 0.000000e+00 : f32
      %broadcast_in_dim3A_314 = vector.broadcast %broadcast_in_dim3A_313 : f32 to vector<16xf32>
      %swap3A_315 = arith.constant 16 : index
      %swap3A_316 = tpu.vector_load %arg32[%swap3A_315] {strides = array<i32>} : memref<128xf32, #tpu.memory_space<vmem>>, vector<16xf32>,
      tpu.vector_store %arg32[%swap3A_315], %broadcast_in_dim3A_314 {strides = array<i32>} : memref<128xf32, #tpu.memory_space<vmem>>, vector<16xf32>,
      %broadcast_in_dim3A_317 = arith.constant 0.000000e+00 : f32
      %broadcast_in_dim3A_318 = vector.broadcast %broadcast_in_dim3A_317 : f32 to vector<16xf32>
      %swap3A_319 = arith.constant 16 : index
      %swap3A_320 = tpu.vector_load %arg33[%swap3A_319] {strides = array<i32>} : memref<128xf32, #tpu.memory_space<vmem>>, vector<16xf32>,
      tpu.vector_store %arg33[%swap3A_319], %broadcast_in_dim3A_318 {strides = array<i32>} : memref<128xf32, #tpu.memory_space<vmem>>, vector<16xf32>,
      %broadcast_in_dim3A_321 = arith.constant 0.000000e+00 : f32
      %broadcast_in_dim3A_322 = vector.broadcast %broadcast_in_dim3A_321 : f32 to vector<16xf32>
      %swap3A_323 = arith.constant 16 : index
      %swap3A_324 = tpu.vector_load %arg34[%swap3A_323] {strides = array<i32>} : memref<128xf32, #tpu.memory_space<vmem>>, vector<16xf32>,
      tpu.vector_store %arg34[%swap3A_323], %broadcast_in_dim3A_322 {strides = array<i32>} : memref<128xf32, #tpu.memory_space<vmem>>, vector<16xf32>,
      %broadcast_in_dim3A_325 = arith.constant 0.000000e+00 : f32
      %broadcast_in_dim3A_326 = vector.broadcast %broadcast_in_dim3A_325 : f32 to vector<16xf32>
      %swap3A_327 = arith.constant 16 : index
      %swap3A_328 = tpu.vector_load %arg35[%swap3A_327] {strides = array<i32>} : memref<128xf32, #tpu.memory_space<vmem>>, vector<16xf32>,
      tpu.vector_store %arg35[%swap3A_327], %broadcast_in_dim3A_326 {strides = array<i32>} : memref<128xf32, #tpu.memory_space<vmem>>, vector<16xf32>,
      %broadcast_in_dim3A_329 = arith.constant 0.000000e+00 : f32
      %broadcast_in_dim3A_330 = vector.broadcast %broadcast_in_dim3A_329 : f32 to vector<16xf32>
      %swap3A_331 = arith.constant 16 : index
      %swap3A_332 = tpu.vector_load %arg36[%swap3A_331] {strides = array<i32>} : memref<128xf32, #tpu.memory_space<vmem>>, vector<16xf32>,
      tpu.vector_store %arg36[%swap3A_331], %broadcast_in_dim3A_330 {strides = array<i32>} : memref<128xf32, #tpu.memory_space<vmem>>, vector<16xf32>,
      %broadcast_in_dim3A_333 = arith.constant 0.000000e+00 : f32
      %broadcast_in_dim3A_334 = vector.broadcast %broadcast_in_dim3A_333 : f32 to vector<16xf32>
      %swap3A_335 = arith.constant 32 : index
      %swap3A_336 = tpu.vector_load %arg31[%swap3A_335] {strides = array<i32>} : memref<128xf32, #tpu.memory_space<vmem>>, vector<16xf32>,
      tpu.vector_store %arg31[%swap3A_335], %broadcast_in_dim3A_334 {strides = array<i32>} : memref<128xf32, #tpu.memory_space<vmem>>, vector<16xf32>,
      %broadcast_in_dim3A_337 = arith.constant 0.000000e+00 : f32
      %broadcast_in_dim3A_338 = vector.broadcast %broadcast_in_dim3A_337 : f32 to vector<16xf32>
      %swap3A_339 = arith.constant 32 : index
      %swap3A_340 = tpu.vector_load %arg32[%swap3A_339] {strides = array<i32>} : memref<128xf32, #tpu.memory_space<vmem>>, vector<16xf32>,
      tpu.vector_store %arg32[%swap3A_339], %broadcast_in_dim3A_338 {strides = array<i32>} : memref<128xf32, #tpu.memory_space<vmem>>, vector<16xf32>,
      %broadcast_in_dim3A_341 = arith.constant 0.000000e+00 : f32
      %broadcast_in_dim3A_342 = vector.broadcast %broadcast_in_dim3A_341 : f32 to vector<16xf32>
      %swap3A_343 = arith.constant 32 : index
      %swap3A_344 = tpu.vector_load %arg33[%swap3A_343] {strides = array<i32>} : memref<128xf32, #tpu.memory_space<vmem>>, vector<16xf32>,
      tpu.vector_store %arg33[%swap3A_343], %broadcast_in_dim3A_342 {strides = array<i32>} : memref<128xf32, #tpu.memory_space<vmem>>, vector<16xf32>,
      %broadcast_in_dim3A_345 = arith.constant 0.000000e+00 : f32
      %broadcast_in_dim3A_346 = vector.broadcast %broadcast_in_dim3A_345 : f32 to vector<16xf32>
      %swap3A_347 = arith.constant 32 : index
      %swap3A_348 = tpu.vector_load %arg34[%swap3A_347] {strides = array<i32>} : memref<128xf32, #tpu.memory_space<vmem>>, vector<16xf32>,
      tpu.vector_store %arg34[%swap3A_347], %broadcast_in_dim3A_346 {strides = array<i32>} : memref<128xf32, #tpu.memory_space<vmem>>, vector<16xf32>,
      %broadcast_in_dim3A_349 = arith.constant 0.000000e+00 : f32
      %broadcast_in_dim3A_350 = vector.broadcast %broadcast_in_dim3A_349 : f32 to vector<16xf32>
      %swap3A_351 = arith.constant 32 : index
      %swap3A_352 = tpu.vector_load %arg35[%swap3A_351] {strides = array<i32>} : memref<128xf32, #tpu.memory_space<vmem>>, vector<16xf32>,
      tpu.vector_store %arg35[%swap3A_351], %broadcast_in_dim3A_350 {strides = array<i32>} : memref<128xf32, #tpu.memory_space<vmem>>, vector<16xf32>,
      %broadcast_in_dim3A_353 = arith.constant 0.000000e+00 : f32
      %broadcast_in_dim3A_354 = vector.broadcast %broadcast_in_dim3A_353 : f32 to vector<16xf32>
      %swap3A_355 = arith.constant 32 : index
      %swap3A_356 = tpu.vector_load %arg36[%swap3A_355] {strides = array<i32>} : memref<128xf32, #tpu.memory_space<vmem>>, vector<16xf32>,
      tpu.vector_store %arg36[%swap3A_355], %broadcast_in_dim3A_354 {strides = array<i32>} : memref<128xf32, #tpu.memory_space<vmem>>, vector<16xf32>,
      %broadcast_in_dim3A_357 = arith.constant 0.000000e+00 : f32
      %broadcast_in_dim3A_358 = vector.broadcast %broadcast_in_dim3A_357 : f32 to vector<16xf32>
      %swap3A_359 = arith.constant 48 : index
      %swap3A_360 = tpu.vector_load %arg31[%swap3A_359] {strides = array<i32>} : memref<128xf32, #tpu.memory_space<vmem>>, vector<16xf32>,
      tpu.vector_store %arg31[%swap3A_359], %broadcast_in_dim3A_358 {strides = array<i32>} : memref<128xf32, #tpu.memory_space<vmem>>, vector<16xf32>,
      %broadcast_in_dim3A_361 = arith.constant 0.000000e+00 : f32
      %broadcast_in_dim3A_362 = vector.broadcast %broadcast_in_dim3A_361 : f32 to vector<16xf32>
      %swap3A_363 = arith.constant 48 : index
      %swap3A_364 = tpu.vector_load %arg32[%swap3A_363] {strides = array<i32>} : memref<128xf32, #tpu.memory_space<vmem>>, vector<16xf32>,
      tpu.vector_store %arg32[%swap3A_363], %broadcast_in_dim3A_362 {strides = array<i32>} : memref<128xf32, #tpu.memory_space<vmem>>, vector<16xf32>,
      %broadcast_in_dim3A_365 = arith.constant 0.000000e+00 : f32
      %broadcast_in_dim3A_366 = vector.broadcast %broadcast_in_dim3A_365 : f32 to vector<16xf32>
      %swap3A_367 = arith.constant 48 : index
      %swap3A_368 = tpu.vector_load %arg33[%swap3A_367] {strides = array<i32>} : memref<128xf32, #tpu.memory_space<vmem>>, vector<16xf32>,
      tpu.vector_store %arg33[%swap3A_367], %broadcast_in_dim3A_366 {strides = array<i32>} : memref<128xf32, #tpu.memory_space<vmem>>, vector<16xf32>,
      %broadcast_in_dim3A_369 = arith.constant 0.000000e+00 : f32
      %broadcast_in_dim3A_370 = vector.broadcast %broadcast_in_dim3A_369 : f32 to vector<16xf32>
      %swap3A_371 = arith.constant 48 : index
      %swap3A_372 = tpu.vector_load %arg34[%swap3A_371] {strides = array<i32>} : memref<128xf32, #tpu.memory_space<vmem>>, vector<16xf32>,
      tpu.vector_store %arg34[%swap3A_371], %broadcast_in_dim3A_370 {strides = array<i32>} : memref<128xf32, #tpu.memory_space<vmem>>, vector<16xf32>,
      %broadcast_in_dim3A_373 = arith.constant 0.000000e+00 : f32
      %broadcast_in_dim3A_374 = vector.broadcast %broadcast_in_dim3A_373 : f32 to vector<16xf32>
      %swap3A_375 = arith.constant 48 : index
      %swap3A_376 = tpu.vector_load %arg35[%swap3A_375] {strides = array<i32>} : memref<128xf32, #tpu.memory_space<vmem>>, vector<16xf32>,
      tpu.vector_store %arg35[%swap3A_375], %broadcast_in_dim3A_374 {strides = array<i32>} : memref<128xf32, #tpu.memory_space<vmem>>, vector<16xf32>,
      %broadcast_in_dim3A_377 = arith.constant 0.000000e+00 : f32
      %broadcast_in_dim3A_378 = vector.broadcast %broadcast_in_dim3A_377 : f32 to vector<16xf32>
      %swap3A_379 = arith.constant 48 : index
      %swap3A_380 = tpu.vector_load %arg36[%swap3A_379] {strides = array<i32>} : memref<128xf32, #tpu.memory_space<vmem>>, vector<16xf32>,
      tpu.vector_store %arg36[%swap3A_379], %broadcast_in_dim3A_378 {strides = array<i32>} : memref<128xf32, #tpu.memory_space<vmem>>, vector<16xf32>,
      %broadcast_in_dim3A_381 = arith.constant 0.000000e+00 : f32
      %broadcast_in_dim3A_382 = vector.broadcast %broadcast_in_dim3A_381 : f32 to vector<16xf32>
      %swap3A_383 = arith.constant 64 : index
      %swap3A_384 = tpu.vector_load %arg31[%swap3A_383] {strides = array<i32>} : memref<128xf32, #tpu.memory_space<vmem>>, vector<16xf32>,
      tpu.vector_store %arg31[%swap3A_383], %broadcast_in_dim3A_382 {strides = array<i32>} : memref<128xf32, #tpu.memory_space<vmem>>, vector<16xf32>,
      %broadcast_in_dim3A_385 = arith.constant 0.000000e+00 : f32
      %broadcast_in_dim3A_386 = vector.broadcast %broadcast_in_dim3A_385 : f32 to vector<16xf32>
      %swap3A_387 = arith.constant 64 : index
      %swap3A_388 = tpu.vector_load %arg32[%swap3A_387] {strides = array<i32>} : memref<128xf32, #tpu.memory_space<vmem>>, vector<16xf32>,
      tpu.vector_store %arg32[%swap3A_387], %broadcast_in_dim3A_386 {strides = array<i32>} : memref<128xf32, #tpu.memory_space<vmem>>, vector<16xf32>,
      %broadcast_in_dim3A_389 = arith.constant 0.000000e+00 : f32
      %broadcast_in_dim3A_390 = vector.broadcast %broadcast_in_dim3A_389 : f32 to vector<16xf32>
      %swap3A_391 = arith.constant 64 : index
      %swap3A_392 = tpu.vector_load %arg33[%swap3A_391] {strides = array<i32>} : memref<128xf32, #tpu.memory_space<vmem>>, vector<16xf32>,
      tpu.vector_store %arg33[%swap3A_391], %broadcast_in_dim3A_390 {strides = array<i32>} : memref<128xf32, #tpu.memory_space<vmem>>, vector<16xf32>,
      %broadcast_in_dim3A_393 = arith.constant 0.000000e+00 : f32
      %broadcast_in_dim3A_394 = vector.broadcast %broadcast_in_dim3A_393 : f32 to vector<16xf32>
      %swap3A_395 = arith.constant 64 : index
      %swap3A_396 = tpu.vector_load %arg34[%swap3A_395] {strides = array<i32>} : memref<128xf32, #tpu.memory_space<vmem>>, vector<16xf32>,
      tpu.vector_store %arg34[%swap3A_395], %broadcast_in_dim3A_394 {strides = array<i32>} : memref<128xf32, #tpu.memory_space<vmem>>, vector<16xf32>,
      %broadcast_in_dim3A_397 = arith.constant 0.000000e+00 : f32
      %broadcast_in_dim3A_398 = vector.broadcast %broadcast_in_dim3A_397 : f32 to vector<16xf32>
      %swap3A_399 = arith.constant 64 : index
      %swap3A_400 = tpu.vector_load %arg35[%swap3A_399] {strides = array<i32>} : memref<128xf32, #tpu.memory_space<vmem>>, vector<16xf32>,
      tpu.vector_store %arg35[%swap3A_399], %broadcast_in_dim3A_398 {strides = array<i32>} : memref<128xf32, #tpu.memory_space<vmem>>, vector<16xf32>,
      %broadcast_in_dim3A_401 = arith.constant 0.000000e+00 : f32
      %broadcast_in_dim3A_402 = vector.broadcast %broadcast_in_dim3A_401 : f32 to vector<16xf32>
      %swap3A_403 = arith.constant 64 : index
      %swap3A_404 = tpu.vector_load %arg36[%swap3A_403] {strides = array<i32>} : memref<128xf32, #tpu.memory_space<vmem>>, vector<16xf32>,
      tpu.vector_store %arg36[%swap3A_403], %broadcast_in_dim3A_402 {strides = array<i32>} : memref<128xf32, #tpu.memory_space<vmem>>, vector<16xf32>,
      %broadcast_in_dim3A_405 = arith.constant 0.000000e+00 : f32
      %broadcast_in_dim3A_406 = vector.broadcast %broadcast_in_dim3A_405 : f32 to vector<16xf32>
      %swap3A_407 = arith.constant 80 : index
      %swap3A_408 = tpu.vector_load %arg31[%swap3A_407] {strides = array<i32>} : memref<128xf32, #tpu.memory_space<vmem>>, vector<16xf32>,
      tpu.vector_store %arg31[%swap3A_407], %broadcast_in_dim3A_406 {strides = array<i32>} : memref<128xf32, #tpu.memory_space<vmem>>, vector<16xf32>,
      %broadcast_in_dim3A_409 = arith.constant 0.000000e+00 : f32
      %broadcast_in_dim3A_410 = vector.broadcast %broadcast_in_dim3A_409 : f32 to vector<16xf32>
      %swap3A_411 = arith.constant 80 : index
      %swap3A_412 = tpu.vector_load %arg32[%swap3A_411] {strides = array<i32>} : memref<128xf32, #tpu.memory_space<vmem>>, vector<16xf32>,
      tpu.vector_store %arg32[%swap3A_411], %broadcast_in_dim3A_410 {strides = array<i32>} : memref<128xf32, #tpu.memory_space<vmem>>, vector<16xf32>,
      %broadcast_in_dim3A_413 = arith.constant 0.000000e+00 : f32
      %broadcast_in_dim3A_414 = vector.broadcast %broadcast_in_dim3A_413 : f32 to vector<16xf32>
      %swap3A_415 = arith.constant 80 : index
      %swap3A_416 = tpu.vector_load %arg33[%swap3A_415] {strides = array<i32>} : memref<128xf32, #tpu.memory_space<vmem>>, vector<16xf32>,
      tpu.vector_store %arg33[%swap3A_415], %broadcast_in_dim3A_414 {strides = array<i32>} : memref<128xf32, #tpu.memory_space<vmem>>, vector<16xf32>,
      %broadcast_in_dim3A_417 = arith.constant 0.000000e+00 : f32
      %broadcast_in_dim3A_418 = vector.broadcast %broadcast_in_dim3A_417 : f32 to vector<16xf32>
      %swap3A_419 = arith.constant 80 : index
      %swap3A_420 = tpu.vector_load %arg34[%swap3A_419] {strides = array<i32>} : memref<128xf32, #tpu.memory_space<vmem>>, vector<16xf32>,
      tpu.vector_store %arg34[%swap3A_419], %broadcast_in_dim3A_418 {strides = array<i32>} : memref<128xf32, #tpu.memory_space<vmem>>, vector<16xf32>,
      %broadcast_in_dim3A_421 = arith.constant 0.000000e+00 : f32
      %broadcast_in_dim3A_422 = vector.broadcast %broadcast_in_dim3A_421 : f32 to vector<16xf32>
      %swap3A_423 = arith.constant 80 : index
      %swap3A_424 = tpu.vector_load %arg35[%swap3A_423] {strides = array<i32>} : memref<128xf32, #tpu.memory_space<vmem>>, vector<16xf32>,
      tpu.vector_store %arg35[%swap3A_423], %broadcast_in_dim3A_422 {strides = array<i32>} : memref<128xf32, #tpu.memory_space<vmem>>, vector<16xf32>,
      %broadcast_in_dim3A_425 = arith.constant 0.000000e+00 : f32
      %broadcast_in_dim3A_426 = vector.broadcast %broadcast_in_dim3A_425 : f32 to vector<16xf32>
      %swap3A_427 = arith.constant 80 : index
      %swap3A_428 = tpu.vector_load %arg36[%swap3A_427] {strides = array<i32>} : memref<128xf32, #tpu.memory_space<vmem>>, vector<16xf32>,
      tpu.vector_store %arg36[%swap3A_427], %broadcast_in_dim3A_426 {strides = array<i32>} : memref<128xf32, #tpu.memory_space<vmem>>, vector<16xf32>,
      %broadcast_in_dim3A_429 = arith.constant 0.000000e+00 : f32
      %broadcast_in_dim3A_430 = vector.broadcast %broadcast_in_dim3A_429 : f32 to vector<16xf32>
      %swap3A_431 = arith.constant 96 : index
      %swap3A_432 = tpu.vector_load %arg31[%swap3A_431] {strides = array<i32>} : memref<128xf32, #tpu.memory_space<vmem>>, vector<16xf32>,
      tpu.vector_store %arg31[%swap3A_431], %broadcast_in_dim3A_430 {strides = array<i32>} : memref<128xf32, #tpu.memory_space<vmem>>, vector<16xf32>,
      %broadcast_in_dim3A_433 = arith.constant 0.000000e+00 : f32
      %broadcast_in_dim3A_434 = vector.broadcast %broadcast_in_dim3A_433 : f32 to vector<16xf32>
      %swap3A_435 = arith.constant 96 : index
      %swap3A_436 = tpu.vector_load %arg32[%swap3A_435] {strides = array<i32>} : memref<128xf32, #tpu.memory_space<vmem>>, vector<16xf32>,
      tpu.vector_store %arg32[%swap3A_435], %broadcast_in_dim3A_434 {strides = array<i32>} : memref<128xf32, #tpu.memory_space<vmem>>, vector<16xf32>,
      %broadcast_in_dim3A_437 = arith.constant 0.000000e+00 : f32
      %broadcast_in_dim3A_438 = vector.broadcast %broadcast_in_dim3A_437 : f32 to vector<16xf32>
      %swap3A_439 = arith.constant 96 : index
      %swap3A_440 = tpu.vector_load %arg33[%swap3A_439] {strides = array<i32>} : memref<128xf32, #tpu.memory_space<vmem>>, vector<16xf32>,
      tpu.vector_store %arg33[%swap3A_439], %broadcast_in_dim3A_438 {strides = array<i32>} : memref<128xf32, #tpu.memory_space<vmem>>, vector<16xf32>,
      %broadcast_in_dim3A_441 = arith.constant 0.000000e+00 : f32
      %broadcast_in_dim3A_442 = vector.broadcast %broadcast_in_dim3A_441 : f32 to vector<16xf32>
      %swap3A_443 = arith.constant 96 : index
      %swap3A_444 = tpu.vector_load %arg34[%swap3A_443] {strides = array<i32>} : memref<128xf32, #tpu.memory_space<vmem>>, vector<16xf32>,
      tpu.vector_store %arg34[%swap3A_443], %broadcast_in_dim3A_442 {strides = array<i32>} : memref<128xf32, #tpu.memory_space<vmem>>, vector<16xf32>,
      %broadcast_in_dim3A_445 = arith.constant 0.000000e+00 : f32
      %broadcast_in_dim3A_446 = vector.broadcast %broadcast_in_dim3A_445 : f32 to vector<16xf32>
      %swap3A_447 = arith.constant 96 : index
      %swap3A_448 = tpu.vector_load %arg35[%swap3A_447] {strides = array<i32>} : memref<128xf32, #tpu.memory_space<vmem>>, vector<16xf32>,
      tpu.vector_store %arg35[%swap3A_447], %broadcast_in_dim3A_446 {strides = array<i32>} : memref<128xf32, #tpu.memory_space<vmem>>, vector<16xf32>,
      %broadcast_in_dim3A_449 = arith.constant 0.000000e+00 : f32
      %broadcast_in_dim3A_450 = vector.broadcast %broadcast_in_dim3A_449 : f32 to vector<16xf32>
      %swap3A_451 = arith.constant 96 : index
      %swap3A_452 = tpu.vector_load %arg36[%swap3A_451] {strides = array<i32>} : memref<128xf32, #tpu.memory_space<vmem>>, vector<16xf32>,
      tpu.vector_store %arg36[%swap3A_451], %broadcast_in_dim3A_450 {strides = array<i32>} : memref<128xf32, #tpu.memory_space<vmem>>, vector<16xf32>,
      %broadcast_in_dim3A_453 = arith.constant 0.000000e+00 : f32
      %broadcast_in_dim3A_454 = vector.broadcast %broadcast_in_dim3A_453 : f32 to vector<16xf32>
      %swap3A_455 = arith.constant 112 : index
      %swap3A_456 = tpu.vector_load %arg31[%swap3A_455] {strides = array<i32>} : memref<128xf32, #tpu.memory_space<vmem>>, vector<16xf32>,
      tpu.vector_store %arg31[%swap3A_455], %broadcast_in_dim3A_454 {strides = array<i32>} : memref<128xf32, #tpu.memory_space<vmem>>, vector<16xf32>,
      %broadcast_in_dim3A_457 = arith.constant 0.000000e+00 : f32
      %broadcast_in_dim3A_458 = vector.broadcast %broadcast_in_dim3A_457 : f32 to vector<16xf32>
      %swap3A_459 = arith.constant 112 : index
      %swap3A_460 = tpu.vector_load %arg32[%swap3A_459] {strides = array<i32>} : memref<128xf32, #tpu.memory_space<vmem>>, vector<16xf32>,
      tpu.vector_store %arg32[%swap3A_459], %broadcast_in_dim3A_458 {strides = array<i32>} : memref<128xf32, #tpu.memory_space<vmem>>, vector<16xf32>,
      %broadcast_in_dim3A_461 = arith.constant 0.000000e+00 : f32
      %broadcast_in_dim3A_462 = vector.broadcast %broadcast_in_dim3A_461 : f32 to vector<16xf32>
      %swap3A_463 = arith.constant 112 : index
      %swap3A_464 = tpu.vector_load %arg33[%swap3A_463] {strides = array<i32>} : memref<128xf32, #tpu.memory_space<vmem>>, vector<16xf32>,
      tpu.vector_store %arg33[%swap3A_463], %broadcast_in_dim3A_462 {strides = array<i32>} : memref<128xf32, #tpu.memory_space<vmem>>, vector<16xf32>,
      %broadcast_in_dim3A_465 = arith.constant 0.000000e+00 : f32
      %broadcast_in_dim3A_466 = vector.broadcast %broadcast_in_dim3A_465 : f32 to vector<16xf32>
      %swap3A_467 = arith.constant 112 : index
      %swap3A_468 = tpu.vector_load %arg34[%swap3A_467] {strides = array<i32>} : memref<128xf32, #tpu.memory_space<vmem>>, vector<16xf32>,
      tpu.vector_store %arg34[%swap3A_467], %broadcast_in_dim3A_466 {strides = array<i32>} : memref<128xf32, #tpu.memory_space<vmem>>, vector<16xf32>,
      %broadcast_in_dim3A_469 = arith.constant 0.000000e+00 : f32
      %broadcast_in_dim3A_470 = vector.broadcast %broadcast_in_dim3A_469 : f32 to vector<16xf32>
      %swap3A_471 = arith.constant 112 : index
      %swap3A_472 = tpu.vector_load %arg35[%swap3A_471] {strides = array<i32>} : memref<128xf32, #tpu.memory_space<vmem>>, vector<16xf32>,
      tpu.vector_store %arg35[%swap3A_471], %broadcast_in_dim3A_470 {strides = array<i32>} : memref<128xf32, #tpu.memory_space<vmem>>, vector<16xf32>,
      %broadcast_in_dim3A_473 = arith.constant 0.000000e+00 : f32
      %broadcast_in_dim3A_474 = vector.broadcast %broadcast_in_dim3A_473 : f32 to vector<16xf32>
      %swap3A_475 = arith.constant 112 : index
      %swap3A_476 = tpu.vector_load %arg36[%swap3A_475] {strides = array<i32>} : memref<128xf32, #tpu.memory_space<vmem>>, vector<16xf32>,
      tpu.vector_store %arg36[%swap3A_475], %broadcast_in_dim3A_474 {strides = array<i32>} : memref<128xf32, #tpu.memory_space<vmem>>, vector<16xf32>,
      %broadcast_in_dim3A_477 = arith.constant 0 : i32
      %broadcast_in_dim3A_478 = vector.broadcast %broadcast_in_dim3A_477 : i32 to vector<16xi32>
      %broadcast_in_dim3A_479 = arith.constant 0 : i32
      %broadcast_in_dim3A_480 = vector.broadcast %broadcast_in_dim3A_479 : i32 to vector<16xi32>
      %add3A_481 = arith.addi %broadcast_in_dim3A_480, %iota3A : vector<16xi32>
      %gather3A = tpu.vector_load_idx %arg29[%add3A_481, %broadcast_in_dim3A_478] : memref<80x128xf32, #tpu.memory_space<vmem>>[vector<16xi32>, vector<16xi32>], vector<16xf32>,
      %swap3A_482 = arith.constant 0 : index
      %swap3A_483 = tpu.vector_load %arg27[%swap3A_482] {strides = array<i32>} : memref<128xf32, #tpu.memory_space<vmem>>, vector<16xf32>,
      tpu.vector_store %arg27[%swap3A_482], %gather3A {strides = array<i32>} : memref<128xf32, #tpu.memory_space<vmem>>, vector<16xf32>,
      %swap3A_484 = arith.constant 0 : index
      %swap3A_485 = tpu.vector_load %arg28[%swap3A_484] {strides = array<i32>} : memref<128xi32, #tpu.memory_space<vmem>>, vector<16xi32>,
      tpu.vector_store %arg28[%swap3A_484], %broadcast_in_dim3A_478 {strides = array<i32>} : memref<128xi32, #tpu.memory_space<vmem>>, vector<16xi32>,
      %broadcast_in_dim3A_486 = arith.constant 16 : i32
      %broadcast_in_dim3A_487 = vector.broadcast %broadcast_in_dim3A_486 : i32 to vector<16xi32>
      %add3A_488 = arith.addi %broadcast_in_dim3A_487, %iota3A : vector<16xi32>
      %gather3A_489 = tpu.vector_load_idx %arg29[%add3A_488, %broadcast_in_dim3A_478] : memref<80x128xf32, #tpu.memory_space<vmem>>[vector<16xi32>, vector<16xi32>], vector<16xf32>,
      %swap3A_490 = arith.constant 16 : index
      %swap3A_491 = tpu.vector_load %arg27[%swap3A_490] {strides = array<i32>} : memref<128xf32, #tpu.memory_space<vmem>>, vector<16xf32>,
      tpu.vector_store %arg27[%swap3A_490], %gather3A_489 {strides = array<i32>} : memref<128xf32, #tpu.memory_space<vmem>>, vector<16xf32>,
      %swap3A_492 = arith.constant 16 : index
      %swap3A_493 = tpu.vector_load %arg28[%swap3A_492] {strides = array<i32>} : memref<128xi32, #tpu.memory_space<vmem>>, vector<16xi32>,
      tpu.vector_store %arg28[%swap3A_492], %broadcast_in_dim3A_478 {strides = array<i32>} : memref<128xi32, #tpu.memory_space<vmem>>, vector<16xi32>,
      %broadcast_in_dim3A_494 = arith.constant 32 : i32
      %broadcast_in_dim3A_495 = vector.broadcast %broadcast_in_dim3A_494 : i32 to vector<16xi32>
      %add3A_496 = arith.addi %broadcast_in_dim3A_495, %iota3A : vector<16xi32>
      %gather3A_497 = tpu.vector_load_idx %arg29[%add3A_496, %broadcast_in_dim3A_478] : memref<80x128xf32, #tpu.memory_space<vmem>>[vector<16xi32>, vector<16xi32>], vector<16xf32>,
      %swap3A_498 = arith.constant 32 : index
      %swap3A_499 = tpu.vector_load %arg27[%swap3A_498] {strides = array<i32>} : memref<128xf32, #tpu.memory_space<vmem>>, vector<16xf32>,
      tpu.vector_store %arg27[%swap3A_498], %gather3A_497 {strides = array<i32>} : memref<128xf32, #tpu.memory_space<vmem>>, vector<16xf32>,
      %swap3A_500 = arith.constant 32 : index
      %swap3A_501 = tpu.vector_load %arg28[%swap3A_500] {strides = array<i32>} : memref<128xi32, #tpu.memory_space<vmem>>, vector<16xi32>,
      tpu.vector_store %arg28[%swap3A_500], %broadcast_in_dim3A_478 {strides = array<i32>} : memref<128xi32, #tpu.memory_space<vmem>>, vector<16xi32>,
      %broadcast_in_dim3A_502 = arith.constant 48 : i32
      %broadcast_in_dim3A_503 = vector.broadcast %broadcast_in_dim3A_502 : i32 to vector<16xi32>
      %add3A_504 = arith.addi %broadcast_in_dim3A_503, %iota3A : vector<16xi32>
      %gather3A_505 = tpu.vector_load_idx %arg29[%add3A_504, %broadcast_in_dim3A_478] : memref<80x128xf32, #tpu.memory_space<vmem>>[vector<16xi32>, vector<16xi32>], vector<16xf32>,
      %swap3A_506 = arith.constant 48 : index
      %swap3A_507 = tpu.vector_load %arg27[%swap3A_506] {strides = array<i32>} : memref<128xf32, #tpu.memory_space<vmem>>, vector<16xf32>,
      tpu.vector_store %arg27[%swap3A_506], %gather3A_505 {strides = array<i32>} : memref<128xf32, #tpu.memory_space<vmem>>, vector<16xf32>,
      %swap3A_508 = arith.constant 48 : index
      %swap3A_509 = tpu.vector_load %arg28[%swap3A_508] {strides = array<i32>} : memref<128xi32, #tpu.memory_space<vmem>>, vector<16xi32>,
      tpu.vector_store %arg28[%swap3A_508], %broadcast_in_dim3A_478 {strides = array<i32>} : memref<128xi32, #tpu.memory_space<vmem>>, vector<16xi32>,
      %broadcast_in_dim3A_510 = arith.constant 64 : i32
      %broadcast_in_dim3A_511 = vector.broadcast %broadcast_in_dim3A_510 : i32 to vector<16xi32>
      %add3A_512 = arith.addi %broadcast_in_dim3A_511, %iota3A : vector<16xi32>
      %gather3A_513 = tpu.vector_load_idx %arg29[%add3A_512, %broadcast_in_dim3A_478] : memref<80x128xf32, #tpu.memory_space<vmem>>[vector<16xi32>, vector<16xi32>], vector<16xf32>,
      %swap3A_514 = arith.constant 64 : index
      %swap3A_515 = tpu.vector_load %arg27[%swap3A_514] {strides = array<i32>} : memref<128xf32, #tpu.memory_space<vmem>>, vector<16xf32>,
      tpu.vector_store %arg27[%swap3A_514], %gather3A_513 {strides = array<i32>} : memref<128xf32, #tpu.memory_space<vmem>>, vector<16xf32>,
      %swap3A_516 = arith.constant 64 : index
      %swap3A_517 = tpu.vector_load %arg28[%swap3A_516] {strides = array<i32>} : memref<128xi32, #tpu.memory_space<vmem>>, vector<16xi32>,
      tpu.vector_store %arg28[%swap3A_516], %broadcast_in_dim3A_478 {strides = array<i32>} : memref<128xi32, #tpu.memory_space<vmem>>, vector<16xi32>,
      %broadcast_in_dim3A_518 = arith.constant 80 : i32
      %broadcast_in_dim3A_519 = vector.broadcast %broadcast_in_dim3A_518 : i32 to vector<16xi32>
      %add3A_520 = arith.addi %broadcast_in_dim3A_519, %iota3A : vector<16xi32>
      %broadcast_in_dim3A_521 = vector.broadcast %cond3A : f32 to vector<16xf32>
      %swap3A_522 = arith.constant 80 : index
      %swap3A_523 = tpu.vector_load %arg27[%swap3A_522] {strides = array<i32>} : memref<128xf32, #tpu.memory_space<vmem>>, vector<16xf32>,
      tpu.vector_store %arg27[%swap3A_522], %broadcast_in_dim3A_521 {strides = array<i32>} : memref<128xf32, #tpu.memory_space<vmem>>, vector<16xf32>,
      %swap3A_524 = arith.constant 80 : index
      %swap3A_525 = tpu.vector_load %arg28[%swap3A_524] {strides = array<i32>} : memref<128xi32, #tpu.memory_space<vmem>>, vector<16xi32>,
      tpu.vector_store %arg28[%swap3A_524], %broadcast_in_dim3A_478 {strides = array<i32>} : memref<128xi32, #tpu.memory_space<vmem>>, vector<16xi32>,
      %broadcast_in_dim3A_526 = arith.constant 96 : i32
      %broadcast_in_dim3A_527 = vector.broadcast %broadcast_in_dim3A_526 : i32 to vector<16xi32>
      %add3A_528 = arith.addi %broadcast_in_dim3A_527, %iota3A : vector<16xi32>
      %broadcast_in_dim3A_529 = vector.broadcast %cond3A : f32 to vector<16xf32>
      %swap3A_530 = arith.constant 96 : index
      %swap3A_531 = tpu.vector_load %arg27[%swap3A_530] {strides = array<i32>} : memref<128xf32, #tpu.memory_space<vmem>>, vector<16xf32>,
      tpu.vector_store %arg27[%swap3A_530], %broadcast_in_dim3A_529 {strides = array<i32>} : memref<128xf32, #tpu.memory_space<vmem>>, vector<16xf32>,
      %swap3A_532 = arith.constant 96 : index
      %swap3A_533 = tpu.vector_load %arg28[%swap3A_532] {strides = array<i32>} : memref<128xi32, #tpu.memory_space<vmem>>, vector<16xi32>,
      tpu.vector_store %arg28[%swap3A_532], %broadcast_in_dim3A_478 {strides = array<i32>} : memref<128xi32, #tpu.memory_space<vmem>>, vector<16xi32>,
      %broadcast_in_dim3A_534 = arith.constant 112 : i32
      %broadcast_in_dim3A_535 = vector.broadcast %broadcast_in_dim3A_534 : i32 to vector<16xi32>
      %add3A_536 = arith.addi %broadcast_in_dim3A_535, %iota3A : vector<16xi32>
      %broadcast_in_dim3A_537 = vector.broadcast %cond3A : f32 to vector<16xf32>
      %swap3A_538 = arith.constant 112 : index
      %swap3A_539 = tpu.vector_load %arg27[%swap3A_538] {strides = array<i32>} : memref<128xf32, #tpu.memory_space<vmem>>, vector<16xf32>,
      tpu.vector_store %arg27[%swap3A_538], %broadcast_in_dim3A_537 {strides = array<i32>} : memref<128xf32, #tpu.memory_space<vmem>>, vector<16xf32>,
      %swap3A_540 = arith.constant 112 : index
      %swap3A_541 = tpu.vector_load %arg28[%swap3A_540] {strides = array<i32>} : memref<128xi32, #tpu.memory_space<vmem>>, vector<16xi32>,
      tpu.vector_store %arg28[%swap3A_540], %broadcast_in_dim3A_478 {strides = array<i32>} : memref<128xi32, #tpu.memory_space<vmem>>, vector<16xi32>,
      %broadcast_in_dim3A_542 = vector.broadcast %cond3A : f32 to vector<16xf32>
      %scan3A_543 = arith.constant 0 : i32
      %scan3A_544 = arith.constant 5 : i32
      %scan3A_545 = arith.addi %scan3A_543, %scan3A_544 : i32
      %scan3A_546 = arith.constant 1 : i32
      %scan3A_547:2 = scf.for %scan3A_661 = %scan3A_543 to %scan3A_545 step %scan3A_546 iter_args(%scan3A_662 = %broadcast_in_dim3A_542, %scan3A_663 = %broadcast_in_dim3A_0) -> (vector<16xf32>, vector<16xi32>)  : i32 {
        %mul3A_664 = arith.constant 16 : i32
        %mul3A_665 = arith.muli %scan3A_661, %mul3A_664 : i32
        %get3A = arith.index_cast %mul3A_665 : i32 to index
        %get3A_666 = tpu.vector_load %arg27[%get3A] {strides = array<i32>} : memref<128xf32, #tpu.memory_space<vmem>>, vector<16xf32>,
        %mul3A_667 = arith.constant 16 : i32
        %mul3A_668 = arith.muli %scan3A_661, %mul3A_667 : i32
        %broadcast_in_dim3A_669 = vector.broadcast %mul3A_668 : i32 to vector<16xi32>
        %add3A_670 = arith.addi %broadcast_in_dim3A_669, %iota3A : vector<16xi32>
        %gt3A = arith.cmpf ogt, %get3A_666, %scan3A_662 : vector<16xf32>
        %select_n3A_671 = arith.select %gt3A, %get3A_666, %scan3A_662 : vector<16xi1>, vector<16xf32>
        %select_n3A_672 = arith.select %gt3A, %add3A_670, %scan3A_663 : vector<16xi1>, vector<16xi32>
        scf.yield %select_n3A_671, %select_n3A_672 : vector<16xf32>, vector<16xi32>
      }
      %scan3A_548 = arith.constant 5 : i32
      %reduce_max3A = arith.constant true
      %reduce_max3A_549 = vector.broadcast %reduce_max3A : i1 to vector<16xi1>
      %reduce_max3A_550 = tpu.scan <max>, %scan3A_547#0 masked %reduce_max3A_549 : vector<16xf32>, vector<16xi1> -> vector<16xf32>
      %reduce_max3A_551 = vector.extract %reduce_max3A_550[15] : f32 from vector<16xf32>
      %eq3A_552 = vector.broadcast %reduce_max3A_551 : f32 to vector<16xf32>
      %eq3A_553 = arith.cmpf oeq, %scan3A_547#0, %eq3A_552 : vector<16xf32>
      %jit3A_554 = arith.constant 1048576 : i32
      %broadcast_in_dim3A_555 = vector.broadcast %jit3A_554 : i32 to vector<16xi32>
      %select_n3A_556 = arith.select %eq3A_553, %scan3A_547#1, %broadcast_in_dim3A_555 : vector<16xi1>, vector<16xi32>
      %reduce_min3A = arith.constant true
      %reduce_min3A_557 = vector.broadcast %reduce_min3A : i1 to vector<16xi1>
      %reduce_min3A_558 = arith.constant -2147483648 : i32
      %reduce_min3A_559 = vector.broadcast %reduce_min3A_558 : i32 to vector<16xi32>
      %reduce_min3A_560 = arith.xori %select_n3A_556, %reduce_min3A_559 : vector<16xi32>
      %reduce_min3A_561 = tpu.scan <min>, %reduce_min3A_560 masked %reduce_min3A_557 : vector<16xi32>, vector<16xi1> -> vector<16xi32>
      %reduce_min3A_562 = arith.xori %reduce_min3A_561, %reduce_min3A_559 : vector<16xi32>
      %reduce_min3A_563 = vector.extract %reduce_min3A_562[15] : i32 from vector<16xi32>
      %while3A = arith.constant 0 : i32
      %while3A_564:3 = scf.while (%while3A_661 = %while3A, %while3A_662 = %reduce_max3A_551, %while3A_663 = %reduce_min3A_563) : (i32, f32, i32) -> (i32, f32, i32) {
        %gt3A = arith.constant 0.000000e+00 : f32
        %gt3A_664 = arith.cmpf ogt, %while3A_662, %gt3A : f32
        %lt3A_665 = arith.constant 100 : i32
        %lt3A_666 = arith.cmpi slt, %while3A_661, %lt3A_665 : i32
        %and3A_667 = arith.andi %gt3A_664, %lt3A_666 : i1
        scf.condition(%and3A_667) %while3A_661, %while3A_662, %while3A_663 : i32, f32, i32
      } do {
      ^bb0(%while3A_661: i32, %while3A_662: f32, %while3A_663: i32):
        %broadcast_in_dim3A_664 = vector.broadcast %while3A_661 : i32 to vector<16xi32>
        %eq3A_665 = arith.constant 0 : i32
        %eq3A_666 = vector.broadcast %eq3A_665 : i32 to vector<16xi32>
        %eq3A_667 = arith.cmpi eq, %iota3A, %eq3A_666 : vector<16xi32>
        %broadcast_in_dim3A_668 = vector.broadcast %while3A_663 : i32 to vector<16xi32>
        %gather3A_669 = tpu.vector_load_idx %arg28[%broadcast_in_dim3A_668] : memref<128xi32, #tpu.memory_space<vmem>>[vector<16xi32>], vector<16xi32>,
        %gather3A_670 = tpu.vector_load_idx %arg30[%broadcast_in_dim3A_668, %gather3A_669] : memref<80x128xi32, #tpu.memory_space<vmem>>[vector<16xi32>, vector<16xi32>], vector<16xi32>,
        %broadcast_in_dim3A_671 = vector.broadcast %while3A_662 : f32 to vector<16xf32>
        tpu.vector_store_idx %arg31[%broadcast_in_dim3A_664], %broadcast_in_dim3A_671 masked %eq3A_667 : memref<128xf32, #tpu.memory_space<vmem>>[vector<16xi32>], vector<16xf32>, vector<16xi1>
        %convert_element_type3A_672 = arith.sitofp %broadcast_in_dim3A_668 : vector<16xi32> to vector<16xf32>
        tpu.vector_store_idx %arg32[%broadcast_in_dim3A_664], %convert_element_type3A_672 masked %eq3A_667 : memref<128xf32, #tpu.memory_space<vmem>>[vector<16xi32>], vector<16xf32>, vector<16xi1>
        %gather3A_673 = tpu.vector_load_idx %arg16[%gather3A_670] : memref<1024xf32, #tpu.memory_space<vmem>>[vector<16xi32>], vector<16xf32>,
        tpu.vector_store_idx %arg33[%broadcast_in_dim3A_664], %gather3A_673 masked %eq3A_667 : memref<128xf32, #tpu.memory_space<vmem>>[vector<16xi32>], vector<16xf32>, vector<16xi1>
        %gather3A_674 = tpu.vector_load_idx %arg17[%gather3A_670] : memref<1024xf32, #tpu.memory_space<vmem>>[vector<16xi32>], vector<16xf32>,
        tpu.vector_store_idx %arg34[%broadcast_in_dim3A_664], %gather3A_674 masked %eq3A_667 : memref<128xf32, #tpu.memory_space<vmem>>[vector<16xi32>], vector<16xf32>, vector<16xi1>
        %gather3A_675 = tpu.vector_load_idx %arg18[%gather3A_670] : memref<1024xf32, #tpu.memory_space<vmem>>[vector<16xi32>], vector<16xf32>,
        tpu.vector_store_idx %arg35[%broadcast_in_dim3A_664], %gather3A_675 masked %eq3A_667 : memref<128xf32, #tpu.memory_space<vmem>>[vector<16xi32>], vector<16xf32>, vector<16xi1>
        %gather3A_676 = tpu.vector_load_idx %arg19[%gather3A_670] : memref<1024xf32, #tpu.memory_space<vmem>>[vector<16xi32>], vector<16xf32>,
        tpu.vector_store_idx %arg36[%broadcast_in_dim3A_664], %gather3A_676 masked %eq3A_667 : memref<128xf32, #tpu.memory_space<vmem>>[vector<16xi32>], vector<16xf32>, vector<16xi1>
        %add3A_677 = arith.constant 1 : i32
        %add3A_678 = vector.broadcast %add3A_677 : i32 to vector<16xi32>
        %add3A_679 = arith.addi %gather3A_669, %add3A_678 : vector<16xi32>
        tpu.vector_store_idx %arg28[%broadcast_in_dim3A_668], %add3A_679 masked %eq3A_667 : memref<128xi32, #tpu.memory_space<vmem>>[vector<16xi32>], vector<16xi32>, vector<16xi1>
        %gather3A_680 = tpu.vector_load_idx %arg29[%broadcast_in_dim3A_668, %add3A_679] : memref<80x128xf32, #tpu.memory_space<vmem>>[vector<16xi32>, vector<16xi32>], vector<16xf32>,
        tpu.vector_store_idx %arg27[%broadcast_in_dim3A_668], %gather3A_680 masked %eq3A_667 : memref<128xf32, #tpu.memory_space<vmem>>[vector<16xi32>], vector<16xf32>, vector<16xi1>
        %broadcast_in_dim3A_681 = vector.broadcast %cond3A : f32 to vector<16xf32>
        %scan3A_682 = arith.constant 0 : i32
        %scan3A_683 = arith.constant 5 : i32
        %scan3A_684 = arith.addi %scan3A_682, %scan3A_683 : i32
        %scan3A_685 = arith.constant 1 : i32
        %scan3A_686:2 = scf.for %scan3A_707 = %scan3A_682 to %scan3A_684 step %scan3A_685 iter_args(%scan3A_708 = %broadcast_in_dim3A_681, %scan3A_709 = %broadcast_in_dim3A_0) -> (vector<16xf32>, vector<16xi32>)  : i32 {
          %mul3A_710 = arith.constant 16 : i32
          %mul3A_711 = arith.muli %scan3A_707, %mul3A_710 : i32
          %get3A = arith.index_cast %mul3A_711 : i32 to index
          %get3A_712 = tpu.vector_load %arg27[%get3A] {strides = array<i32>} : memref<128xf32, #tpu.memory_space<vmem>>, vector<16xf32>,
          %mul3A_713 = arith.constant 16 : i32
          %mul3A_714 = arith.muli %scan3A_707, %mul3A_713 : i32
          %broadcast_in_dim3A_715 = vector.broadcast %mul3A_714 : i32 to vector<16xi32>
          %add3A_716 = arith.addi %broadcast_in_dim3A_715, %iota3A : vector<16xi32>
          %gt3A = arith.cmpf ogt, %get3A_712, %scan3A_708 : vector<16xf32>
          %select_n3A_717 = arith.select %gt3A, %get3A_712, %scan3A_708 : vector<16xi1>, vector<16xf32>
          %select_n3A_718 = arith.select %gt3A, %add3A_716, %scan3A_709 : vector<16xi1>, vector<16xi32>
          scf.yield %select_n3A_717, %select_n3A_718 : vector<16xf32>, vector<16xi32>
        }
        %scan3A_687 = arith.constant 5 : i32
        %reduce_max3A_688 = arith.constant true
        %reduce_max3A_689 = vector.broadcast %reduce_max3A_688 : i1 to vector<16xi1>
        %reduce_max3A_690 = tpu.scan <max>, %scan3A_686#0 masked %reduce_max3A_689 : vector<16xf32>, vector<16xi1> -> vector<16xf32>
        %reduce_max3A_691 = vector.extract %reduce_max3A_690[15] : f32 from vector<16xf32>
        %eq3A_692 = vector.broadcast %reduce_max3A_691 : f32 to vector<16xf32>
        %eq3A_693 = arith.cmpf oeq, %scan3A_686#0, %eq3A_692 : vector<16xf32>
        %jit3A_694 = arith.constant 1048576 : i32
        %broadcast_in_dim3A_695 = vector.broadcast %jit3A_694 : i32 to vector<16xi32>
        %select_n3A_696 = arith.select %eq3A_693, %scan3A_686#1, %broadcast_in_dim3A_695 : vector<16xi1>, vector<16xi32>
        %reduce_min3A_697 = arith.constant true
        %reduce_min3A_698 = vector.broadcast %reduce_min3A_697 : i1 to vector<16xi1>
        %reduce_min3A_699 = arith.constant -2147483648 : i32
        %reduce_min3A_700 = vector.broadcast %reduce_min3A_699 : i32 to vector<16xi32>
        %reduce_min3A_701 = arith.xori %select_n3A_696, %reduce_min3A_700 : vector<16xi32>
        %reduce_min3A_702 = tpu.scan <min>, %reduce_min3A_701 masked %reduce_min3A_698 : vector<16xi32>, vector<16xi1> -> vector<16xi32>
        %reduce_min3A_703 = arith.xori %reduce_min3A_702, %reduce_min3A_700 : vector<16xi32>
        %reduce_min3A_704 = vector.extract %reduce_min3A_703[15] : i32 from vector<16xi32>
        %add3A_705 = arith.constant 1 : i32
        %add3A_706 = arith.addi %while3A_661, %add3A_705 : i32
        scf.yield %add3A_706, %reduce_max3A_691, %reduce_min3A_704 : i32, f32, i32
      }
      %broadcast_in_dim3A_565 = vector.broadcast %while3A_564#0 : i32 to vector<16xi32>
      %eq3A_566 = arith.constant 0 : i32
      %eq3A_567 = vector.broadcast %eq3A_566 : i32 to vector<16xi32>
      %eq3A_568 = arith.cmpi eq, %iota3A, %eq3A_567 : vector<16xi32>
      tpu.vector_store_idx %arg37[%broadcast_in_dim3A_0], %broadcast_in_dim3A_565 masked %eq3A_568 : memref<16xi32, #tpu.memory_space<vmem>>[vector<16xi32>], vector<16xi32>, vector<16xi1>
      %dma_start3A_569 = arith.constant 0 : i32
      %dma_start3A_570 = tpu.memref_slice %arg10[%add3A_217, %dma_start3A_569] : memref<8x128xf32, #tpu.memory_space<hbm>> -> memref<1x128xf32, #tpu.memory_space<hbm>>
      %dma_start3A_571 = tpu.memref_squeeze %dma_start3A_570 : memref<1x128xf32, #tpu.memory_space<hbm>> -> memref<128xf32, #tpu.memory_space<hbm>>
      %dma_start3A_572 = arith.constant 0 : i32
      %dma_start3A_573 = tpu.memref_slice %arg10[%add3A_217, %dma_start3A_572] : memref<8x128xf32, #tpu.memory_space<hbm>> -> memref<1x128xf32, #tpu.memory_space<hbm>>
      %dma_start3A_574 = tpu.memref_squeeze %dma_start3A_573 : memref<1x128xf32, #tpu.memory_space<hbm>> -> memref<128xf32, #tpu.memory_space<hbm>>
      tpu.enqueue_dma source(%arg31 : memref<128xf32, #tpu.memory_space<vmem>>) target(%dma_start3A_574 : memref<128xf32, #tpu.memory_space<hbm>>) target_semaphore(%arg42 : memref<!tpu.dma_semaphore, #tpu.memory_space<semaphore_mem>>)
      %dma_start3A_575 = arith.constant 0 : i32
      %dma_start3A_576 = tpu.memref_slice %arg11[%add3A_217, %dma_start3A_575] : memref<8x128xf32, #tpu.memory_space<hbm>> -> memref<1x128xf32, #tpu.memory_space<hbm>>
      %dma_start3A_577 = tpu.memref_squeeze %dma_start3A_576 : memref<1x128xf32, #tpu.memory_space<hbm>> -> memref<128xf32, #tpu.memory_space<hbm>>
      %dma_start3A_578 = arith.constant 0 : i32
      %dma_start3A_579 = tpu.memref_slice %arg11[%add3A_217, %dma_start3A_578] : memref<8x128xf32, #tpu.memory_space<hbm>> -> memref<1x128xf32, #tpu.memory_space<hbm>>
      %dma_start3A_580 = tpu.memref_squeeze %dma_start3A_579 : memref<1x128xf32, #tpu.memory_space<hbm>> -> memref<128xf32, #tpu.memory_space<hbm>>
      tpu.enqueue_dma source(%arg32 : memref<128xf32, #tpu.memory_space<vmem>>) target(%dma_start3A_580 : memref<128xf32, #tpu.memory_space<hbm>>) target_semaphore(%arg42 : memref<!tpu.dma_semaphore, #tpu.memory_space<semaphore_mem>>)
      %dma_start3A_581 = arith.constant 0 : i32
      %dma_start3A_582 = arith.constant 0 : i32
      %dma_start3A_583 = tpu.memref_slice %arg12[%add3A_217, %dma_start3A_581, %dma_start3A_582] : memref<8x4x128xf32, #tpu.memory_space<hbm>> -> memref<1x1x128xf32, #tpu.memory_space<hbm>>
      %dma_start3A_584 = tpu.memref_squeeze %dma_start3A_583 : memref<1x1x128xf32, #tpu.memory_space<hbm>> -> memref<128xf32, #tpu.memory_space<hbm>>
      %dma_start3A_585 = arith.constant 0 : i32
      %dma_start3A_586 = tpu.memref_slice %arg12[%add3A_217, %dma_start3A_581, %dma_start3A_585] : memref<8x4x128xf32, #tpu.memory_space<hbm>> -> memref<1x1x128xf32, #tpu.memory_space<hbm>>
      %dma_start3A_587 = tpu.memref_squeeze %dma_start3A_586 : memref<1x1x128xf32, #tpu.memory_space<hbm>> -> memref<128xf32, #tpu.memory_space<hbm>>
      tpu.enqueue_dma source(%arg33 : memref<128xf32, #tpu.memory_space<vmem>>) target(%dma_start3A_587 : memref<128xf32, #tpu.memory_space<hbm>>) target_semaphore(%arg42 : memref<!tpu.dma_semaphore, #tpu.memory_space<semaphore_mem>>)
      %dma_start3A_588 = arith.constant 1 : i32
      %dma_start3A_589 = arith.constant 0 : i32
      %dma_start3A_590 = tpu.memref_slice %arg12[%add3A_217, %dma_start3A_588, %dma_start3A_589] : memref<8x4x128xf32, #tpu.memory_space<hbm>> -> memref<1x1x128xf32, #tpu.memory_space<hbm>>
      %dma_start3A_591 = tpu.memref_squeeze %dma_start3A_590 : memref<1x1x128xf32, #tpu.memory_space<hbm>> -> memref<128xf32, #tpu.memory_space<hbm>>
      %dma_start3A_592 = arith.constant 0 : i32
      %dma_start3A_593 = tpu.memref_slice %arg12[%add3A_217, %dma_start3A_588, %dma_start3A_592] : memref<8x4x128xf32, #tpu.memory_space<hbm>> -> memref<1x1x128xf32, #tpu.memory_space<hbm>>
      %dma_start3A_594 = tpu.memref_squeeze %dma_start3A_593 : memref<1x1x128xf32, #tpu.memory_space<hbm>> -> memref<128xf32, #tpu.memory_space<hbm>>
      tpu.enqueue_dma source(%arg34 : memref<128xf32, #tpu.memory_space<vmem>>) target(%dma_start3A_594 : memref<128xf32, #tpu.memory_space<hbm>>) target_semaphore(%arg42 : memref<!tpu.dma_semaphore, #tpu.memory_space<semaphore_mem>>)
      %dma_start3A_595 = arith.constant 2 : i32
      %dma_start3A_596 = arith.constant 0 : i32
      %dma_start3A_597 = tpu.memref_slice %arg12[%add3A_217, %dma_start3A_595, %dma_start3A_596] : memref<8x4x128xf32, #tpu.memory_space<hbm>> -> memref<1x1x128xf32, #tpu.memory_space<hbm>>
      %dma_start3A_598 = tpu.memref_squeeze %dma_start3A_597 : memref<1x1x128xf32, #tpu.memory_space<hbm>> -> memref<128xf32, #tpu.memory_space<hbm>>
      %dma_start3A_599 = arith.constant 0 : i32
      %dma_start3A_600 = tpu.memref_slice %arg12[%add3A_217, %dma_start3A_595, %dma_start3A_599] : memref<8x4x128xf32, #tpu.memory_space<hbm>> -> memref<1x1x128xf32, #tpu.memory_space<hbm>>
      %dma_start3A_601 = tpu.memref_squeeze %dma_start3A_600 : memref<1x1x128xf32, #tpu.memory_space<hbm>> -> memref<128xf32, #tpu.memory_space<hbm>>
      tpu.enqueue_dma source(%arg35 : memref<128xf32, #tpu.memory_space<vmem>>) target(%dma_start3A_601 : memref<128xf32, #tpu.memory_space<hbm>>) target_semaphore(%arg42 : memref<!tpu.dma_semaphore, #tpu.memory_space<semaphore_mem>>)
      %dma_start3A_602 = arith.constant 3 : i32
      %dma_start3A_603 = arith.constant 0 : i32
      %dma_start3A_604 = tpu.memref_slice %arg12[%add3A_217, %dma_start3A_602, %dma_start3A_603] : memref<8x4x128xf32, #tpu.memory_space<hbm>> -> memref<1x1x128xf32, #tpu.memory_space<hbm>>
      %dma_start3A_605 = tpu.memref_squeeze %dma_start3A_604 : memref<1x1x128xf32, #tpu.memory_space<hbm>> -> memref<128xf32, #tpu.memory_space<hbm>>
      %dma_start3A_606 = arith.constant 0 : i32
      %dma_start3A_607 = tpu.memref_slice %arg12[%add3A_217, %dma_start3A_602, %dma_start3A_606] : memref<8x4x128xf32, #tpu.memory_space<hbm>> -> memref<1x1x128xf32, #tpu.memory_space<hbm>>
      %dma_start3A_608 = tpu.memref_squeeze %dma_start3A_607 : memref<1x1x128xf32, #tpu.memory_space<hbm>> -> memref<128xf32, #tpu.memory_space<hbm>>
      tpu.enqueue_dma source(%arg36 : memref<128xf32, #tpu.memory_space<vmem>>) target(%dma_start3A_608 : memref<128xf32, #tpu.memory_space<hbm>>) target_semaphore(%arg42 : memref<!tpu.dma_semaphore, #tpu.memory_space<semaphore_mem>>)
      %dma_start3A_609 = arith.constant 0 : i32
      %dma_start3A_610 = tpu.memref_slice %arg13[%add3A_217, %dma_start3A_609] : memref<8x16xi32, #tpu.memory_space<hbm>> -> memref<1x16xi32, #tpu.memory_space<hbm>>
      %dma_start3A_611 = tpu.memref_squeeze %dma_start3A_610 : memref<1x16xi32, #tpu.memory_space<hbm>> -> memref<16xi32, #tpu.memory_space<hbm>>
      %dma_start3A_612 = arith.constant 0 : i32
      %dma_start3A_613 = tpu.memref_slice %arg13[%add3A_217, %dma_start3A_612] : memref<8x16xi32, #tpu.memory_space<hbm>> -> memref<1x16xi32, #tpu.memory_space<hbm>>
      %dma_start3A_614 = tpu.memref_squeeze %dma_start3A_613 : memref<1x16xi32, #tpu.memory_space<hbm>> -> memref<16xi32, #tpu.memory_space<hbm>>
      tpu.enqueue_dma source(%arg37 : memref<16xi32, #tpu.memory_space<vmem>>) target(%dma_start3A_614 : memref<16xi32, #tpu.memory_space<hbm>>) target_semaphore(%arg42 : memref<!tpu.dma_semaphore, #tpu.memory_space<semaphore_mem>>)
      %dma_wait3A_615 = arith.constant 0 : i32
      %dma_wait3A_616 = tpu.memref_slice %arg10[%add3A_217, %dma_wait3A_615] : memref<8x128xf32, #tpu.memory_space<hbm>> -> memref<1x128xf32, #tpu.memory_space<hbm>>
      %dma_wait3A_617 = tpu.memref_squeeze %dma_wait3A_616 : memref<1x128xf32, #tpu.memory_space<hbm>> -> memref<128xf32, #tpu.memory_space<hbm>>
      %dma_wait3A_618 = arith.constant 0 : i32
      %dma_wait3A_619 = tpu.memref_slice %arg10[%add3A_217, %dma_wait3A_618] : memref<8x128xf32, #tpu.memory_space<hbm>> -> memref<1x128xf32, #tpu.memory_space<hbm>>
      %dma_wait3A_620 = tpu.memref_squeeze %dma_wait3A_619 : memref<1x128xf32, #tpu.memory_space<hbm>> -> memref<128xf32, #tpu.memory_space<hbm>>
      tpu.wait_dma2 semaphore(%arg42 : memref<!tpu.dma_semaphore, #tpu.memory_space<semaphore_mem>>) src(%arg31 : memref<128xf32, #tpu.memory_space<vmem>>) dst(%dma_wait3A_620 : memref<128xf32, #tpu.memory_space<hbm>>)
      %dma_wait3A_621 = arith.constant 0 : i32
      %dma_wait3A_622 = tpu.memref_slice %arg11[%add3A_217, %dma_wait3A_621] : memref<8x128xf32, #tpu.memory_space<hbm>> -> memref<1x128xf32, #tpu.memory_space<hbm>>
      %dma_wait3A_623 = tpu.memref_squeeze %dma_wait3A_622 : memref<1x128xf32, #tpu.memory_space<hbm>> -> memref<128xf32, #tpu.memory_space<hbm>>
      %dma_wait3A_624 = arith.constant 0 : i32
      %dma_wait3A_625 = tpu.memref_slice %arg11[%add3A_217, %dma_wait3A_624] : memref<8x128xf32, #tpu.memory_space<hbm>> -> memref<1x128xf32, #tpu.memory_space<hbm>>
      %dma_wait3A_626 = tpu.memref_squeeze %dma_wait3A_625 : memref<1x128xf32, #tpu.memory_space<hbm>> -> memref<128xf32, #tpu.memory_space<hbm>>
      tpu.wait_dma2 semaphore(%arg42 : memref<!tpu.dma_semaphore, #tpu.memory_space<semaphore_mem>>) src(%arg32 : memref<128xf32, #tpu.memory_space<vmem>>) dst(%dma_wait3A_626 : memref<128xf32, #tpu.memory_space<hbm>>)
      %dma_wait3A_627 = arith.constant 0 : i32
      %dma_wait3A_628 = arith.constant 0 : i32
      %dma_wait3A_629 = tpu.memref_slice %arg12[%add3A_217, %dma_wait3A_627, %dma_wait3A_628] : memref<8x4x128xf32, #tpu.memory_space<hbm>> -> memref<1x1x128xf32, #tpu.memory_space<hbm>>
      %dma_wait3A_630 = tpu.memref_squeeze %dma_wait3A_629 : memref<1x1x128xf32, #tpu.memory_space<hbm>> -> memref<128xf32, #tpu.memory_space<hbm>>
      %dma_wait3A_631 = arith.constant 0 : i32
      %dma_wait3A_632 = tpu.memref_slice %arg12[%add3A_217, %dma_wait3A_627, %dma_wait3A_631] : memref<8x4x128xf32, #tpu.memory_space<hbm>> -> memref<1x1x128xf32, #tpu.memory_space<hbm>>
      %dma_wait3A_633 = tpu.memref_squeeze %dma_wait3A_632 : memref<1x1x128xf32, #tpu.memory_space<hbm>> -> memref<128xf32, #tpu.memory_space<hbm>>
      tpu.wait_dma2 semaphore(%arg42 : memref<!tpu.dma_semaphore, #tpu.memory_space<semaphore_mem>>) src(%arg33 : memref<128xf32, #tpu.memory_space<vmem>>) dst(%dma_wait3A_633 : memref<128xf32, #tpu.memory_space<hbm>>)
      %dma_wait3A_634 = arith.constant 1 : i32
      %dma_wait3A_635 = arith.constant 0 : i32
      %dma_wait3A_636 = tpu.memref_slice %arg12[%add3A_217, %dma_wait3A_634, %dma_wait3A_635] : memref<8x4x128xf32, #tpu.memory_space<hbm>> -> memref<1x1x128xf32, #tpu.memory_space<hbm>>
      %dma_wait3A_637 = tpu.memref_squeeze %dma_wait3A_636 : memref<1x1x128xf32, #tpu.memory_space<hbm>> -> memref<128xf32, #tpu.memory_space<hbm>>
      %dma_wait3A_638 = arith.constant 0 : i32
      %dma_wait3A_639 = tpu.memref_slice %arg12[%add3A_217, %dma_wait3A_634, %dma_wait3A_638] : memref<8x4x128xf32, #tpu.memory_space<hbm>> -> memref<1x1x128xf32, #tpu.memory_space<hbm>>
      %dma_wait3A_640 = tpu.memref_squeeze %dma_wait3A_639 : memref<1x1x128xf32, #tpu.memory_space<hbm>> -> memref<128xf32, #tpu.memory_space<hbm>>
      tpu.wait_dma2 semaphore(%arg42 : memref<!tpu.dma_semaphore, #tpu.memory_space<semaphore_mem>>) src(%arg34 : memref<128xf32, #tpu.memory_space<vmem>>) dst(%dma_wait3A_640 : memref<128xf32, #tpu.memory_space<hbm>>)
      %dma_wait3A_641 = arith.constant 2 : i32
      %dma_wait3A_642 = arith.constant 0 : i32
      %dma_wait3A_643 = tpu.memref_slice %arg12[%add3A_217, %dma_wait3A_641, %dma_wait3A_642] : memref<8x4x128xf32, #tpu.memory_space<hbm>> -> memref<1x1x128xf32, #tpu.memory_space<hbm>>
      %dma_wait3A_644 = tpu.memref_squeeze %dma_wait3A_643 : memref<1x1x128xf32, #tpu.memory_space<hbm>> -> memref<128xf32, #tpu.memory_space<hbm>>
      %dma_wait3A_645 = arith.constant 0 : i32
      %dma_wait3A_646 = tpu.memref_slice %arg12[%add3A_217, %dma_wait3A_641, %dma_wait3A_645] : memref<8x4x128xf32, #tpu.memory_space<hbm>> -> memref<1x1x128xf32, #tpu.memory_space<hbm>>
      %dma_wait3A_647 = tpu.memref_squeeze %dma_wait3A_646 : memref<1x1x128xf32, #tpu.memory_space<hbm>> -> memref<128xf32, #tpu.memory_space<hbm>>
      tpu.wait_dma2 semaphore(%arg42 : memref<!tpu.dma_semaphore, #tpu.memory_space<semaphore_mem>>) src(%arg35 : memref<128xf32, #tpu.memory_space<vmem>>) dst(%dma_wait3A_647 : memref<128xf32, #tpu.memory_space<hbm>>)
      %dma_wait3A_648 = arith.constant 3 : i32
      %dma_wait3A_649 = arith.constant 0 : i32
      %dma_wait3A_650 = tpu.memref_slice %arg12[%add3A_217, %dma_wait3A_648, %dma_wait3A_649] : memref<8x4x128xf32, #tpu.memory_space<hbm>> -> memref<1x1x128xf32, #tpu.memory_space<hbm>>
      %dma_wait3A_651 = tpu.memref_squeeze %dma_wait3A_650 : memref<1x1x128xf32, #tpu.memory_space<hbm>> -> memref<128xf32, #tpu.memory_space<hbm>>
      %dma_wait3A_652 = arith.constant 0 : i32
      %dma_wait3A_653 = tpu.memref_slice %arg12[%add3A_217, %dma_wait3A_648, %dma_wait3A_652] : memref<8x4x128xf32, #tpu.memory_space<hbm>> -> memref<1x1x128xf32, #tpu.memory_space<hbm>>
      %dma_wait3A_654 = tpu.memref_squeeze %dma_wait3A_653 : memref<1x1x128xf32, #tpu.memory_space<hbm>> -> memref<128xf32, #tpu.memory_space<hbm>>
      tpu.wait_dma2 semaphore(%arg42 : memref<!tpu.dma_semaphore, #tpu.memory_space<semaphore_mem>>) src(%arg36 : memref<128xf32, #tpu.memory_space<vmem>>) dst(%dma_wait3A_654 : memref<128xf32, #tpu.memory_space<hbm>>)
      %dma_wait3A_655 = arith.constant 0 : i32
      %dma_wait3A_656 = tpu.memref_slice %arg13[%add3A_217, %dma_wait3A_655] : memref<8x16xi32, #tpu.memory_space<hbm>> -> memref<1x16xi32, #tpu.memory_space<hbm>>
      %dma_wait3A_657 = tpu.memref_squeeze %dma_wait3A_656 : memref<1x16xi32, #tpu.memory_space<hbm>> -> memref<16xi32, #tpu.memory_space<hbm>>
      %dma_wait3A_658 = arith.constant 0 : i32
      %dma_wait3A_659 = tpu.memref_slice %arg13[%add3A_217, %dma_wait3A_658] : memref<8x16xi32, #tpu.memory_space<hbm>> -> memref<1x16xi32, #tpu.memory_space<hbm>>
      %dma_wait3A_660 = tpu.memref_squeeze %dma_wait3A_659 : memref<1x16xi32, #tpu.memory_space<hbm>> -> memref<16xi32, #tpu.memory_space<hbm>>
      tpu.wait_dma2 semaphore(%arg42 : memref<!tpu.dma_semaphore, #tpu.memory_space<semaphore_mem>>) src(%arg37 : memref<16xi32, #tpu.memory_space<vmem>>) dst(%dma_wait3A_660 : memref<16xi32, #tpu.memory_space<hbm>>)
    } else {
    }
    return
  }
}

</mosaic_0001>

<sc_bundles>
// kernel: kernel.3.cloned.1.call-start
scs
__scs_entry_jumppad:
0x0: {  	(pc) =	sbr.rel $0x88, $3  }
0x1: {  	(tag) =	ssettag $0x0;
	lr =	simm.s32 $0x1  }
0x2: {  	[smem:$0x3F9F] =	sst lr;
	_ =	strace $0xD0000000  }
0x3: {  	_ = 	snop  }
0x4: {  	_ = 	snop  }
0x5: {  	_ = 	snop  }
0x6: {  	_ = 	snop  }
0x7: {  	_ = 	snop  }
__scs_overlays_trampoline_lowered:
0x8: {  	[smem:$0x3FAE] =	sst s0  }
0x9: {  	[smem:$0x3FAF] =	sst s1  }
0xa: {  	[smem:$0x3FB0] =	sst s2  }
0xb: {  	[smem:$0x3FB1] =	sst s3  }
0xc: {  	[smem:$0x3FB2] =	sst s4  }
0xd: {  	[smem:$0x3FB3] =	sst s5  }
0xe: {  	[smem:$0x3FB4] =	sst s6  }
0xf: {  	[smem:$0x3FB5] =	sst s7  }
0x10: {  	[smem:$0x3FB6] =	sst s8  }
0x11: {  	[smem:$0x3FB7] =	sst s9;
	s0 =	simm.s32 @!p0 $0x0  }
0x12: {  	s1 =	sld [smem:$0x3F9D];
	s0 =	simm.s32 @p0 $0x1  }
0x13: {  	[smem:$0x3FB8] =	sst s0;
	s0 =	simm.s32 @!p1 $0x0  }
0x14: {  	s2 =	sld [smem:$0x3F9C];
	s0 =	simm.s32 @p1 $0x1  }
0x15: {  	[smem:$0x3FB9] =	sst s0;
	s0 =	simm.s32 @!p2 $0x0  }
0x16: {  	s3 =	sld [smem:$0x3FDB];
	s0 =	simm.s32 @p2 $0x1  }
0x17: {  	s4 =	simm.s32 $0x1BF5;
	[smem:$0x3FBB] =	sst s0  }
0x18: {  	s0 =	sld [smem:$0x3F9E];
	_ =	swait.ge [sflag:s4], $0x0  }
0x19: {  	s7 =	sld [smem:$0x3F9F]  }
0x1a: {  	s8 =	sadd.s32 $0xFFFFE003, lr  }
0x1b: {  	s9 =	sadd.s32 $0xFFFFFEF7, lr;
	s5 =	simm.s32 $0xFFFFFFFF;
	p2 =	slt.u32 s8, $0xFFFFF086  }
0x1c: {  	p1 =	slt.u32 s9, $0xF7A;
	s5 =	simm.s32 @!p2 $0x0  }
0x1d: {  	s5 =	simm.s32 @p1 $0x1;
	p0 =	seq.s32 s7, s2  }
0x1e: {  	s7 =	smul.u32 @!p0 $0xF7A, s2;
	p2 =	seq.s32 @!p0 s5, $0x0  }
0x1f: {  	s9 =	smul.u32 $0xF7A, s1;
	s8 =	simm.s32 @!p0 $0x1BF5;
	p2 =	por !p2, p0  }
0x20: {  	[sflag:s8] =	ssyncset.s32 @!p0 $0xFFFFF086;
	s6 =	sadd.s32 @!p0 s3, s7;
	s7 =	simm.s32 @!p0 $0x108  }
0x21: {  	s3 =	sadd.s32 s3, s9;
	s6 =	sadd.s32 @!p0 $0x88, s6;
	s7 =	simm.s32 @p2 $0x1082  }
0x22: {  	[simem:s7], [sflag:s8] =	dma.local @!p0 [hbm:s6], $0xF7A  }
0x23: {  	s9 =	sor.u32 $0xD0000000, s2;
	s6 =	simm.s32 $0x108;
	_ =	swait.ge @!p0 [sflag:s8], $0x0  }
0x24: {  	s3 =	sadd.s32 $0x88, s3;
	s6 =	simm.s32 @!p1 $0x1082;
	[sflag:s4] =	ssyncset.s32 $0xFFFFF086  }
0x25: {  	[simem:s6], [sflag:s4] =	dma.local [hbm:s3], $0xF7A  }
0x26: {  	[smem:$0x3F9F] =	sst s1;
	(tag) =	ssettag s2;
	_ =	strace s9  }
0x27: {  	s1 =	sld [smem:$0x3FAF]  }
0x28: {  	s2 =	sld [smem:$0x3FB0]  }
0x29: {  	s4 =	sld [smem:$0x3FB2]  }
0x2a: {  	p0 =	seq.s32 s5, $0x0;
	s5 =	sld [smem:$0x3FB3]  }
0x2b: {  	s6 =	sld [smem:$0x3FB4]  }
0x2c: {  	s7 =	sld [smem:$0x3FB5]  }
0x2d: {  	s3 =	simm.s32 $0x108;
	s8 =	sld [smem:$0x3FB6]  }
0x2e: {  	s3 =	simm.s32 @!p0 $0x1082;
	s9 =	sld [smem:$0x3FB7]  }
0x2f: {  	lr =	sadd.s32 s0, s3;
	s0 =	sld [smem:$0x3FAE]  }
0x30: {  	s3 =	sld [smem:$0x3FB1]  }
0x31: {  	[smem:$0x3FBA] =	sst s10  }
0x32: {  	s10 =	sld [smem:$0x3FB8];
	_ =	sdelay $0x3  }
0x33: {  	p0 =	seq.s32 s10, $0x1;
	s10 =	sld [smem:$0x3FBA];
	_ =	sdelay $0x3  }
0x34: {  	[smem:$0x3FBA] =	sst s10  }
0x35: {  	s10 =	sld [smem:$0x3FB9];
	_ =	sdelay $0x3  }
0x36: {  	p1 =	seq.s32 s10, $0x1;
	s10 =	sld [smem:$0x3FBA];
	_ =	sdelay $0x3  }
0x37: {  	[smem:$0x3FBA] =	sst s10  }
0x38: {  	s10 =	sld [smem:$0x3FBB]  }
0x39: {  	_ = 	snop;
	(pc) =	sbr.ind lr, $3  }
0x3a: {  	_ = 	snop  }
0x3b: {  	_ = 	snop  }
0x3c: {  	p2 =	seq.s32 s10, $0x1;
	s10 =	sld [smem:$0x3FBA]  }
0x3d: {  	_ =	shalt  }
0x3e: {  	_ =	shalt  }
0x3f: {  	_ =	shalt  }
0x40: {  	_ =	shalt  }
0x41: {  	_ =	shalt  }
0x42: {  	_ =	shalt  }
0x43: {  	_ =	shalt  }
0x44: {  	_ =	shalt  }
0x45: {  	_ =	shalt  }
0x46: {  	_ =	shalt  }
0x47: {  	_ =	shalt  }
0x48: {  	_ =	shalt  }
0x49: {  	_ =	shalt  }
0x4a: {  	_ =	shalt  }
0x4b: {  	_ =	shalt  }
0x4c: {  	_ =	shalt  }
0x4d: {  	_ =	shalt  }
0x4e: {  	_ =	shalt  }
0x4f: {  	_ =	shalt  }
0x50: {  	_ =	shalt  }
0x51: {  	_ =	shalt  }
0x52: {  	_ =	shalt  }
0x53: {  	_ =	shalt  }
0x54: {  	_ =	shalt  }
0x55: {  	_ =	shalt  }
0x56: {  	_ =	shalt  }
0x57: {  	_ =	shalt  }
0x58: {  	_ =	shalt  }
0x59: {  	_ =	shalt  }
0x5a: {  	_ =	shalt  }
0x5b: {  	_ =	shalt  }
0x5c: {  	_ =	shalt  }
0x5d: {  	_ =	shalt  }
0x5e: {  	_ =	shalt  }
0x5f: {  	_ =	shalt  }
0x60: {  	_ =	shalt  }
0x61: {  	_ =	shalt  }
0x62: {  	_ =	shalt  }
0x63: {  	_ =	shalt  }
0x64: {  	_ =	shalt  }
0x65: {  	_ =	shalt  }
0x66: {  	_ =	shalt  }
0x67: {  	_ =	shalt  }
0x68: {  	_ =	shalt  }
0x69: {  	_ =	shalt  }
0x6a: {  	_ =	shalt  }
0x6b: {  	_ =	shalt  }
0x6c: {  	_ =	shalt  }
0x6d: {  	_ =	shalt  }
0x6e: {  	_ =	shalt  }
0x6f: {  	_ =	shalt  }
0x70: {  	_ =	shalt  }
0x71: {  	_ =	shalt  }
0x72: {  	_ =	shalt  }
0x73: {  	_ =	shalt  }
0x74: {  	_ =	shalt  }
0x75: {  	_ =	shalt  }
0x76: {  	_ =	shalt  }
0x77: {  	_ =	shalt  }
0x78: {  	_ =	shalt  }
0x79: {  	_ =	shalt  }
0x7a: {  	_ =	shalt  }
0x7b: {  	_ =	shalt  }
0x7c: {  	_ =	shalt  }
0x7d: {  	_ =	shalt  }
0x7e: {  	_ =	shalt  }
0x7f: {  	_ =	shalt  }
0x80: {  	_ =	shalt  }
0x81: {  	_ =	shalt  }
0x82: {  	_ =	shalt  }
0x83: {  	_ =	shalt  }
0x84: {  	_ =	shalt  }
0x85: {  	_ =	shalt  }
0x86: {  	_ =	shalt  }
0x87: {  	_ =	shalt  }
.Lfunc_end0:
.L_simem_size_0:
called_computation_lowered:
.L_overlay_start_0:
0x88: {  	s2 =	sld [smem:$0x3FD9]  }
0x89: {  	s3 =	sld [smem:$0x3FFE];
	_ =	sdelay $0x1  }
0x8a: {  	s1 =	srdreg.scid  }
0x8b: {  	s0 =	sand.u32 $0x1, s1  }
0x8c: {  	s14 =	sshll.u32 s0, $0xA;
	s2 =	sadd.s32 s3, s2  }
0x8d: {  	s2 =	sadd.s32 s2, s14  }
0x8e: {  	[smem:$0x3FC6] =	sst s2  }
0x8f: {  	_ = 	snop  }
0x90: {  	s2 =	sld [smem:$0x3FD0];
	_ =	sdelay $0x2  }
0x91: {  	s15 =	simm.s32 $0xA;
	s4 =	simm.s32 $0x10  }
0x92: {  	[smem:s4], [sflag:s15] =	dma.local [hbm:s2], $0x1  }
0x93: {  	_ =	swait.eq [sflag:s15], $0x1  }
0x94: {  	s16 =	sld [smem:$0x10];
	[sflag:s15] =	ssyncset.done $0x0  }
0x95: {  	s17 =	sld [smem:$0x11];
	[sflag:s15] =	ssyncadd.s32 $0xFFFFFFFF  }
0x96: {  	s18 =	sld [smem:$0x12];
	(tm) =	ssettm $0x1  }
0x97: {  	s5 =	sld [smem:$0x3FFB];
	_ =	sdelay $0x3  }
0x98: {  	_ =	strace s5  }
0x99: {  	s5 =	sld [smem:$0x3FFC];
	_ =	sdelay $0x3  }
0x9a: {  	_ =	strace s5  }
0x9b: {  	s5 =	sld [smem:$0x3FFD];
	_ =	sdelay $0x3  }
0x9c: {  	_ =	strace s5  }
0x9d: {  	_ =	strace $0x8FFFFFFF  }
0x9e: {  	s19 =	sld [smem:$0x3FDB];
	_ =	sdelay $0x1  }
0x9f: {  	s6 =	simm.s32 $_scs_section_size  }
0xa0: {  	s7 =	simm.s32 $_size__tile_overlayer_lowered;
	s8 =	simm.s32 $_tile_overlayer_lowered  }
0xa1: {  	s22 =	simm.s32 $0x1BFF;
	s21 =	sshll.u32 s8, $0x1;
	s5 =	sadd.s32 s6, s19  }
0xa2: {  	s9 =	simm.s32 $0x0;
	s20 =	sshll.u32 s7, $0x1;
	s7 =	sadd.s32 s21, s5  }
0xa3: {  	[timem:s9], [sflag:s22] =	dma.local [hbm:s7], s20  }
0xa4: {  	_ =	swait.ge [sflag:s22], s20  }
0xa5: {  	s6 =	ssub.s32 $0x0, s20;
	[sflag:s22] =	ssyncset.done $0x0  }
0xa6: {  	[sflag:s22] =	ssyncadd.s32 s6;
	_ =	sdelay $0x1  }
0xa7: {  	s23 =	simm.s32 $0x1B8B  }
0xa8: {  	_ =	swait.ge [sflag:s23], $0x1  }
0xa9: {  	[sflag:s23] =	ssyncset.done $0x0  }
0xaa: {  	s25 =	simm.s32 $0x1B8E;
	s24 =	sld [smem:$0x3FFE];
	[sflag:s23] =	ssyncadd.s32 $0xFFFFFFFF  }
0xab: {  	s26 =	simm.s32 $execute0_lowered;
	[smem:$0x3FD2] =	sst s25  }
0xac: {  	s7 =	sshll.u32 s26, $0x1;
	_ =	strace $0x80000046;
	[dreg:$0x1] =	wrdreg $0xFFFFFFFF  }
0xad: {  	s28 =	simm.s32 $_size_execute0_lowered;
	s5 =	sadd.s32 s5, s7;
	[dreg:$0x0] =	wrdreg $0x0  }
0xae: {  	s7 =	sshll.u32 s28, $0x1;
	[dreg:$0x2] =	wrdreg s5  }
0xaf: {  	[dreg:$0x3] =	wrdreg s7  }
0xb0: {  	[dreg:$0x4] =	wrdreg $0xC0  }
0xb1: {  	_ =	task [dreg:s9], $0x5FFFF  }
0xb2: {  	[dreg:$0x1] =	wrdreg $0xFFFFFFFF  }
0xb3: {  	[dreg:$0x0] =	wrdreg $0x60  }
0xb4: {  	[dreg:$0x2] =	wrdreg s24  }
0xb5: {  	[dreg:$0x3] =	wrdreg s17  }
0xb6: {  	[dreg:$0x4] =	wrdreg s18  }
0xb7: {  	[dreg:$0x5] =	wrdreg s16  }
0xb8: {  	[dreg:$0x6] =	wrdreg $0x9  }
0xb9: {  	_ =	task.clear_ibuf [dreg:s9], $0x7FFFF;
	_ =	strace $0x90000046  }
0xba: {  	s29 =	simm.s32 $0x9;
	_ =	strace $0x80000048  }
0xbb: {  	_ =	swait.ge [sflag:s29], $0x1  }
0xbc: {  	[sflag:s29] =	ssyncadd.s32 $0xFFFFFFFF  }
0xbd: {  	_ =	strace $0x90000048  }
0xbe: {  	_ =	sfence  }
0xbf: {  	s30 =	sld [smem:$0x0];
	_ =	sdelay $0x2  }
0xc0: {  	s31 =	sshll.u32 s1, $0xD;
	s1 =	sshrl.u32 s1, $0x2  }
0xc1: {  	s3 =	sand.u32 $0x4000, s31;
	s1 =	sadd.s32 s1, s30  }
0xc2: {  	s0 =	sor.u32 s3, s0;
	s1 =	sshll.u32 s1, $0x11  }
0xc3: {  	s0 =	sor.u32 s1, s0  }
0xc4: {  	s0 =	sadd.s32 $0x8F2B, s0  }
0xc5: {  	[sflag:s0] =	ssyncadd.remote.s32 $0x1  }
0xc6: {  	_ =	sfence.sel $0xFFFF  }
0xc7: {  	[dreg:$0x0] =	wrdreg $0xFFFFFFFF;
	(pc) =	sbr.abs _section_cstart, $3  }
0xc8: {  	[dreg:$0x1] =	wrdreg $0xFFFFFFFF  }
0xc9: {  	_ =	task.clear_ibuf [dreg:s9], $0x2FFFF;
	_ =	strace $0x9FFFFFFF  }
0xca: {  	(tm) =	ssettm $0x7FFFFFFF  }
0xcb: {  	_ =	shalt  }
tec
execute0_lowered:
.L_overlay_start_1:
0x0: {  	(tag) =	ssettag $0x1  }
0x1: {  	s5 =	rddreg [dreg:$0x0]  }
0x2: {  	s0 =	srdreg.scid;
	s7 =	rddreg [dreg:$0x1]  }
0x3: {  	s21 =	stileid.u32;
	s8 =	rddreg [dreg:$0x2]  }
0x4: {  	s3 =	simm.s32 $0x1;
	s9 =	rddreg [dreg:$0x3];
	s0 =	sand.u32 $0x1, s0  }
0x5: {  	s26 =	simm.s32 $0x1;
	s31 =	simm.s32 $0x5400;
	s1 =	sshll.u32 s0, $0x4  }
0x6: {  	s2 =	sand.u32 $0x3, s21;
	s12 =	sadd.s32 $0x1200, s5;
	s1 =	sor.u32 s21, s1  }
0x7: {  	s13 =	sadd.s32 $0xA00, s5;
	p1 =	sne.s32 s2, $0x0;
	p0 =	seq.s32 s1, $0x0  }
0x8: {  	s14 =	sadd.s32 $0xE00, s5;
	s22 =	sadd.s32 $0x29600, s5;
	p0 =	por !p1, !p0  }
0x9: {  	s4 =	sshll.u32 s2, $0xB;
	s10 =	sshll.u32 s0, $0x2;
	p0 =	por !p0, !p0  }
0xa: {  	s0 =	ssub.s32 $0x2, s0;
	s1 =	sshrl.u32 s1, $0x2;
	s3 =	simm.s32 @!p0 $0x0  }
0xb: {  	s2 =	smul.u32 $0x14, s2;
	s16 =	sadd.s32 s21, s10;
	s1 =	ssub.s32 s1, s3  }
0xc: {  	s25 =	sshrl.u32 s0, $0x1;
	s3 =	simm.s32 $0x0;
	s6 =	smul.u32 $0x14000, s1  }
0xd: {  	s24 =	sshll.u32 s1, $0xA;
	s17 =	sshll.u32 s1, $0x7;
	s1 =	smul.u32 $0x50, s1  }
0xe: {  	s18 =	sshll.u32 s16, $0x4;
	s0 =	ssub.s32 s0, s25;
	[smem:$0x7FF] =	sst s3  }
0xf: {  	s20 =	sadd.s32 s18, s5;
	[dreg:$0x5] =	wrdreg s6;
	s1 =	sadd.s32 s2, s1  }
0x10: {  	s2 =	sadd.s32 s12, s18;
	_ =	strace $0x80000047;
	[dreg:$0x8] =	wrdreg s1  }
0x11: {  	s10 =	sand.u32 $0xFFFFE000, s24;
	s17 =	sand.u32 $0x380, s17;
	[dreg:$0xb] =	wrdreg s2  }
0x12: {  	s25 =	sadd.s32 $0x2E600, s20;
	s10 =	sor.u32 s17, s10;
	[dreg:$0x1a] =	wrdreg s22  }
0x13: {  	s0 =	smax.u32 s0, $0x1;
	s19 =	sshrl.u32 s10, $0x3;
	[dreg:$0x15] =	wrdreg s25  }
0x14: {  	s15 =	sadd.s32 $0x600, s5;
	[dreg:$0x16] =	wrdreg s0;
	s10 =	sadd.s32 s12, s19  }
0x15: {  	p0 =	sgt.u32 s21, $0x3;
	s28 =	sadd.s32 s13, s19;
	[dreg:$0x6] =	wrdreg s10  }
0x16: {  	s6 =	sor.u32 s4, s6;
	s29 =	sadd.s32 s14, s19;
	[dreg:$0x7] =	wrdreg s28  }
0x17: {  	s17 =	smul.u32 $0x500, s16;
	s30 =	sadd.s32 s15, s19;
	[dreg:$0x9] =	wrdreg s29  }
0x18: {  	s6 =	sshrl.u32 s6, $0x3;
	s12 =	sadd.s32 s14, s18;
	[dreg:$0xa] =	wrdreg s30  }
0x19: {  	s11 =	sadd.s32 s6, s5;
	s14 =	sadd.s32 s7, s18;
	[dreg:$0xd] =	wrdreg s12  }
0x1a: {  	s6 =	sadd.s32 $0x15600, s5;
	s24 =	sadd.s32 s22, s17;
	[dreg:$0xf] =	wrdreg s14  }
0x1b: {  	s19 =	sadd.s32 $0x2BE00, s5;
	s22 =	simm.s32 $0x6880;
	[dreg:$0x13] =	wrdreg s24  }
0x1c: {  	s10 =	sadd.s32 s13, s18;
	s13 =	sadd.s32 s15, s18;
	[dreg:$0x1b] =	wrdreg s19  }
0x1d: {  	s15 =	sadd.s32 s8, s18;
	s18 =	sshll.u32 s16, $0x6;
	[dreg:$0xc] =	wrdreg s10  }
0x1e: {  	s23 =	sadd.s32 $0x1600, s11;
	s1 =	sadd.s32 s19, s17;
	[dreg:$0xe] =	wrdreg s13  }
0x1f: {  	s14 =	simm.s32 $0x5C00;
	s17 =	simm.s32 $0x2;
	[dreg:$0x10] =	wrdreg s15  }
0x20: {  	s24 =	simm.s32 $0x8400;
	[dreg:$0x11] =	wrdreg s23;
	s2 =	sadd.s32 s9, s18  }
.Ltmp0:
0x21: {  	[dreg:$0x14] =	wrdreg s1;
	s1 =	simm.s32 $0x6;
	(pc) =	sbr.rel .LBB2_1-.Ltmp0, $4  }
0x22: {  	s13 =	simm.s32 $0x5800;
	s28 =	sadd.s32 $0x10, s2;
	[dreg:$0x12] =	wrdreg s2  }
0x23: {  	s15 =	simm.s32 $0x6000;
	s29 =	sadd.s32 $0x20, s2;
	[dreg:$0x17] =	wrdreg s28  }
0x24: {  	v0 =	vimm.f32 $-1.000000000e+00;
	v1 =	vimm.s32 $0x0;
	s18 =	simm.s32 $0x6400;
	s30 =	sadd.s32 $0x30, s2;
	[dreg:$0x18] =	wrdreg s29  }
0x25: {  	v2 =	vlaneseq.u32;
	v3 =	vimm.f32 $0.0e+00;
	v4 =	vimm.f32 $-Inf;
	s23 =	simm.s32 $0x8380;
	s2 =	simm.s32 $0x0;
	[dreg:$0x19] =	wrdreg s30  }
.LBB2_39:
0x26: {  	_ =	sdelay $0x2  }
0x27: {  	v5 =	vmov s2;
	s9 =	simm.s32 $0xD780  }
0x28: {  	s0 =	rddreg [dreg:$0xf];
	[tilespmem:v1+s9+$0x0] =	vst.idx.msk $0x1, v5  }
0x29: {  	[hbm4b:s0+s3] =	stream.linear.scatter [tilespmem:s7], [sflag:$0x5], $0x80, $0x38;
	[tilespmem:$0xD800] =	vst v63  }
0x2a: {  	s20 =	rddreg [dreg:$0x10]  }
0x2b: {  	[hbm4b:s20+s3] =	stream.linear.scatter [tilespmem:s10], [sflag:$0x5], $0x80, $0x38;
	[tilespmem:$0xD800] =	vst v63  }
0x2c: {  	s21 =	rddreg [dreg:$0x12]  }
0x2d: {  	[hbm4b:s21+s3] =	stream.linear.scatter [tilespmem:s11], [sflag:$0x5], $0x80, $0x38;
	[tilespmem:$0xD800] =	vst v63  }
0x2e: {  	s25 =	rddreg [dreg:$0x17]  }
0x2f: {  	[hbm4b:s25+s3] =	stream.linear.scatter [tilespmem:s12], [sflag:$0x5], $0x80, $0x38;
	[tilespmem:$0xD800] =	vst v63  }
0x30: {  	s26 =	rddreg [dreg:$0x18]  }
0x31: {  	[hbm4b:s26+s3] =	stream.linear.scatter [tilespmem:s16], [sflag:$0x5], $0x80, $0x38;
	[tilespmem:$0xD800] =	vst v63  }
0x32: {  	s28 =	rddreg [dreg:$0x19]  }
0x33: {  	[hbm4b:s28+s3] =	stream.linear.scatter [tilespmem:s19], [sflag:$0x5], $0x80, $0x38;
	[tilespmem:$0xD800] =	vst v63  }
0x34: {  	s29 =	rddreg [dreg:$0x15];
	s30 =	simm.s32 $0x5  }
0x35: {  	[hbm4b:s29+s3] =	stream.linear.scatter [tilespmem:s9], [sflag:$0x5], $0x80, $0x38;
	[tilespmem:$0xD800] =	vst v63  }
0x36: {  	_ =	swait.ge [sflag:s30], $0x80  }
0x37: {  	[sflag:s30] =	ssyncset.done $0x0  }
0x38: {  	[sflag:s30] =	ssyncadd.s32 $0xFFFFFF80  }
0x39: {  	_ =	swait.ge [sflag:s30], $0x80  }
0x3a: {  	[sflag:s30] =	ssyncset.done $0x0  }
0x3b: {  	[sflag:s30] =	ssyncadd.s32 $0xFFFFFF80  }
0x3c: {  	_ =	swait.ge [sflag:s30], $0x80  }
0x3d: {  	[sflag:s30] =	ssyncset.done $0x0  }
0x3e: {  	[sflag:s30] =	ssyncadd.s32 $0xFFFFFF80  }
0x3f: {  	_ =	swait.ge [sflag:s30], $0x80  }
0x40: {  	[sflag:s30] =	ssyncset.done $0x0  }
0x41: {  	[sflag:s30] =	ssyncadd.s32 $0xFFFFFF80  }
0x42: {  	_ =	swait.ge [sflag:s30], $0x80  }
0x43: {  	[sflag:s30] =	ssyncset.done $0x0  }
0x44: {  	[sflag:s30] =	ssyncadd.s32 $0xFFFFFF80  }
0x45: {  	_ =	swait.ge [sflag:s30], $0x80  }
0x46: {  	[sflag:s30] =	ssyncset.done $0x0  }
0x47: {  	[sflag:s30] =	ssyncadd.s32 $0xFFFFFF80  }
0x48: {  	_ =	swait.ge [sflag:s30], $0x80  }
0x49: {  	[sflag:s30] =	ssyncset.done $0x0  }
0x4a: {  	s2 =	rddreg [dreg:$0x1c];
	[sflag:s30] =	ssyncadd.s32 $0xFFFFFF80  }
.LBB2_40:
0x4b: {  	s2 =	sadd.s32 $0x1, s2;
	s0 =	rddreg [dreg:$0x16]  }
0x4c: {  	p1 =	sne.s32 s2, s0  }
.Ltmp1:
0x4d: {  	_ = 	snop;
	(pc) =	sbr.rel @!p1 .LBB2_41-.Ltmp1, $2  }
0x4e: {  	_ =	sdelay $0x2  }
0x4f: {  	s26 =	simm.s32 $0x1  }
.LBB2_1:
0x50: {  	[dreg:$0x1c] =	wrdreg s2  }
0x51: {  	s0 =	rddreg [dreg:$0x11];
	p2 =	por $0x0, $0x0  }
.Ltmp2:
0x52: {  	s30 =	simm.s32 $0x800;
	s5 =	simm.s32 $0x2000;
	(pc) =	sbr.rel @p2 .LBB2_2-.Ltmp2, $4  }
0x53: {  	[tilespmem:s3], [sflag:$0x1] =	stream.strided.gather [hbm4b:s0+s30], $0x5000, s5, s30, $0x38;
	[tilespmem:$0xD800] =	vst v63  }
0x54: {  	_ =	swait.ge [sflag:s26], $0x5000  }
0x55: {  	s8 =	sand.u32 $0x380, s3;
	s7 =	simm.s32 $0x100;
	[sflag:s26] =	ssyncset.done $0x0  }
0x56: {  	p1 =	por $0x0, $0x0;
	s5 =	sand.u32 $0x7800, s3;
	[sflag:s26] =	ssyncadd.s32 $0xFFFFB000  }
0x57: {  	s2 =	sor.u32 s8, s5  }
0x58: {  	v5 =	vld [tilespmem:s2+$0x470]  }
0x59: {  	v6 =	vld [tilespmem:s2+$0x0]  }
0x5a: {  	v7 =	vld [tilespmem:s2+$0x10]  }
0x5b: {  	v9 =	vld [tilespmem:s2+$0x20]  }
0x5c: {  	v10 =	vld [tilespmem:s2+$0x30]  }
0x5d: {  	v12 =	vld [tilespmem:s2+$0x40]  }
0x5e: {  	v13 =	vld [tilespmem:s2+$0x50]  }
0x5f: {  	v14 =	vld [tilespmem:s2+$0x60]  }
0x60: {  	v15 =	vld [tilespmem:s2+$0x70]  }
0x61: {  	v19 =	vld [tilespmem:s2+$0x400]  }
0x62: {  	p2 =	por $0x0, $0x0;
	v20 =	vimm.f32 $-Inf  }
.Ltmp3:
0x63: {  	v21 =	vld [tilespmem:s2+$0x410];
	v5 =	vmax.f32 v4, v5;
	v6 =	vmax.f32 v4, v6;
	v8 =	vmax.f32 v4, v7;
	(pc) =	sbr.rel @p2 .LBB2_4-.Ltmp3, $4  }
0x64: {  	v22 =	vld [tilespmem:s2+$0x420];
	v9 =	vmax.f32 v4, v9;
	v11 =	vmax.f32 v4, v10;
	v12 =	vmax.f32 v4, v12  }
0x65: {  	v23 =	vld [tilespmem:s2+$0x430];
	v16 =	vmax.f32 v4, v13;
	v17 =	vmax.f32 v4, v14;
	v18 =	vmax.f32 v4, v15  }
0x66: {  	s0 =	simm.s32 $0x80;
	s5 =	sand.u32 $0x7800, s7;
	v24 =	vld [tilespmem:s2+$0x440];
	v19 =	vmax.f32 v4, v19;
	v7 =	vimm.f32 $-Inf;
	v10 =	vimm.f32 $-Inf  }
0x67: {  	s7 =	simm.s32 $0x200;
	p1 =	por $0x1, $0x1;
	s8 =	sand.u32 $0x380, s0;
	v25 =	vld [tilespmem:s2+$0x450];
	v13 =	vimm.f32 $-Inf;
	v14 =	vimm.f32 $-Inf;
	v15 =	vimm.f32 $-Inf  }
.LBB2_5:
0x68: {  	p2 =	seq.s32 s7, $0x4F00;
	v7 =	vmax.f32 v7, v21;
	v21 =	vld [tilespmem:s2+$0x460];
	s2 =	sor.u32 s8, s5  }
0x69: {  	v26 =	vld [tilespmem:s2+$0x470];
	v10 =	vmax.f32 v10, v22  }
0x6a: {  	v22 =	vld [tilespmem:s2+$0x0];
	v13 =	vmax.f32 v13, v23  }
0x6b: {  	v23 =	vld [tilespmem:s2+$0x10];
	v14 =	vmax.f32 v14, v24  }
0x6c: {  	v24 =	vld [tilespmem:s2+$0x20];
	v15 =	vmax.f32 v15, v25  }
0x6d: {  	v25 =	vld [tilespmem:s2+$0x30];
	v20 =	vmax.f32 v20, v21  }
0x6e: {  	v21 =	vld [tilespmem:s2+$0x40];
	v5 =	vmax.f32 v5, v26  }
0x6f: {  	v6 =	vmax.f32 v6, v22;
	v22 =	vld [tilespmem:s2+$0x50]  }
0x70: {  	v8 =	vmax.f32 v8, v23;
	v23 =	vld [tilespmem:s2+$0x60]  }
0x71: {  	v9 =	vmax.f32 v9, v24;
	v24 =	vld [tilespmem:s2+$0x70]  }
0x72: {  	v11 =	vmax.f32 v11, v25;
	v25 =	vld [tilespmem:s2+$0x400]  }
.Ltmp4:
0x73: {  	v12 =	vmax.f32 v12, v21;
	v21 =	vld [tilespmem:s2+$0x410];
	(pc) =	sbr.rel @!p2 .LBB2_5-.Ltmp4, $4  }
0x74: {  	v16 =	vmax.f32 v16, v22;
	v22 =	vld [tilespmem:s2+$0x420]  }
0x75: {  	v17 =	vmax.f32 v17, v23;
	v23 =	vld [tilespmem:s2+$0x430]  }
0x76: {  	s0 =	sadd.s32 $0x80, s0;
	v18 =	vmax.f32 v18, v24;
	v24 =	vld [tilespmem:s2+$0x440]  }
0x77: {  	s5 =	sand.u32 $0x7800, s7;
	s7 =	sadd.s32 $0x100, s7;
	s8 =	sand.u32 $0x380, s0;
	v19 =	vmax.f32 v19, v25;
	v25 =	vld [tilespmem:s2+$0x450]  }
.LBB2_6:
0x78: {  	s0 =	sor.u32 s8, s5;
	v26 =	vld @p1 [tilespmem:s2+$0x460]  }
0x79: {  	v27 =	vld [tilespmem:s0+$0x470]  }
0x7a: {  	v28 =	vld [tilespmem:s0+$0x0]  }
0x7b: {  	v29 =	vld [tilespmem:s0+$0x10]  }
0x7c: {  	v30 =	vld [tilespmem:s0+$0x20]  }
0x7d: {  	v31 =	vld [tilespmem:s0+$0x30]  }
0x7e: {  	v32 =	vld [tilespmem:s0+$0x40]  }
0x7f: {  	v33 =	vld [tilespmem:s0+$0x50]  }
0x80: {  	v34 =	vld [tilespmem:s0+$0x60]  }
0x81: {  	v36 =	vld [tilespmem:s0+$0x400]  }
0x82: {  	v37 =	vld [tilespmem:s0+$0x410]  }
0x83: {  	v38 =	vld [tilespmem:s0+$0x420]  }
0x84: {  	v39 =	vld [tilespmem:s0+$0x430]  }
0x85: {  	v21 =	vmax.f32 @p1 v7, v21;
	v22 =	vmax.f32 @p1 v10, v22;
	v7 =	vmax.f32 v5, v27;
	v5 =	vld [tilespmem:s0+$0x440]  }
0x86: {  	v23 =	vmax.f32 @p1 v13, v23;
	v24 =	vmax.f32 @p1 v14, v24;
	v20 =	vmax.f32 @p1 v20, v26;
	v26 =	vld [tilespmem:s0+$0x450]  }
0x87: {  	s25 =	simm.s32 $0x0;
	v25 =	vmax.f32 @p1 v15, v25;
	v13 =	vmax.f32 v8, v29;
	v10 =	vmax.f32 v9, v30;
	v27 =	vld [tilespmem:s0+$0x460]  }
0x88: {  	v35 =	vld [tilespmem:s0+$0x70];
	s28 =	sand.u32 $0x7800, s25;
	v14 =	vmax.f32 v11, v31;
	v9 =	vmax.f32 v19, v36;
	v8 =	vpsel p1, v21, v4;
	s0 =	sand.u32 $0x380, s25  }
0x89: {  	v11 =	vpsel p1, v22, v4;
	v21 =	vpsel p1, v23, v4;
	v22 =	vpsel p1, v24, v4;
	s5 =	sor.u32 s0, s28  }
0x8a: {  	v23 =	vpsel p1, v25, v4;
	v19 =	vmax.f32 v11, v38;
	v11 =	vmax.f32 v22, v5;
	v22 =	vld [tilespmem:s5+$0x450]  }
0x8b: {  	v15 =	vmax.f32 v12, v32;
	v24 =	vpsel p1, v20, v4;
	v20 =	vmax.f32 v23, v26;
	v23 =	vld [tilespmem:s5+$0x460]  }
0x8c: {  	v12 =	vmax.f32 v8, v37;
	v8 =	vmax.f32 v21, v39;
	v21 =	vmax.f32 v24, v27;
	v24 =	vld [tilespmem:s5+$0x420];
	_ =	sdelay $0x1  }
0x8d: {  	v25 =	vld [tilespmem:s5+$0x60]  }
0x8e: {  	v26 =	vld [tilespmem:s5+$0x30];
	v22 =	vsub.f32 v22, v20  }
0x8f: {  	v23 =	vsub.f32 v23, v21  }
0x90: {  	v27 =	vld [tilespmem:s5+$0x50];
	v24 =	vsub.f32 v24, v19;
	v22 =	vmul.f32 $1.442695020e+00, v22  }
0x91: {  	v6 =	vmax.f32 v6, v28;
	v17 =	vmax.f32 v17, v34;
	v28 =	vld [tilespmem:s5+$0x20];
	v23 =	vmul.f32 $1.442695020e+00, v23  }
0x92: {  	v25 =	vsub.f32 v25, v17;
	v24 =	vmul.f32 $1.442695020e+00, v24;
	(erf) = vpow2.f32 v22;
	v22 =	vld [tilespmem:s5+$0x40]  }
0x93: {  	v26 =	vsub.f32 v26, v14;
	(erf) = vpow2.f32 v23;
	v23 =	vld [tilespmem:s5+$0x10]  }
0x94: {  	v16 =	vmax.f32 v16, v33;
	v25 =	vmul.f32 $1.442695020e+00, v25;
	(erf) = vpow2.f32 v24;
	v24 =	vld [tilespmem:s5+$0x70]  }
0x95: {  	v29 =	vld [tilespmem:s5+$0x410];
	v27 =	vsub.f32 v27, v16;
	v26 =	vmul.f32 $1.442695020e+00, v26  }
0x96: {  	v31 =	vld [tilespmem:s5+$0x400];
	(erf) = vpow2.f32 v25  }
0x97: {  	v27 =	vmul.f32 $1.442695020e+00, v27;
	(erf) = vpow2.f32 v26;
	v26 =	vld [tilespmem:s5+$0x0];
	v22 =	vsub.f32 v22, v15  }
0x98: {  	v18 =	vmax.f32 v18, v35;
	v25 =	vld [tilespmem:s5+$0x470];
	v23 =	vsub.f32 v23, v13  }
0x99: {  	(erf) = vpow2.f32 v27;
	v22 =	vmul.f32 $1.442695020e+00, v22;
	v24 =	vsub.f32 v24, v18  }
0x9a: {  	s29 =	simm.s32 $0x100;
	s30 =	simm.s32 $0x80;
	v35 =	vimm.f32 $0.0e+00;
	v23 =	vmul.f32 $1.442695020e+00, v23  }
0x9b: {  	s2 =	sand.u32 $0x380, s30;
	s0 =	sand.u32 $0x7800, s29;
	v28 =	vsub.f32 v28, v10;
	v27 =	vld [tilespmem:s5+$0x440];
	v30 =	vpop (erf);
	(erf) = vpow2.f32 v22;
	v22 =	vmul.f32 $1.442695020e+00, v24  }
0x9c: {  	s2 =	sor.u32 s2, s0;
	v31 =	vsub.f32 v31, v9;
	v26 =	vsub.f32 v26, v6;
	[tilespmem:s5+$0x450] =	vst v30;
	(erf) = vpow2.f32 v23  }
0x9d: {  	v29 =	vsub.f32 v29, v12;
	v25 =	vsub.f32 v25, v7;
	v47 =	vld [tilespmem:s2+$0x450];
	v24 =	vpop (erf);
	(erf) = vpow2.f32 v22  }
0x9e: {  	v48 =	vld [tilespmem:s5+$0x430];
	v5 =	vimm.f32 $0.0e+00;
	v28 =	vmul.f32 $1.442695020e+00, v28;
	v31 =	vmul.f32 $1.442695020e+00, v31;
	v23 =	vpop (erf);
	[tilespmem:s5+$0x460] =	vst v24  }
0x9f: {  	v29 =	vmul.f32 $1.442695020e+00, v29;
	v25 =	vmul.f32 $1.442695020e+00, v25;
	v22 =	vadd.f32 v30, v5;
	v49 =	vpop (erf);
	v30 =	vld [tilespmem:s2+$0x460];
	[tilespmem:s5+$0x420] =	vst v23  }
0xa0: {  	v54 =	vsub.f32 v27, v11;
	v50 =	vmul.f32 $1.442695020e+00, v26;
	(erf) = vpow2.f32 v28;
	[tilespmem:s5+$0x60] =	vst v49;
	v26 =	vpop (erf);
	v52 =	vld [tilespmem:s2+$0x420]  }
0xa1: {  	v24 =	vadd.f32 v24, v5;
	v23 =	vadd.f32 v23, v5;
	(erf) = vpow2.f32 v25;
	v51 =	vld [tilespmem:s2+$0x60];
	[tilespmem:s5+$0x30] =	vst v26  }
0xa2: {  	v25 =	vadd.f32 v49, v5;
	v28 =	vpop (erf);
	(erf) = vpow2.f32 v50;
	v53 =	vld [tilespmem:s2+$0x30];
	v32 =	vsub.f32 v47, v20  }
0xa3: {  	v56 =	vmul.f32 $1.442695020e+00, v54;
	v26 =	vadd.f32 v26, v5;
	[tilespmem:s5+$0x50] =	vst v28;
	v27 =	vadd.f32 v28, v5  }
0xa4: {  	v55 =	vld [tilespmem:s2+$0x50];
	v28 =	vpop (erf);
	(erf) = vpow2.f32 v29;
	v29 =	vsub.f32 v48, v8;
	v32 =	vmul.f32 $1.442695020e+00, v32  }
0xa5: {  	v30 =	vsub.f32 v30, v21;
	[tilespmem:s5+$0x40] =	vst v28;
	v28 =	vadd.f32 v28, v5;
	v37 =	vpop (erf);
	(erf) = vpow2.f32 v31  }
0xa6: {  	v57 =	vsub.f32 v52, v19;
	v31 =	vld [tilespmem:s2+$0x40];
	[tilespmem:s5+$0x10] =	vst v37;
	v58 =	vpop (erf);
	v36 =	vsub.f32 v51, v17;
	v41 =	vmul.f32 $1.442695020e+00, v29  }
0xa7: {  	(erf) = vpow2.f32 v56;
	v59 =	vmul.f32 $1.442695020e+00, v30;
	v40 =	vld [tilespmem:s2+$0x10];
	[tilespmem:s5+$0x70] =	vst v58;
	v34 =	vsub.f32 v53, v14  }
0xa8: {  	v33 =	vmul.f32 $1.442695020e+00, v57;
	(erf) = vpow2.f32 v32;
	v30 =	vadd.f32 v58, v5;
	v42 =	vld [tilespmem:s2+$0x70]  }
0xa9: {  	v43 =	vpop (erf);
	v36 =	vmul.f32 $1.442695020e+00, v36;
	v60 =	vsub.f32 v55, v16;
	(erf) = vpow2.f32 v41  }
0xaa: {  	v29 =	vadd.f32 v43, v5;
	v38 =	vpop (erf);
	v34 =	vmul.f32 $1.442695020e+00, v34;
	(erf) = vpow2.f32 v59  }
0xab: {  	[tilespmem:s5+$0x20] =	vst v43;
	v45 =	vpop (erf);
	v46 =	vmul.f32 $1.442695020e+00, v60;
	(erf) = vpow2.f32 v33;
	v61 =	vsub.f32 v31, v15  }
0xac: {  	v41 =	vld [tilespmem:s2+$0x20];
	[tilespmem:s5+$0x470] =	vst v38;
	(erf) = vpow2.f32 v36;
	v31 =	vadd.f32 v45, v5;
	v36 =	vimm.f32 $0.0e+00  }
0xad: {  	v39 =	vld [tilespmem:s2+$0x470];
	[tilespmem:s5+$0x0] =	vst v45;
	v40 =	vsub.f32 v40, v13;
	v43 =	vsub.f32 v42, v18;
	v62 =	vpop (erf);
	v44 =	vmul.f32 $1.442695020e+00, v61  }
0xae: {  	(erf) = vpow2.f32 v34;
	v42 =	vld [tilespmem:s2+$0x0];
	v34 =	vimm.f32 $0.0e+00;
	[tilespmem:s5+$0x410] =	vst v62;
	v32 =	vadd.f32 v62, v5;
	v63 =	vpop (erf)  }
0xaf: {  	s9 =	simm.s32 $0x100;
	s0 =	simm.s32 $0x200;
	v45 =	vmul.f32 $1.442695020e+00, v40;
	(erf) = vpow2.f32 v46;
	v40 =	vld [tilespmem:s2+$0x410];
	v33 =	vadd.f32 v63, v5;
	[tilespmem:s5+$0x400] =	vst v63  }
.LBB2_7:
0xb0: {  	s11 =	smov.u32 s0  }
0xb1: {  	s7 =	sand.u32 $0x7800, s0;
	s8 =	sand.u32 $0x380, s9;
	v43 =	vmul.f32 $1.442695020e+00, v43;
	v46 =	vld [tilespmem:s2+$0x400];
	v5 =	vadd.f32 v37, v5;
	v36 =	vadd.f32 v38, v36;
	v37 =	vpop (erf);
	s11 =	sadd.s32 $0x100, s0  }
0xb2: {  	p1 =	seq.s32 s0, $0x4F00;
	s7 =	sor.u32 s8, s7;
	v38 =	vsub.f32 v41, v10;
	v35 =	vadd.f32 v37, v35;
	(erf) = vpow2.f32 v44;
	[tilespmem:s5+$0x440] =	vst v37  }
0xb3: {  	v39 =	vsub.f32 v39, v7;
	v37 =	vsub.f32 v42, v6;
	v41 =	vld [tilespmem:s2+$0x440];
	(erf) = vpow2.f32 v45;
	v42 =	vpop (erf)  }
0xb4: {  	v47 =	vmul.f32 $1.442695020e+00, v38;
	[tilespmem:s2+$0x450] =	vst v42;
	v22 =	vadd.f32 v42, v22;
	(erf) = vpow2.f32 v43;
	v42 =	vpop (erf)  }
0xb5: {  	v39 =	vmul.f32 $1.442695020e+00, v39;
	v40 =	vsub.f32 v40, v12;
	v43 =	vld [tilespmem:s7+$0x450];
	v44 =	vpop (erf);
	[tilespmem:s5+$0x430] =	vst v42;
	v34 =	vadd.f32 v42, v34;
	s5 =	smov.u32 s2;
	s2 =	smov.u32 s7  }
0xb6: {  	v49 =	vmul.f32 $1.442695020e+00, v37;
	v48 =	vsub.f32 v46, v9;
	v45 =	vld [tilespmem:s5+$0x430];
	[tilespmem:s5+$0x460] =	vst v44;
	(erf) = vpow2.f32 v47;
	v38 =	vpop (erf)  }
0xb7: {  	v24 =	vadd.f32 v44, v24;
	v46 =	vld [tilespmem:s2+$0x460];
	[tilespmem:s5+$0x420] =	vst v38;
	v23 =	vadd.f32 v38, v23;
	v38 =	vpop (erf);
	(erf) = vpow2.f32 v39  }
0xb8: {  	v39 =	vld [tilespmem:s2+$0x420];
	[tilespmem:s5+$0x60] =	vst v38;
	v25 =	vadd.f32 v38, v25;
	v38 =	vmul.f32 $1.442695020e+00, v48;
	v41 =	vsub.f32 v41, v11;
	v42 =	vpop (erf)  }
0xb9: {  	v40 =	vmul.f32 $1.442695020e+00, v40;
	v44 =	vld [tilespmem:s2+$0x60];
	[tilespmem:s5+$0x30] =	vst v42;
	v26 =	vadd.f32 v42, v26;
	(erf) = vpow2.f32 v49;
	v37 =	vpop (erf)  }
0xba: {  	v42 =	vld [tilespmem:s2+$0x30];
	[tilespmem:s5+$0x50] =	vst v37;
	v27 =	vadd.f32 v37, v27  }
0xbb: {  	v43 =	vsub.f32 v43, v20;
	v41 =	vmul.f32 $1.442695020e+00, v41;
	v47 =	vld [tilespmem:s2+$0x50];
	v37 =	vpop (erf);
	(erf) = vpow2.f32 v40  }
0xbc: {  	v40 =	vsub.f32 v45, v8;
	[tilespmem:s5+$0x40] =	vst v37;
	v28 =	vadd.f32 v37, v28;
	v37 =	vpop (erf);
	(erf) = vpow2.f32 v38  }
0xbd: {  	v45 =	vld [tilespmem:s2+$0x40];
	v51 =	vsub.f32 v39, v19;
	v39 =	vmul.f32 $1.442695020e+00, v43;
	v43 =	vsub.f32 v46, v21;
	[tilespmem:s5+$0x10] =	vst v37;
	v46 =	vpop (erf)  }
0xbe: {  	v40 =	vmul.f32 $1.442695020e+00, v40;
	v48 =	vld [tilespmem:s2+$0x10];
	v44 =	vsub.f32 v44, v17;
	[tilespmem:s5+$0x70] =	vst v46;
	(erf) = vpow2.f32 v41  }
0xbf: {  	v41 =	vsub.f32 v42, v14;
	v49 =	vld [tilespmem:s2+$0x70];
	v42 =	vmul.f32 $1.442695020e+00, v51;
	v43 =	vmul.f32 $1.442695020e+00, v43;
	v50 =	vpop (erf)  }
0xc0: {  	v30 =	vadd.f32 v46, v30;
	v44 =	vmul.f32 $1.442695020e+00, v44;
	(erf) = vpow2.f32 v39;
	[tilespmem:s5+$0x20] =	vst v50;
	v38 =	vpop (erf)  }
0xc1: {  	v46 =	vsub.f32 v47, v16;
	v29 =	vadd.f32 v50, v29;
	[tilespmem:s5+$0x470] =	vst v38;
	(erf) = vpow2.f32 v40  }
.Ltmp5:
0xc2: {  	v40 =	vmul.f32 $1.442695020e+00, v41;
	v45 =	vsub.f32 v45, v15;
	v39 =	vld [tilespmem:s2+$0x470];
	(erf) = vpow2.f32 v43;
	v47 =	vpop (erf);
	(pc) =	sbr.rel @!p1 .LBB2_7-.Ltmp5, $4  }
0xc3: {  	v46 =	vmul.f32 $1.442695020e+00, v46;
	v48 =	vsub.f32 v48, v13;
	v41 =	vld [tilespmem:s2+$0x20];
	(erf) = vpow2.f32 v42;
	[tilespmem:s5+$0x0] =	vst v47  }
0xc4: {  	v31 =	vadd.f32 v47, v31;
	v42 =	vld [tilespmem:s2+$0x0];
	v43 =	vsub.f32 v49, v18;
	(erf) = vpow2.f32 v44;
	v47 =	vpop (erf)  }
0xc5: {  	v44 =	vmul.f32 $1.442695020e+00, v45;
	(erf) = vpow2.f32 v40;
	[tilespmem:s5+$0x410] =	vst v47;
	v32 =	vadd.f32 v47, v32;
	v47 =	vpop (erf)  }
0xc6: {  	s9 =	sadd.s32 $0x80, s9;
	s0 =	smov.u32 s11;
	v45 =	vmul.f32 $1.442695020e+00, v48;
	v40 =	vld [tilespmem:s2+$0x410];
	(erf) = vpow2.f32 v46;
	[tilespmem:s5+$0x400] =	vst v47;
	v33 =	vadd.f32 v47, v33  }
0xc7: {  	v13 =	vpop (erf)  }
0xc8: {  	v16 =	vld [tilespmem:s2+$0x400];
	[tilespmem:s5+$0x440] =	vst v13;
	v10 =	vsub.f32 v41, v10  }
0xc9: {  	v18 =	vmul.f32 $1.442695020e+00, v43;
	v14 =	vld [tilespmem:s2+$0x440]  }
0xca: {  	v7 =	vsub.f32 v39, v7;
	v15 =	vpop (erf);
	(erf) = vpow2.f32 v44;
	v10 =	vmul.f32 $1.442695020e+00, v10  }
0xcb: {  	v6 =	vsub.f32 v42, v6;
	[tilespmem:s2+$0x450] =	vst v15;
	v17 =	vpop (erf);
	(erf) = vpow2.f32 v45  }
0xcc: {  	v7 =	vmul.f32 $1.442695020e+00, v7;
	[tilespmem:s5+$0x430] =	vst v17;
	(erf) = vpow2.f32 v18;
	v12 =	vsub.f32 v40, v12  }
0xcd: {  	v6 =	vmul.f32 $1.442695020e+00, v6;
	v19 =	vld [tilespmem:s2+$0x430];
	v9 =	vsub.f32 v16, v9;
	(erf) = vpow2.f32 v10  }
0xce: {  	v10 =	vpop (erf);
	(erf) = vpow2.f32 v7;
	v7 =	vsub.f32 v14, v11;
	v11 =	vmul.f32 $1.442695020e+00, v12  }
0xcf: {  	v9 =	vmul.f32 $1.442695020e+00, v9  }
0xd0: {  	v12 =	vpop (erf);
	(erf) = vpow2.f32 v6  }
0xd1: {  	v14 =	vpop (erf)  }
0xd2: {  	(erf) = vpow2.f32 v11;
	v6 =	vsub.f32 v19, v8;
	v11 =	vpop (erf)  }
0xd3: {  	v7 =	vmul.f32 $1.442695020e+00, v7;
	(erf) = vpow2.f32 v9;
	v9 =	vpop (erf)  }
0xd4: {  	v6 =	vmul.f32 $1.442695020e+00, v6;
	v16 =	vpop (erf)  }
0xd5: {  	[tilespmem:s2+$0x460] =	vst v10;
	(erf) = vpow2.f32 v7;
	v20 =	vpop (erf)  }
0xd6: {  	[tilespmem:s2+$0x420] =	vst v12;
	(erf) = vpow2.f32 v6;
	v6 =	vadd.f32 v15, v22;
	v15 =	vpop (erf)  }
0xd7: {  	[tilespmem:s2+$0x60] =	vst v14;
	v7 =	vadd.f32 v12, v23;
	v12 =	vpop (erf)  }
0xd8: {  	v35 =	vadd.f32 v13, v35;
	v18 =	vadd.f32 v37, v5;
	[tilespmem:s2+$0x30] =	vst v11;
	v23 =	vpop (erf)  }
0xd9: {  	v8 =	vadd.f32 v10, v24;
	v5 =	vadd.f32 v14, v25;
	[tilespmem:s2+$0x40] =	vst v16;
	v14 =	vpop (erf)  }
0xda: {  	v10 =	vadd.f32 v11, v26;
	[tilespmem:s2+$0x10] =	vst v20;
	v19 =	vadd.f32 v14, v31  }
0xdb: {  	v20 =	vadd.f32 v20, v18;
	[tilespmem:s2+$0x70] =	vst v15;
	v11 =	vadd.f32 v15, v30;
	v15 =	vpop (erf)  }
0xdc: {  	v13 =	vadd.f32 v16, v28;
	[tilespmem:s2+$0x20] =	vst v12;
	v16 =	vadd.f32 v12, v29;
	v12 =	vpop (erf);
	(erf) = vrcp.f32 v19  }
0xdd: {  	[tilespmem:s2+$0x50] =	vst v9;
	(erf) = vrcp.f32 v20  }
0xde: {  	[tilespmem:s2+$0x0] =	vst v14;
	(erf) = vrcp.f32 v16  }
0xdf: {  	v9 =	vadd.f32 v9, v27;
	[tilespmem:s2+$0x410] =	vst v15;
	v14 =	vadd.f32 v15, v32;
	v15 =	vpop (erf);
	(erf) = vrcp.f32 v10  }
0xe0: {  	(erf) = vrcp.f32 v13  }
0xe1: {  	v18 =	vpop (erf);
	(erf) = vrcp.f32 v9  }
0xe2: {  	v22 =	vadd.f32 v17, v34;
	v17 =	vadd.f32 v12, v33;
	(erf) = vrcp.f32 v5  }
0xe3: {  	(erf) = vrcp.f32 v11  }
0xe4: {  	(erf) = vrcp.f32 v17  }
0xe5: {  	[tilespmem:s2+$0x430] =	vst v18;
	v18 =	vadd.f32 v18, v22;
	v5 =	vpop (erf);
	(erf) = vrcp.f32 v14  }
0xe6: {  	[tilespmem:s2+$0x440] =	vst v15;
	v15 =	vadd.f32 v15, v35;
	v11 =	vpop (erf);
	(erf) = vrcp.f32 v7  }
0xe7: {  	v21 =	vadd.f32 v38, v36;
	v10 =	vpop (erf);
	(erf) = vrcp.f32 v18  }
0xe8: {  	s0 =	simm.s32 $0x0;
	v14 =	vpop (erf);
	(erf) = vrcp.f32 v15  }
0xe9: {  	s28 =	sand.u32 $0x380, s0;
	s0 =	sand.u32 $0x7800, s0;
	[tilespmem:s2+$0x400] =	vst v12;
	v12 =	vadd.f32 v23, v21;
	v9 =	vpop (erf);
	(erf) = vrcp.f32 v6  }
0xea: {  	s5 =	sor.u32 s28, s0;
	[tilespmem:s2+$0x470] =	vst v23;
	v7 =	vpop (erf);
	(erf) = vrcp.f32 v8  }
0xeb: {  	v27 =	vld [tilespmem:s5+$0x470];
	v16 =	vpop (erf);
	(erf) = vrcp.f32 v12  }
0xec: {  	v22 =	vld [tilespmem:s5+$0x60];
	v6 =	vpop (erf)  }
0xed: {  	v25 =	vld [tilespmem:s5+$0x430];
	v8 =	vpop (erf)  }
0xee: {  	v21 =	vld [tilespmem:s5+$0x440];
	v13 =	vpop (erf)  }
0xef: {  	v24 =	vld [tilespmem:s5+$0x460];
	v15 =	vpop (erf)  }
0xf0: {  	s29 =	rddreg [dreg:$0x5];
	v29 =	vld [tilespmem:s5+$0x30];
	v18 =	vpop (erf)  }
0xf1: {  	s12 =	sadd.s32 $0x400, s29;
	v23 =	vld [tilespmem:s5+$0x10];
	v26 =	vmul.f32 v22, v16;
	v20 =	vpop (erf)  }
0xf2: {  	s21 =	simm.s32 $0x80;
	s7 =	sand.u32 $0xFFFFE000, s12;
	s0 =	sand.u32 $0xFFFFE000, s29;
	v22 =	vld [tilespmem:s5+$0x420];
	v30 =	vmul.f32 v25, v18;
	v12 =	vpop (erf)  }
0xf3: {  	s9 =	sand.u32 $0x380, s21;
	s7 =	sor.u32 s7, s4;
	s0 =	sor.u32 s0, s4;
	[tilespmem:s5+$0x60] =	vst v26;
	v25 =	vld [tilespmem:s5+$0x40];
	v28 =	vmul.f32 v21, v20;
	v17 =	vpop (erf)  }
0xf4: {  	s11 =	simm.s32 $0x100;
	s30 =	sor.u32 s9, s7;
	s0 =	sor.u32 s28, s0;
	[tilespmem:s5+$0x430] =	vst v30;
	v19 =	vpop (erf);
	v26 =	vmul.f32 v24, v17;
	v24 =	vld [tilespmem:s5+$0x20]  }
0xf5: {  	s25 =	simm.s32 $0x200;
	s20 =	sshrl.u32 s0, $0x3;
	s2 =	sshrl.u32 s30, $0x3;
	v21 =	vld [tilespmem:s5+$0x410];
	[tilespmem:s5+$0x440] =	vst v28;
	v28 =	vmul.f32 v27, v19;
	v27 =	vmul.f32 v29, v14  }
.LBB2_9:
0xf6: {  	p1 =	sne.s32 s25, $0x4F00  }
0xf7: {  	s12 =	sadd.s32 $0x400, s12;
	s21 =	sadd.s32 $0x80, s21;
	v22 =	vmul.f32 v22, v15;
	[tilespmem:s5+$0x470] =	vst v28;
	s0 =	smov.u32 s25  }
0xf8: {  	s25 =	sadd.s32 $0x100, s25;
	s7 =	sand.u32 $0x380, s21;
	s8 =	sand.u32 $0xFFFFE000, s12;
	v23 =	vmul.f32 v23, v11;
	v28 =	vld [tilespmem:s5+$0x450];
	[tilespmem:s5+$0x460] =	vst v26  }
0xf9: {  	s8 =	sor.u32 s8, s4;
	v24 =	vmul.f32 v24, v10;
	[tilespmem:s5+$0x30] =	vst v27;
	v26 =	vld [tilespmem:s5+$0x50]  }
0xfa: {  	s8 =	sor.u32 s7, s8;
	v27 =	vld [tilespmem:s5+$0x0];
	[tilespmem:s5+$0x10] =	vst v23;
	v21 =	vmul.f32 v21, v13  }
0xfb: {  	s8 =	sshrl.u32 s8, $0x3;
	v23 =	vmul.f32 v25, v9;
	v25 =	vld [tilespmem:s5+$0x400];
	[tilespmem:s5+$0x420] =	vst v22  }
0xfc: {  	[tilespmem:s5+$0x20] =	vst v24;
	v22 =	vld [tilespmem:s5+$0x70]  }
0xfd: {  	[tilespmem:s5+$0x410] =	vst v21;
	v21 =	vmul.f32 v28, v12  }
0xfe: {  	[tilespmem:s5+$0x40] =	vst v23;
	v23 =	vmul.f32 v26, v7  }
0xff: {  	v24 =	vmul.f32 v27, v5;
	[tilespmem:s5+$0x450] =	vst v21  }
0x100: {  	[tilespmem:s5+$0x50] =	vst v23;
	v21 =	vmul.f32 v25, v8  }
0x101: {  	[tilespmem:s5+$0x0] =	vst v24;
	v22 =	vmul.f32 v22, v6  }
0x102: {  	[tilespmem:s5+$0x400] =	vst v21  }
0x103: {  	s16 =	sand.u32 $0x7800, s11;
	s20 =	sadd.s32 s6, s20;
	s11 =	smov.u32 s0;
	[tilespmem:s5+$0x70] =	vst v22  }
0x104: {  	[hbm4b:s20+s3] =	stream.linear.scatter [tilespmem:s5], [sflag:$0x6], $0x80, $0x38;
	[tilespmem:$0xD800] =	vst v63  }
0x105: {  	s0 =	sor.u32 $0x400, s5;
	s5 =	sor.u32 s9, s16;
	s9 =	sadd.s32 $0x80, s20  }
0x106: {  	[hbm4b:s9+s3] =	stream.linear.scatter [tilespmem:s0], [sflag:$0x6], $0x80, $0x38;
	[tilespmem:$0xD800] =	vst v63  }
0x107: {  	s20 =	smov.u32 s2;
	s2 =	smov.u32 s8;
	s9 =	smov.u32 s7;
	v21 =	vld [tilespmem:s5+$0x440]  }
0x108: {  	v22 =	vld [tilespmem:s5+$0x60]  }
0x109: {  	v24 =	vld [tilespmem:s5+$0x460]  }
0x10a: {  	v25 =	vld [tilespmem:s5+$0x430]  }
0x10b: {  	v27 =	vld [tilespmem:s5+$0x470]  }
0x10c: {  	v29 =	vld [tilespmem:s5+$0x30]  }
.Ltmp6:
0x10d: {  	v28 =	vmul.f32 v22, v16;
	v22 =	vld [tilespmem:s5+$0x420];
	(pc) =	sbr.rel @p1 .LBB2_9-.Ltmp6, $4  }
0x10e: {  	v30 =	vmul.f32 v21, v20;
	v23 =	vld [tilespmem:s5+$0x10];
	v26 =	vmul.f32 v24, v17  }
0x10f: {  	v24 =	vld [tilespmem:s5+$0x20];
	[tilespmem:s5+$0x60] =	vst v28;
	v31 =	vmul.f32 v25, v18  }
0x110: {  	v21 =	vld [tilespmem:s5+$0x410];
	[tilespmem:s5+$0x440] =	vst v30;
	v28 =	vmul.f32 v27, v19  }
0x111: {  	v27 =	vmul.f32 v29, v14;
	v25 =	vld [tilespmem:s5+$0x40];
	[tilespmem:s5+$0x430] =	vst v31  }
0x112: {  	[tilespmem:s5+$0x470] =	vst v28  }
0x113: {  	v63 =	vld [tilespmem:s5+$0x450];
	v22 =	vmul.f32 v22, v15;
	[tilespmem:s5+$0x460] =	vst v26  }
0x114: {  	v31 =	vld [tilespmem:s5+$0x50];
	[tilespmem:s5+$0x30] =	vst v27;
	v23 =	vmul.f32 v23, v11  }
0x115: {  	v32 =	vld [tilespmem:s5+$0x0];
	v24 =	vmul.f32 v24, v10;
	[tilespmem:s5+$0x420] =	vst v22  }
0x116: {  	v33 =	vld [tilespmem:s5+$0x400];
	[tilespmem:s5+$0x10] =	vst v23;
	v21 =	vmul.f32 v21, v13  }
0x117: {  	v35 =	vld [tilespmem:s5+$0x70];
	v34 =	vmul.f32 v25, v9;
	[tilespmem:s5+$0x20] =	vst v24  }
0x118: {  	[tilespmem:s5+$0x410] =	vst v21;
	v36 =	vmul.f32 v63, v12  }
0x119: {  	v37 =	vmul.f32 v31, v7;
	[tilespmem:s5+$0x40] =	vst v34  }
0x11a: {  	v38 =	vmul.f32 v32, v5;
	[tilespmem:s5+$0x450] =	vst v36  }
0x11b: {  	v39 =	vmul.f32 v33, v8;
	[tilespmem:s5+$0x50] =	vst v37  }
0x11c: {  	v40 =	vmul.f32 v35, v6;
	[tilespmem:s5+$0x0] =	vst v38  }
0x11d: {  	[tilespmem:s5+$0x400] =	vst v39  }
0x11e: {  	s0 =	sand.u32 $0x7800, s11;
	s7 =	sadd.s32 s6, s20;
	[tilespmem:s5+$0x70] =	vst v40  }
0x11f: {  	[hbm4b:s7+s3] =	stream.linear.scatter [tilespmem:s5], [sflag:$0x6], $0x80, $0x38;
	[tilespmem:$0xD800] =	vst v63  }
0x120: {  	s30 =	sor.u32 $0x400, s5;
	s0 =	sor.u32 s9, s0;
	s7 =	sadd.s32 $0x80, s7  }
0x121: {  	[hbm4b:s7+s3] =	stream.linear.scatter [tilespmem:s30], [sflag:$0x6], $0x80, $0x38;
	[tilespmem:$0xD800] =	vst v63  }
0x122: {  	v41 =	vld [tilespmem:s0+$0x60]  }
0x123: {  	v42 =	vld [tilespmem:s0+$0x440]  }
0x124: {  	v43 =	vld [tilespmem:s0+$0x430]  }
0x125: {  	v44 =	vld [tilespmem:s0+$0x470]  }
0x126: {  	v45 =	vld [tilespmem:s0+$0x460]  }
0x127: {  	v46 =	vld [tilespmem:s0+$0x30];
	v16 =	vmul.f32 v41, v16  }
0x128: {  	v47 =	vld [tilespmem:s0+$0x10];
	v20 =	vmul.f32 v42, v20  }
0x129: {  	v48 =	vld [tilespmem:s0+$0x420];
	v49 =	vmul.f32 v43, v18;
	[tilespmem:s0+$0x60] =	vst v16  }
0x12a: {  	v50 =	vld [tilespmem:s0+$0x20];
	v19 =	vmul.f32 v44, v19;
	[tilespmem:s0+$0x440] =	vst v20  }
0x12b: {  	v51 =	vld [tilespmem:s0+$0x410];
	v17 =	vmul.f32 v45, v17;
	[tilespmem:s0+$0x430] =	vst v49  }
0x12c: {  	v52 =	vld [tilespmem:s0+$0x40];
	v14 =	vmul.f32 v46, v14;
	[tilespmem:s0+$0x470] =	vst v19  }
0x12d: {  	v54 =	vld [tilespmem:s0+$0x450];
	v53 =	vmul.f32 v47, v11;
	[tilespmem:s0+$0x460] =	vst v17  }
0x12e: {  	v56 =	vld [tilespmem:s0+$0x50];
	v55 =	vmul.f32 v48, v15;
	[tilespmem:s0+$0x30] =	vst v14  }
0x12f: {  	v58 =	vld [tilespmem:s0+$0x0];
	v57 =	vmul.f32 v50, v10;
	[tilespmem:s0+$0x10] =	vst v53  }
0x130: {  	v60 =	vld [tilespmem:s0+$0x400];
	v59 =	vmul.f32 v51, v13;
	[tilespmem:s0+$0x420] =	vst v55  }
0x131: {  	v62 =	vld [tilespmem:s0+$0x70];
	v61 =	vmul.f32 v52, v9;
	[tilespmem:s0+$0x20] =	vst v57  }
0x132: {  	v63 =	vmul.f32 v54, v12;
	[tilespmem:s0+$0x410] =	vst v59  }
0x133: {  	v7 =	vmul.f32 v56, v7;
	[tilespmem:s0+$0x40] =	vst v61  }
0x134: {  	v5 =	vmul.f32 v58, v5;
	[tilespmem:s0+$0x450] =	vst v63  }
0x135: {  	[tilespmem:s0+$0x50] =	vst v7;
	v7 =	vmul.f32 v60, v8  }
0x136: {  	[tilespmem:s0+$0x0] =	vst v5;
	v5 =	vmul.f32 v62, v6  }
0x137: {  	[tilespmem:s0+$0x400] =	vst v7  }
0x138: {  	s2 =	sadd.s32 s6, s2;
	[tilespmem:s0+$0x70] =	vst v5  }
0x139: {  	[hbm4b:s2+s3] =	stream.linear.scatter [tilespmem:s0], [sflag:$0x6], $0x80, $0x38;
	[tilespmem:$0xD800] =	vst v63  }
0x13a: {  	s0 =	sor.u32 $0x400, s0;
	s2 =	sadd.s32 $0x80, s2  }
0x13b: {  	[hbm4b:s2+s3] =	stream.linear.scatter [tilespmem:s0], [sflag:$0x6], $0x80, $0x38;
	[tilespmem:$0xD800] =	vst v63  }
0x13c: {  	_ =	swait.ge [sflag:s1], $0x100  }
0x13d: {  	s0 =	simm.s32 $0x4F;
	[sflag:s1] =	ssyncset.done $0x0  }
.LBB2_11:
0x13e: {  	p1 =	sne.s32 s0, $0x1;
	s0 =	sadd.s32 $0xFFFFFFFF, s0;
	[sflag:s1] =	ssyncadd.s32 $0xFFFFFF00  }
.Ltmp7:
0x13f: {  	(pc) =	sbr.rel @p1 .LBB2_11-.Ltmp7, $3  }
0x140: {  	_ =	sdelay $0x1  }
0x141: {  	_ =	swait.ge [sflag:s1], $0x100  }
0x142: {  	[sflag:s1] =	ssyncset.done $0x0  }
0x143: {  	[sflag:s1] =	ssyncadd.s32 $0xFFFFFF00  }
0x144: {  	[bflag:$0x0] =	sbarrier.arrive $0xFFFF  }
0x145: {  	s2 =	simm.s32 $0x80;
	s5 =	simm.s32 $0x400;
	s0 =	rddreg [dreg:$0x6]  }
0x146: {  	[tilespmem:s31], [sflag:$0x1] =	stream.strided.gather [hbm4b:s0+s2], $0x400, s5, s2, $0x38;
	[tilespmem:$0xD800] =	vst v63  }
0x147: {  	s28 =	rddreg [dreg:$0x7]  }
0x148: {  	[tilespmem:s13], [sflag:$0x1] =	stream.strided.gather [hbm4b:s28+s2], $0x400, s5, s2, $0x38;
	[tilespmem:$0xD800] =	vst v63  }
0x149: {  	s29 =	rddreg [dreg:$0x9]  }
0x14a: {  	[tilespmem:s14], [sflag:$0x1] =	stream.strided.gather [hbm4b:s29+s2], $0x400, s5, s2, $0x38;
	[tilespmem:$0xD800] =	vst v63  }
0x14b: {  	s30 =	rddreg [dreg:$0xa]  }
0x14c: {  	[tilespmem:s15], [sflag:$0x1] =	stream.strided.gather [hbm4b:s30+s2], $0x400, s5, s2, $0x38;
	[tilespmem:$0xD800] =	vst v63  }
0x14d: {  	_ =	swait.ge [sflag:s26], $0x400  }
0x14e: {  	[sflag:s26] =	ssyncset.done $0x0  }
0x14f: {  	[sflag:s26] =	ssyncadd.s32 $0xFFFFFC00  }
0x150: {  	_ =	swait.ge [sflag:s26], $0x400  }
0x151: {  	[sflag:s26] =	ssyncset.done $0x0  }
0x152: {  	[sflag:s26] =	ssyncadd.s32 $0xFFFFFC00  }
0x153: {  	_ =	swait.ge [sflag:s26], $0x400  }
.Ltmp8:
0x154: {  	[sflag:s26] =	ssyncset.done $0x0;
	(pc) =	sbr.rel .LBB2_13-.Ltmp8, $4  }
0x155: {  	[sflag:s26] =	ssyncadd.s32 $0xFFFFFC00  }
0x156: {  	_ =	swait.ge [sflag:s26], $0x400  }
0x157: {  	s19 =	simm.s32 $0x80;
	[sflag:s26] =	ssyncset.done $0x0  }
0x158: {  	s10 =	simm.s32 $0x400;
	s2 =	simm.s32 $0x0;
	[sflag:s26] =	ssyncadd.s32 $0xFFFFFC00  }
.LBB2_33:
0x159: {  	s0 =	sshll.u32 s28, $0xA;
	s2 =	sadd.s32 $0x1, s2  }
0x15a: {  	s0 =	sor.u32 s5, s0;
	p1 =	sne.s32 s2, $0x14  }
.Ltmp9:
0x15b: {  	s29 =	rddreg [dreg:$0x1a];
	s0 =	sshrl.u32 s0, $0x3;
	(pc) =	sbr.rel @!p1 .LBB2_34-.Ltmp9, $4  }
0x15c: {  	s30 =	rddreg [dreg:$0x1b];
	s5 =	sadd.s32 s29, s0  }
0x15d: {  	[hbm4b:s5+s3] =	stream.linear.scatter [tilespmem:s23], [sflag:$0x3], $0x80, $0x38;
	[tilespmem:$0xD800] =	vst v63  }
0x15e: {  	s0 =	sadd.s32 s30, s0  }
0x15f: {  	[hbm4b:s0+s3] =	stream.linear.scatter [tilespmem:s24], [sflag:$0x4], $0x80, $0x38;
	[tilespmem:$0xD800] =	vst v63  }
.LBB2_13:
0x160: {  	s0 =	rddreg [dreg:$0x8]  }
0x161: {  	s0 =	sadd.s32 s2, s0  }
0x162: {  	s28 =	sshrl.u32 s0, $0x3;
	s0 =	sshll.u32 s0, $0x7  }
0x163: {  	s5 =	sand.u32 $0x380, s0;
	s30 =	sshll.u32 s28, $0xD  }
0x164: {  	s0 =	sor.u32 s5, s30  }
0x165: {  	s0 =	sshrl.u32 s0, $0x3  }
0x166: {  	s7 =	simm.s32 $0x5000;
	p1 =	seq.s32 s2, $0x0;
	s0 =	sadd.s32 s6, s0  }
0x167: {  	[tilespmem:s7], [sflag:$0x2] =	stream.strided.gather [hbm4b:s0+s19], $0x400, s10, s19, $0x38;
	[tilespmem:$0xD800] =	vst v63  }
0x168: {  	s0 =	simm.s32 @!p1 $0x3  }
0x169: {  	_ =	swait.ge @!p1 [sflag:s0], $0x80  }
0x16a: {  	[sflag:s0] =	ssyncset.done @!p1 $0x0  }
0x16b: {  	[sflag:s0] =	ssyncadd.s32 @!p1 $0xFFFFFF80;
	s0 =	simm.s32 @!p1 $0x4  }
0x16c: {  	_ =	swait.ge @!p1 [sflag:s0], $0x80  }
0x16d: {  	[sflag:s0] =	ssyncset.done @!p1 $0x0  }
0x16e: {  	[sflag:s0] =	ssyncadd.s32 @!p1 $0xFFFFFF80  }
0x16f: {  	v5 =	vimm.s32 $0x0;
	[tilespmem:$0x8380] =	vst v0  }
0x170: {  	[tilespmem:$0x8400] =	vst v5  }
0x171: {  	[tilespmem:$0x8390] =	vst v0  }
0x172: {  	[tilespmem:$0x8410] =	vst v5  }
0x173: {  	[tilespmem:$0x83A0] =	vst v0  }
0x174: {  	[tilespmem:$0x8420] =	vst v5  }
0x175: {  	[tilespmem:$0x83B0] =	vst v0  }
0x176: {  	[tilespmem:$0x8430] =	vst v5  }
0x177: {  	[tilespmem:$0x83C0] =	vst v0  }
0x178: {  	[tilespmem:$0x8440] =	vst v5  }
0x179: {  	[tilespmem:$0x83D0] =	vst v0  }
0x17a: {  	[tilespmem:$0x8450] =	vst v5  }
0x17b: {  	[tilespmem:$0x83E0] =	vst v0  }
0x17c: {  	[tilespmem:$0x8460] =	vst v5  }
0x17d: {  	[tilespmem:$0x83F0] =	vst v0  }
0x17e: {  	[tilespmem:$0x8470] =	vst v5  }
0x17f: {  	_ =	swait.ge [sflag:s17], $0x400  }
0x180: {  	[sflag:s17] =	ssyncset.done $0x0  }
0x181: {  	s7 =	simm.s32 $0x5000;
	[sflag:s17] =	ssyncadd.s32 $0xFFFFFC00  }
0x182: {  	v6 =	vld [tilespmem:s7+$0x0]  }
0x183: {  	s8 =	simm.s32 $0x10;
	v7 =	vimm.s32 $0x0;
	s0 =	simm.s32 $0x0  }
.LBB2_14:
0x184: {  	p1 =	sne.s32 s8, $0x3F0;
	_ =	sdelay $0x2  }
0x185: {  	vm0 =	vgt.f32 v6, $5.000000070e-02  }
0x186: {  	v8 =	vsel vm0, $0x1, v1;
	v9 =	vmpcnt.ones.xlane vm0  }
0x187: {  	(xrf0) =	vadd.scan.msk.s32 $0xffff, v8  }
0x188: {  	v5 =	vadd.s32 v5, v9;
	_ =	sdelay $0x4  }
0x189: {  	v8, _, _ =	vpop (xrf0)  }
0x18a: {  	v8 =	vadd.s32 v8, v7;
	v7 =	vmov v5  }
0x18b: {  	v8 =	vadd.s32 $0xFFFFFFFF, v8;
	_ =	sdelay $0x3  }
.Ltmp10:
0x18c: {  	(pc) =	sbr.rel @p1 .LBB2_14-.Ltmp10, $4  }
0x18d: {  	[tilespmem:v8+s18+$0x0] =	vst.idx.msk vm0, v6;
	v6 =	vor.u32 s0, v2;
	s0 =	smov.u32 s8  }
0x18e: {  	s7 =	sadd.s32 $0x10, s7;
	[tilespmem:v8+s22+$0x0] =	vst.idx.msk vm0, v6  }
0x18f: {  	v6 =	vld [tilespmem:s7+$0x0]  }
0x190: {  	s8 =	sadd.s32 $0x10, s8  }
0x191: {  	_ =	sdelay $0x2  }
0x192: {  	vm0 =	vgt.f32 v6, $5.000000070e-02  }
0x193: {  	v8 =	vmpcnt.ones.xlane vm0;
	_ =	sdelay $0x1  }
0x194: {  	v9 =	vsel vm0, $0x1, v1;
	v5 =	vadd.s32 v5, v8  }
0x195: {  	(xrf0) =	vadd.scan.msk.s32 $0xffff, v9;
	v5 =	vxor.u32 $0x80000000, v5  }
0x196: {  	(xrf0) =	vmax.scan.msk.u32 $0xffff, v5;
	_ =	sdelay $0x4  }
0x197: {  	v5, _, _ =	vpop (xrf0)  }
0x198: {  	v63, _, _ =	vpop (xrf0)  }
0x199: {  	(v2sf) =	vpush v63, $0xF;
	_ =	sdelay $0xe  }
0x19a: {  	s7 =	spop (v2sf)  }
0x19b: {  	s8 =	sadd.s32 $0x8000000F, s7  }
0x19c: {  	s9 =	sand.u32 $0xF, s8  }
0x19d: {  	s30 =	sshra.s32 s8, $0x1F;
	p2 =	slt.s32 s8, $0x1;
	p1 =	sne.s32 s9, $0x0  }
0x19e: {  	s9 =	sshrl.u32 s30, $0x1C;
	p1 =	por !p2, !p1  }
0x19f: {  	s8 =	sadd.s32 s9, s8;
	s9 =	simm.s32 $0x1;
	p1 =	por !p1, !p1  }
0x1a0: {  	v5 =	vadd.s32 v5, v7;
	s8 =	sshra.s32 s8, $0x4;
	s9 =	simm.s32 @!p1 $0x0  }
0x1a1: {  	v5 =	vadd.s32 $0xFFFFFFFF, v5;
	s21 =	ssub.s32 s8, s9  }
0x1a2: {  	p1 =	slt.s32 s21, $0x1  }
.Ltmp11:
0x1a3: {  	_ = 	snop;
	(pc) =	sbr.rel @p1 .LBB2_16-.Ltmp11, $3  }
0x1a4: {  	_ =	sdelay $0x1  }
0x1a5: {  	[tilespmem:v5+s18+$0x0] =	vst.idx.msk vm0, v6;
	v6 =	vor.u32 s0, v2  }
0x1a6: {  	[tilespmem:v5+s22+$0x0] =	vst.idx.msk vm0, v6  }
0x1a7: {  	s0 =	sxor.u32 $0x80000000, s7;
	s7 =	simm.s32 $0x6880;
	s8 =	simm.s32 $0x6D00  }
0x1a8: {  	s9 =	simm.s32 $0x7180;
	s11 =	simm.s32 $0x7600;
	s12 =	simm.s32 $0x7A80  }
0x1a9: {  	s20 =	simm.s32 $0x7F00;
	s16 =	simm.s32 $0x6400;
	s25 =	simm.s32 $0x0  }
0x1aa: {  	s26 =	simm.s32 $0x6400;
	s29 =	smov.u32 s21;
	v5 =	vmov s0;
	s0 =	simm.s32 $0x0  }
.LBB2_18:
0x1ab: {  	v6 =	vld [tilespmem:s7+$0x0];
	_ =	sdelay $0x2  }
0x1ac: {  	v7 =	vor.u32 s25, v2  }
0x1ad: {  	vm0 =	vlt.s32 v7, v5  }
0x1ae: {  	v6 =	vnsel vm0, $0x0, v6;
	_ =	sdelay $0x3  }
0x1af: {  	[tilespmem:s7+$0x0] =	vst v6  }
0x1b0: {  	v7 =	vld.idx.msk [tilespmem:v6+s31+$0x0], $0xffff  }
0x1b1: {  	v8 =	vld.idx.msk [tilespmem:v6+s13+$0x0], $0xffff  }
0x1b2: {  	v9 =	vld.idx.msk [tilespmem:v6+s14+$0x0], $0xffff  }
0x1b3: {  	v6 =	vld.idx.msk [tilespmem:v6+s15+$0x0], $0xffff;
	_ =	sdelay $0x4  }
0x1b4: {  	v10 =	vsub.f32 v9, v7;
	v11 =	vsub.f32 v6, v8  }
0x1b5: {  	[tilespmem:s8+$0x0] =	vst v7  }
0x1b6: {  	[tilespmem:s9+$0x0] =	vst v8;
	v7 =	vmax.f32 v10, $0.0e+00;
	v63 =	vmax.f32 v11, $0.0e+00  }
0x1b7: {  	[tilespmem:s11+$0x0] =	vst v9;
	v7 =	vmul.f32 v63, v7  }
0x1b8: {  	[tilespmem:s12+$0x0] =	vst v6  }
0x1b9: {  	[tilespmem:s20+$0x0] =	vst v7  }
0x1ba: {  	v6 =	vld [tilespmem:s26+$0x0]  }
0x1bb: {  	p2 =	sne.s32 s29, $0x1  }
.Ltmp12:
0x1bc: {  	_ = 	snop;
	(pc) =	sbr.rel @p2 .LBB2_18-.Ltmp12, $4  }
0x1bd: {  	_ = 	snop  }
0x1be: {  	s25 =	sadd.s32 $0x10, s25;
	s29 =	sadd.s32 $0xFFFFFFFF, s29;
	s7 =	sadd.s32 $0x10, s7  }
0x1bf: {  	s8 =	sadd.s32 $0x10, s8;
	s9 =	sadd.s32 $0x10, s9;
	s11 =	sadd.s32 $0x10, s11;
	v6 =	vnsel vm0, $0xFF800000, v6  }
0x1c0: {  	s12 =	sadd.s32 $0x10, s12;
	s20 =	sadd.s32 $0x10, s20;
	[tilespmem:s26+$0x0] =	vst v6;
	s26 =	sadd.s32 $0x10, s26  }
0x1c1: {  	v5 =	vld [tilespmem:s16+$0x0];
	p2 =	sne.s32 s21, $0x1  }
.Ltmp13:
0x1c2: {  	_ = 	snop;
	(pc) =	sbr.rel @!p2 .LBB2_21-.Ltmp13, $3  }
0x1c3: {  	_ =	sdelay $0x1  }
0x1c4: {  	v6 =	vimm.f32 $-Inf  }
0x1c5: {  	v7 =	vimm.s32 $0x0;
	s7 =	sadd.s32 $0xFFFFFFFF, s21;
	v8 =	vor.u32 s0, v2;
	s8 =	simm.s32 $0x6410;
	vm0 =	vgt.f32 v5, v6  }
.LBB2_20:
0x1c6: {  	p2 =	sne.s32 s7, $0x1;
	s7 =	sadd.s32 $0xFFFFFFFF, s7;
	v6 =	vsel vm0, v5, v6;
	v5 =	vld [tilespmem:s8+$0x0];
	v7 =	vsel vm0, v8, v7  }
.Ltmp14:
0x1c7: {  	(pc) =	sbr.rel @p2 .LBB2_20-.Ltmp14, $3  }
0x1c8: {  	_ =	sdelay $0x1  }
0x1c9: {  	s0 =	sadd.s32 $0x10, s0  }
0x1ca: {  	s8 =	sadd.s32 $0x10, s8;
	v8 =	vor.u32 s0, v2;
	vm0 =	vgt.f32 v5, v6  }
.LBB2_21:
.Ltmp15:
0x1cb: {  	(pc) =	sbr.rel .LBB2_22-.Ltmp15, $3  }
0x1cc: {  	_ =	sdelay $0x1  }
0x1cd: {  	v7 =	vsel vm0, v8, v7  }
0x1ce: {  	v6 =	vsel vm0, v5, v6;
	v5 =	vxor.u32 $0x80000000, v7  }
.LBB2_16:
0x1cf: {  	v5 =	vimm.s32 $0x80000000;
	v6 =	vimm.f32 $-Inf  }
.LBB2_22:
0x1d0: {  	(xrf0) =	vmax.scan.msk.f32 $0xffff, v6;
	_ =	sdelay $0x5  }
0x1d1: {  	v7, _, _ =	vpop (xrf0)  }
0x1d2: {  	(v2sf) =	vpush v7, $0xF;
	_ =	sdelay $0xe  }
0x1d3: {  	s0 =	spop (v2sf)  }
0x1d4: {  	p2 =	sgt.f32 s0, $5.000000070e-02  }
.Ltmp16:
0x1d5: {  	_ = 	snop;
	(pc) =	sbr.rel @!p2 .LBB2_33-.Ltmp16, $1  }
0x1d6: {  	_ =	sdelay $0x3  }
0x1d7: {  	v7 =	vbroadcast v7, $0xF;
	_ =	sdelay $0x1  }
0x1d8: {  	vm0 =	veq.f32 v6, v7  }
0x1d9: {  	v5 =	vnsel vm0, $0x80100000, v5  }
0x1da: {  	(xrf0) =	vmin.scan.msk.u32 $0xffff, v5;
	_ =	sdelay $0x5  }
0x1db: {  	v5, _, _ =	vpop (xrf0)  }
0x1dc: {  	(v2sf) =	vpush v5, $0xF;
	_ =	sdelay $0xa  }
.Ltmp17:
0x1dd: {  	_ = 	snop;
	(pc) =	sbr.rel .LBB2_24-.Ltmp17, $2  }
0x1de: {  	_ =	sdelay $0x2  }
0x1df: {  	s9 =	simm.s32 $0x0;
	s11 =	simm.s32 $0x0;
	s7 =	spop (v2sf)  }
.LBB2_25:
0x1e0: {  	v6 =	vimm.s32 $0x80000000  }
.LBB2_32:
0x1e1: {  	(xrf0) =	vmax.scan.msk.f32 $0xffff, v5;
	_ =	sdelay $0x5  }
0x1e2: {  	v7, _, _ =	vpop (xrf0)  }
0x1e3: {  	v8 =	vbroadcast v7, $0xF;
	_ =	sdelay $0x1  }
0x1e4: {  	vm0 =	veq.f32 v5, v8  }
0x1e5: {  	(v2sf) =	vpush v7, $0xF;
	v5 =	vnsel vm0, $0x80100000, v6  }
0x1e6: {  	(xrf0) =	vmin.scan.msk.u32 $0xffff, v5;
	_ =	sdelay $0x5  }
0x1e7: {  	v5, _, _ =	vpop (xrf0)  }
0x1e8: {  	(v2sf) =	vpush v5, $0xF;
	_ =	sdelay $0x6  }
0x1e9: {  	p2 =	sgt.u32 s11, $0x62;
	s0 =	spop (v2sf)  }
0x1ea: {  	p3 =	sgt.f32 @!p2 s0, $5.000000070e-02;
	_ =	sdelay $0x1  }
0x1eb: {  	p2 =	por p2, !p3  }
.Ltmp18:
0x1ec: {  	_ = 	snop;
	(pc) =	sbr.rel @p2 .LBB2_33-.Ltmp18, $2  }
0x1ed: {  	_ =	sdelay $0x2  }
0x1ee: {  	s11 =	sadd.s32 $0x1, s11;
	s7 =	spop (v2sf)  }
.LBB2_24:
0x1ef: {  	s7 =	sxor.u32 $0x80000000, s7  }
0x1f0: {  	v6 =	vmov s7;
	_ =	sdelay $0x3  }
0x1f1: {  	v5 =	vmov s11  }
0x1f2: {  	v7 =	vld.idx.msk [tilespmem:v6+s22+$0x0], $0xffff  }
.Ltmp19:
0x1f3: {  	_ = 	snop;
	(pc) =	sbr.rel @p1 .LBB2_25-.Ltmp19, $4  }
0x1f4: {  	_ = 	snop  }
0x1f5: {  	v8 =	vmov s0  }
0x1f6: {  	[tilespmem:v5+s23+$0x0] =	vst.idx.msk $0x1, v8  }
0x1f7: {  	[tilespmem:v5+s24+$0x0] =	vst.idx.msk $0x1, v7;
	v5 =	vimm.f32 $-Inf  }
0x1f8: {  	_ =	sdelay $0x2  }
0x1f9: {  	s0 =	simm.s32 $0x6D00  }
0x1fa: {  	s7 =	simm.s32 $0x7180;
	v9 =	vld.idx.msk [tilespmem:v6+s0+$0x0], $0xffff  }
0x1fb: {  	s8 =	simm.s32 $0x7600;
	v10 =	vld.idx.msk [tilespmem:v6+s7+$0x0], $0xffff  }
0x1fc: {  	s25 =	simm.s32 $0x7A80;
	p3 =	sne.s32 s21, $0x1;
	v11 =	vld.idx.msk [tilespmem:v6+s8+$0x0], $0xffff  }
.Ltmp20:
0x1fd: {  	s20 =	simm.s32 $0x7F00;
	v12 =	vld.idx.msk [tilespmem:v6+s25+$0x0], $0xffff;
	(pc) =	sbr.rel @!p3 .LBB2_27-.Ltmp20, $4  }
0x1fe: {  	v8 =	vld.idx.msk [tilespmem:v6+s20+$0x0], $0xffff  }
0x1ff: {  	v13 =	vld [tilespmem:s0+$0x0]  }
0x200: {  	v14 =	vld [tilespmem:s8+$0x0]  }
0x201: {  	v7 =	vimm.s32 $0x0;
	s12 =	simm.s32 $0x6400;
	p2 =	por $0x0, $0x0;
	v15 =	vld [tilespmem:s7+$0x0];
	s7 =	sadd.s32 $0xFFFFFFFF, s21  }
0x202: {  	v16 =	vld [tilespmem:s25+$0x0];
	_ =	sdelay $0x3  }
0x203: {  	v17 =	vld [tilespmem:s20+$0x0];
	v13 =	vmax.f32 v9, v13  }
0x204: {  	v14 =	vmin.f32 v11, v14;
	v15 =	vmax.f32 v10, v15;
	v16 =	vmin.f32 v12, v16  }
0x205: {  	v13 =	vsub.f32 v14, v13;
	v14 =	vsub.f32 v16, v15;
	_ =	sdelay $0x1  }
0x206: {  	v13 =	vmax.f32 v13, $0.0e+00;
	v14 =	vmax.f32 v14, $0.0e+00  }
0x207: {  	v13 =	vmul.f32 v14, v13;
	v14 =	vadd.f32 v17, v8;
	_ =	sdelay $0x1  }
0x208: {  	v14 =	vsub.f32 v14, v13;
	_ =	sdelay $0x1  }
0x209: {  	v14 =	vadd.f32 $9.999999930e-09, v14;
	_ =	sdelay $0x1  }
0x20a: {  	(erf) = vrcp.f32 v14;
	_ =	sdelay $0x8  }
0x20b: {  	v14 =	vld [tilespmem:s12+$0x0];
	v15 =	vpop (erf)  }
0x20c: {  	v13 =	vmul.f32 v15, v13  }
0x20d: {  	v15 =	vor.u32 s9, v2  }
0x20e: {  	vm1 =	veq.s32 v15, v6;
	vm0 =	vgt.f32 v13, $5.000000000e-01  }
0x20f: {  	p3 =	sne.s32 s7, $0x1;
	vm0 =	vmor vm1, vm0  }
.Ltmp21:
0x210: {  	v16 =	vsel vm0, $0xFF800000, v14;
	(pc) =	sbr.rel @!p3 .LBB2_29-.Ltmp21, $4  }
0x211: {  	s8 =	simm.s32 $0x6D10;
	[tilespmem:s12+$0x0] =	vst v16  }
0x212: {  	s0 =	simm.s32 $0x7610;
	s30 =	simm.s32 $0x7190;
	v13 =	vld [tilespmem:s8+$0x0]  }
0x213: {  	s7 =	sadd.s32 $0xFFFFFFFF, s7;
	s25 =	simm.s32 $0x7A90;
	p2 =	por $0x1, $0x1;
	vm0 =	vgt.f32 v16, v5;
	v14 =	vld [tilespmem:s0+$0x0]  }
0x214: {  	s16 =	simm.s32 $0x7F00;
	s29 =	simm.s32 $0x6400;
	s26 =	simm.s32 $0x0;
	v5 =	vsel vm0, v16, v5;
	v7 =	vsel vm0, v15, v7;
	v15 =	vld [tilespmem:s30+$0x0]  }
.LBB2_30:
0x215: {  	p3 =	sne.s32 s7, $0x1;
	v16 =	vld [tilespmem:s25+$0x0];
	_ =	sdelay $0x2  }
0x216: {  	s16 =	sadd.s32 $0x10, s16  }
0x217: {  	v13 =	vmax.f32 v9, v13;
	v17 =	vld [tilespmem:s16+$0x0]  }
0x218: {  	v14 =	vmin.f32 v11, v14;
	v15 =	vmax.f32 v10, v15;
	v16 =	vmin.f32 v12, v16  }
0x219: {  	v13 =	vsub.f32 v14, v13;
	v14 =	vsub.f32 v16, v15;
	_ =	sdelay $0x1  }
0x21a: {  	v13 =	vmax.f32 v13, $0.0e+00;
	v14 =	vmax.f32 v14, $0.0e+00  }
0x21b: {  	v13 =	vmul.f32 v14, v13;
	v14 =	vadd.f32 v17, v8;
	_ =	sdelay $0x1  }
0x21c: {  	v14 =	vsub.f32 v14, v13;
	_ =	sdelay $0x1  }
0x21d: {  	v14 =	vadd.f32 $9.999999930e-09, v14;
	_ =	sdelay $0x1  }
0x21e: {  	(erf) = vrcp.f32 v14;
	_ =	sdelay $0x7  }
0x21f: {  	s29 =	sadd.s32 $0x10, s29  }
0x220: {  	v14 =	vld [tilespmem:s29+$0x0];
	v15 =	vpop (erf)  }
0x221: {  	s26 =	sadd.s32 $0x10, s26;
	v13 =	vmul.f32 v15, v13  }
0x222: {  	v15 =	vor.u32 s26, v2  }
0x223: {  	vm1 =	veq.s32 v15, v6;
	vm0 =	vgt.f32 v13, $5.000000000e-01  }
0x224: {  	vm0 =	vmor vm1, vm0  }
.Ltmp22:
0x225: {  	v14 =	vsel vm0, $0xFF800000, v14;
	(pc) =	sbr.rel @p3 .LBB2_30-.Ltmp22, $4  }
0x226: {  	s8 =	sadd.s32 $0x10, s8;
	[tilespmem:s29+$0x0] =	vst v14;
	vm0 =	vgt.f32 v14, v5  }
0x227: {  	s0 =	sadd.s32 $0x10, s0;
	v13 =	vld [tilespmem:s8+$0x0];
	v5 =	vsel vm0, v14, v5;
	v7 =	vsel vm0, v15, v7  }
0x228: {  	s30 =	sadd.s32 $0x10, s30;
	v14 =	vld [tilespmem:s0+$0x0]  }
0x229: {  	s7 =	sadd.s32 $0xFFFFFFFF, s7;
	s25 =	sadd.s32 $0x10, s25;
	v15 =	vld [tilespmem:s30+$0x0]  }
.LBB2_31:
0x22a: {  	v16 =	vld [tilespmem:s25+$0x0];
	_ =	sdelay $0x1  }
0x22b: {  	s0 =	sadd.s32 @p2 $0x10, s16  }
0x22c: {  	s20 =	smov.u32 @p2 s0  }
0x22d: {  	v9 =	vmax.f32 v9, v13;
	v61 =	vld [tilespmem:s20+$0x0]  }
0x22e: {  	v11 =	vmin.f32 v11, v14;
	v10 =	vmax.f32 v10, v15;
	v12 =	vmin.f32 v12, v16  }
0x22f: {  	v9 =	vsub.f32 v11, v9;
	v10 =	vsub.f32 v12, v10;
	_ =	sdelay $0x1  }
0x230: {  	v9 =	vmax.f32 v9, $0.0e+00;
	v10 =	vmax.f32 v10, $0.0e+00  }
0x231: {  	v8 =	vadd.f32 v61, v8;
	v9 =	vmul.f32 v10, v9;
	_ =	sdelay $0x1  }
0x232: {  	v8 =	vsub.f32 v8, v9;
	_ =	sdelay $0x1  }
0x233: {  	v8 =	vadd.f32 $9.999999930e-09, v8;
	_ =	sdelay $0x1  }
0x234: {  	(erf) = vrcp.f32 v8;
	_ =	sdelay $0x6  }
0x235: {  	s0 =	sadd.s32 @p2 $0x10, s29  }
0x236: {  	s12 =	smov.u32 @p2 s0  }
0x237: {  	s7 =	simm.s32 $0x0;
	s0 =	sadd.s32 @p2 $0x10, s26;
	v8 =	vld [tilespmem:s12+$0x0];
	v62 =	vpop (erf)  }
0x238: {  	s7 =	smov.u32 @p2 s0;
	v9 =	vmul.f32 v62, v9  }
0x239: {  	v63 =	vor.u32 s7, v2  }
0x23a: {  	vm1 =	veq.s32 v63, v6;
	vm0 =	vgt.f32 v9, $5.000000000e-01  }
.Ltmp23:
0x23b: {  	vm0 =	vmor vm1, vm0;
	(pc) =	sbr.rel .LBB2_32-.Ltmp23, $4  }
0x23c: {  	v6 =	vsel vm0, $0xFF800000, v8  }
0x23d: {  	vm0 =	vgt.f32 v6, v5  }
0x23e: {  	v7 =	vsel vm0, v63, v7  }
0x23f: {  	[tilespmem:s12+$0x0] =	vst v6;
	v5 =	vsel vm0, v6, v5;
	v6 =	vxor.u32 $0x80000000, v7  }
.LBB2_27:
.Ltmp24:
0x240: {  	(pc) =	sbr.rel .LBB2_31-.Ltmp24, $2  }
0x241: {  	_ =	sdelay $0x2  }
0x242: {  	s16 =	simm.s32 $0x7F00;
	s29 =	simm.s32 $0x6400;
	s26 =	simm.s32 $0x0  }
.LBB2_29:
.Ltmp25:
0x243: {  	(pc) =	sbr.rel .LBB2_31-.Ltmp25, $2  }
0x244: {  	_ =	sdelay $0x2  }
0x245: {  	s16 =	simm.s32 $0x7F00;
	s29 =	simm.s32 $0x6400;
	s26 =	simm.s32 $0x0  }
.LBB2_34:
0x246: {  	s0 =	simm.s32 $0x3  }
0x247: {  	_ =	swait.ge [sflag:s0], $0x80  }
0x248: {  	[sflag:s0] =	ssyncset.done $0x0  }
0x249: {  	s30 =	simm.s32 $0x4;
	[sflag:s0] =	ssyncadd.s32 $0xFFFFFF80  }
.Ltmp26:
0x24a: {  	_ =	swait.ge [sflag:s30], $0x80;
	(pc) =	sbr.rel @p0 .LBB2_40-.Ltmp26, $4  }
0x24b: {  	s8 =	simm.s32 $0x8480;
	[sflag:s30] =	ssyncset.done $0x0  }
0x24c: {  	s9 =	simm.s32 $0xAC80;
	s10 =	simm.s32 $0xD500;
	[sflag:s30] =	ssyncadd.s32 $0xFFFFFF80  }
0x24d: {  	s11 =	simm.s32 $0xD580;
	s12 =	simm.s32 $0xD600;
	[bflag:$0x0] =	sbarrier.arrive $0xFFFF  }
0x24e: {  	s16 =	simm.s32 $0xD680;
	s19 =	simm.s32 $0xD700;
	s2 =	rddreg [dreg:$0x1c]  }
0x24f: {  	s2 =	simm.s32 $0x0;
	s0 =	rddreg [dreg:$0x13]  }
0x250: {  	[tilespmem:s8], [sflag:$0x5] =	stream.linear.gather [hbm4b:s0+s2], $0x2800, $0x38;
	[tilespmem:$0xD800] =	vst v63  }
0x251: {  	s21 =	rddreg [dreg:$0x14]  }
0x252: {  	[tilespmem:s9], [sflag:$0x5] =	stream.linear.gather [hbm4b:s21+s2], $0x2800, $0x38;
	[tilespmem:$0xD800] =	vst v63  }
0x253: {  	s25 =	rddreg [dreg:$0xb];
	s5 =	simm.s32 $0x80;
	s7 =	simm.s32 $0x400  }
0x254: {  	[tilespmem:s31], [sflag:$0x5] =	stream.strided.gather [hbm4b:s25+s5], $0x400, s7, s5, $0x38;
	[tilespmem:$0xD800] =	vst v63  }
0x255: {  	s26 =	rddreg [dreg:$0xc]  }
0x256: {  	[tilespmem:s13], [sflag:$0x5] =	stream.strided.gather [hbm4b:s26+s5], $0x400, s7, s5, $0x38;
	[tilespmem:$0xD800] =	vst v63  }
0x257: {  	s28 =	rddreg [dreg:$0xd]  }
0x258: {  	[tilespmem:s14], [sflag:$0x5] =	stream.strided.gather [hbm4b:s28+s5], $0x400, s7, s5, $0x38;
	[tilespmem:$0xD800] =	vst v63  }
0x259: {  	s29 =	rddreg [dreg:$0xe];
	s30 =	simm.s32 $0x5  }
0x25a: {  	[tilespmem:s15], [sflag:$0x5] =	stream.strided.gather [hbm4b:s29+s5], $0x400, s7, s5, $0x38;
	[tilespmem:$0xD800] =	vst v63  }
0x25b: {  	_ =	swait.ge [sflag:s30], $0x2800  }
0x25c: {  	[sflag:s30] =	ssyncset.done $0x0  }
0x25d: {  	[sflag:s30] =	ssyncadd.s32 $0xFFFFD800  }
0x25e: {  	_ =	swait.ge [sflag:s30], $0x2800  }
0x25f: {  	[sflag:s30] =	ssyncset.done $0x0  }
0x260: {  	[sflag:s30] =	ssyncadd.s32 $0xFFFFD800  }
0x261: {  	_ =	swait.ge [sflag:s30], $0x400  }
0x262: {  	[sflag:s30] =	ssyncset.done $0x0  }
0x263: {  	[sflag:s30] =	ssyncadd.s32 $0xFFFFFC00  }
0x264: {  	_ =	swait.ge [sflag:s30], $0x400  }
0x265: {  	[sflag:s30] =	ssyncset.done $0x0  }
0x266: {  	[sflag:s30] =	ssyncadd.s32 $0xFFFFFC00  }
0x267: {  	_ =	swait.ge [sflag:s30], $0x400  }
0x268: {  	[sflag:s30] =	ssyncset.done $0x0  }
0x269: {  	[sflag:s30] =	ssyncadd.s32 $0xFFFFFC00  }
0x26a: {  	_ =	swait.ge [sflag:s30], $0x400  }
0x26b: {  	[sflag:s30] =	ssyncset.done $0x0  }
0x26c: {  	[sflag:s30] =	ssyncadd.s32 $0xFFFFFC00  }
0x26d: {  	[tilespmem:$0xD480] =	vst v3  }
0x26e: {  	[tilespmem:$0xD500] =	vst v3  }
0x26f: {  	[tilespmem:$0xD580] =	vst v3  }
0x270: {  	[tilespmem:$0xD600] =	vst v3  }
0x271: {  	[tilespmem:$0xD680] =	vst v3  }
0x272: {  	[tilespmem:$0xD700] =	vst v3  }
0x273: {  	[tilespmem:$0xD490] =	vst v3  }
0x274: {  	[tilespmem:$0xD510] =	vst v3  }
0x275: {  	[tilespmem:$0xD590] =	vst v3  }
0x276: {  	[tilespmem:$0xD610] =	vst v3  }
0x277: {  	[tilespmem:$0xD690] =	vst v3  }
0x278: {  	[tilespmem:$0xD710] =	vst v3  }
0x279: {  	[tilespmem:$0xD4A0] =	vst v3  }
0x27a: {  	[tilespmem:$0xD520] =	vst v3  }
0x27b: {  	[tilespmem:$0xD5A0] =	vst v3  }
0x27c: {  	[tilespmem:$0xD620] =	vst v3  }
0x27d: {  	[tilespmem:$0xD6A0] =	vst v3  }
0x27e: {  	[tilespmem:$0xD720] =	vst v3  }
0x27f: {  	[tilespmem:$0xD4B0] =	vst v3  }
0x280: {  	[tilespmem:$0xD530] =	vst v3  }
0x281: {  	[tilespmem:$0xD5B0] =	vst v3  }
0x282: {  	[tilespmem:$0xD630] =	vst v3  }
0x283: {  	[tilespmem:$0xD6B0] =	vst v3  }
0x284: {  	[tilespmem:$0xD730] =	vst v3  }
0x285: {  	[tilespmem:$0xD4C0] =	vst v3  }
0x286: {  	[tilespmem:$0xD540] =	vst v3  }
0x287: {  	[tilespmem:$0xD5C0] =	vst v3  }
0x288: {  	[tilespmem:$0xD640] =	vst v3  }
0x289: {  	[tilespmem:$0xD6C0] =	vst v3  }
0x28a: {  	[tilespmem:$0xD740] =	vst v3  }
0x28b: {  	[tilespmem:$0xD4D0] =	vst v3  }
0x28c: {  	[tilespmem:$0xD550] =	vst v3  }
0x28d: {  	[tilespmem:$0xD5D0] =	vst v3  }
0x28e: {  	[tilespmem:$0xD650] =	vst v3  }
0x28f: {  	[tilespmem:$0xD6D0] =	vst v3  }
0x290: {  	[tilespmem:$0xD750] =	vst v3  }
0x291: {  	[tilespmem:$0xD4E0] =	vst v3  }
0x292: {  	[tilespmem:$0xD560] =	vst v3  }
0x293: {  	[tilespmem:$0xD5E0] =	vst v3  }
0x294: {  	[tilespmem:$0xD660] =	vst v3  }
0x295: {  	[tilespmem:$0xD6E0] =	vst v3  }
0x296: {  	[tilespmem:$0xD760] =	vst v3  }
0x297: {  	v5 =	vmul.u32 $0x80, v2;
	[tilespmem:$0xD4F0] =	vst v3  }
0x298: {  	[tilespmem:$0xD570] =	vst v3  }
0x299: {  	[tilespmem:$0xD5F0] =	vst v3  }
0x29a: {  	[tilespmem:$0xD670] =	vst v3  }
0x29b: {  	[tilespmem:$0xD6F0] =	vst v3  }
0x29c: {  	[tilespmem:$0xD770] =	vst v3  }
0x29d: {  	v6 =	vld.idx.msk [tilespmem:v5+s8+$0x0], $0xffff  }
0x29e: {  	v7 =	vor.u32 $0x800, v5;
	_ =	sdelay $0x2  }
0x29f: {  	[tilespmem:$0x8400] =	vst v1  }
0x2a0: {  	[tilespmem:$0x8380] =	vst v6  }
0x2a1: {  	v6 =	vld.idx.msk [tilespmem:v7+s8+$0x0], $0xffff  }
0x2a2: {  	v7 =	vor.u32 $0x1000, v5;
	_ =	sdelay $0x2  }
0x2a3: {  	[tilespmem:$0x8410] =	vst v1  }
0x2a4: {  	[tilespmem:$0x8390] =	vst v6  }
0x2a5: {  	v6 =	vld.idx.msk [tilespmem:v7+s8+$0x0], $0xffff  }
0x2a6: {  	v7 =	vor.u32 $0x1800, v5;
	_ =	sdelay $0x2  }
0x2a7: {  	[tilespmem:$0x8420] =	vst v1  }
0x2a8: {  	[tilespmem:$0x83A0] =	vst v6  }
0x2a9: {  	v6 =	vld.idx.msk [tilespmem:v7+s8+$0x0], $0xffff;
	_ =	sdelay $0x2  }
0x2aa: {  	v5 =	vor.u32 $0x2000, v5;
	_ =	sdelay $0x1  }
0x2ab: {  	[tilespmem:$0x83B0] =	vst v6;
	v6 =	vld [tilespmem:$0x8380];
	_ =	sdelay $0x1  }
0x2ac: {  	[tilespmem:$0x8430] =	vst v1;
	v7 =	vld [tilespmem:$0x8390]  }
0x2ad: {  	v5 =	vld.idx.msk [tilespmem:v5+s8+$0x0], $0xffff;
	_ =	sdelay $0x1  }
0x2ae: {  	v8 =	vld [tilespmem:$0x83A0];
	vm0 =	vlt.f32 v6, $-Inf;
	vm1 =	vgt.f32 v6, $-Inf  }
0x2af: {  	vm0 =	vmor vm1, vm0  }
0x2b0: {  	v9 =	vld [tilespmem:$0x83B0];
	v6 =	vnsel vm0, $0xFF800000, v6  }
0x2b1: {  	[tilespmem:$0x83C0] =	vst v5;
	vm2 =	vgt.f32 v7, v6  }
0x2b2: {  	v5 =	vsel vm2, v7, v6;
	v6 =	vld [tilespmem:$0x83C0]  }
0x2b3: {  	vm3 =	vgt.f32 v8, v5  }
0x2b4: {  	v5 =	vsel vm3, v8, v5  }
0x2b5: {  	vm4 =	vgt.f32 v9, v5  }
0x2b6: {  	v5 =	vsel vm4, v9, v5  }
0x2b7: {  	vm1 =	vgt.f32 v6, v5  }
0x2b8: {  	v10 =	vsel vm1, v6, v5  }
0x2b9: {  	(xrf0) =	vmax.scan.msk.f32 $0xffff, v10;
	_ =	sdelay $0x5  }
0x2ba: {  	v8, _, _ =	vpop (xrf0)  }
0x2bb: {  	(v2sf) =	vpush v8, $0xF;
	_ =	sdelay $0xe  }
0x2bc: {  	[tilespmem:$0x8440] =	vst v1;
	s0 =	spop (v2sf)  }
0x2bd: {  	[tilespmem:$0x83D0] =	vst v4;
	p1 =	sgt.f32 s0, $0.0e+00  }
.Ltmp27:
0x2be: {  	[tilespmem:$0x8450] =	vst v1;
	(pc) =	sbr.rel @!p1 .LBB2_39-.Ltmp27, $4  }
0x2bf: {  	[tilespmem:$0x83E0] =	vst v4  }
0x2c0: {  	[tilespmem:$0x8460] =	vst v1  }
0x2c1: {  	[tilespmem:$0x83F0] =	vst v4  }
0x2c2: {  	s7 =	simm.s32 $0xD480;
	[tilespmem:$0x8470] =	vst v1  }
0x2c3: {  	v5 =	vor.u32 $0x80000000, v2  }
0x2c4: {  	v6 =	vor.u32 $0x80000010, v2;
	v7 =	vnsel vm0, $0x80000000, v5  }
0x2c5: {  	v9 =	vsel vm2, v6, v7;
	v7 =	vor.u32 $0x80000020, v2  }
0x2c6: {  	v11 =	vbroadcast v8, $0xF;
	v8 =	vor.u32 $0x80000030, v2;
	v9 =	vsel vm3, v7, v9  }
0x2c7: {  	v12 =	vsel vm4, v8, v9;
	v9 =	vor.u32 $0x80000040, v2  }
0x2c8: {  	vm15 =	veq.f32 v10, v11;
	v10 =	vsel vm1, v9, v12  }
0x2c9: {  	v10 =	vnsel vm15, $0x80100000, v10  }
0x2ca: {  	(xrf0) =	vmin.scan.msk.u32 $0xffff, v10;
	_ =	sdelay $0x5  }
0x2cb: {  	v10, _, _ =	vpop (xrf0)  }
0x2cc: {  	(v2sf) =	vpush v10, $0xF;
	_ =	sdelay $0xe  }
0x2cd: {  	s2 =	simm.s32 $0x0;
	s5 =	spop (v2sf)  }
.LBB2_37:
0x2ce: {  	s5 =	sxor.u32 $0x80000000, s5  }
0x2cf: {  	v10 =	vmov s5;
	_ =	sdelay $0x4  }
0x2d0: {  	v11 =	vld.idx.msk [tilespmem:v10+s24+$0x0], $0xffff;
	_ =	sdelay $0x4  }
0x2d1: {  	v13 =	vshll.u32 v10, $0x7;
	v12 =	vand.u32 $0xFFFFFF80, v11  }
0x2d2: {  	v14 =	vand.u32 $0x7F, v11;
	v12 =	vadd.s32 v13, v12  }
0x2d3: {  	v12 =	vor.u32 v14, v12;
	_ =	sdelay $0x4  }
0x2d4: {  	v12 =	vld.idx.msk [tilespmem:v12+s9+$0x0], $0xffff  }
0x2d5: {  	v58 =	vmov s2;
	_ =	sdelay $0x3  }
0x2d6: {  	v15 =	vmov s0;
	v16 =	vcvt.s32.f32 v10  }
0x2d7: {  	[tilespmem:v58+s7+$0x0] =	vst.idx.msk $0x1, v15  }
0x2d8: {  	[tilespmem:v58+s10+$0x0] =	vst.idx.msk $0x1, v16  }
0x2d9: {  	v15 =	vld.idx.msk [tilespmem:v12+s31+$0x0], $0xffff;
	_ =	sdelay $0x4  }
0x2da: {  	[tilespmem:v58+s11+$0x0] =	vst.idx.msk $0x1, v15  }
0x2db: {  	v15 =	vld.idx.msk [tilespmem:v12+s13+$0x0], $0xffff;
	_ =	sdelay $0x4  }
0x2dc: {  	[tilespmem:v58+s12+$0x0] =	vst.idx.msk $0x1, v15  }
0x2dd: {  	v15 =	vld.idx.msk [tilespmem:v12+s14+$0x0], $0xffff;
	_ =	sdelay $0x4  }
0x2de: {  	v11 =	vadd.s32 $0x1, v11;
	[tilespmem:v58+s16+$0x0] =	vst.idx.msk $0x1, v15  }
0x2df: {  	v59 =	vand.u32 $0xFFFFFF80, v11;
	v12 =	vld.idx.msk [tilespmem:v12+s15+$0x0], $0xffff  }
0x2e0: {  	v60 =	vand.u32 $0x7F, v11;
	v13 =	vadd.s32 v13, v59  }
0x2e1: {  	v13 =	vor.u32 v60, v13;
	_ =	sdelay $0x2  }
0x2e2: {  	[tilespmem:v58+s19+$0x0] =	vst.idx.msk $0x1, v12  }
0x2e3: {  	[tilespmem:v10+s24+$0x0] =	vst.idx.msk $0x1, v11  }
0x2e4: {  	v11 =	vld.idx.msk [tilespmem:v13+s8+$0x0], $0xffff;
	_ =	sdelay $0x4  }
0x2e5: {  	[tilespmem:v10+s23+$0x0] =	vst.idx.msk $0x1, v11  }
0x2e6: {  	v10 =	vld [tilespmem:$0x8380];
	_ =	sdelay $0x2  }
0x2e7: {  	v11 =	vld [tilespmem:$0x8390];
	_ =	sdelay $0x1  }
0x2e8: {  	v12 =	vld [tilespmem:$0x83A0];
	vm0 =	vlt.f32 v10, $-Inf;
	vm1 =	vgt.f32 v10, $-Inf  }
0x2e9: {  	vm0 =	vmor vm1, vm0  }
0x2ea: {  	v61 =	vld [tilespmem:$0x83B0];
	v10 =	vnsel vm0, $0xFF800000, v10  }
0x2eb: {  	vm14 =	vgt.f32 v11, v10  }
0x2ec: {  	v10 =	vsel vm14, v11, v10;
	v11 =	vld [tilespmem:$0x83C0]  }
0x2ed: {  	vm2 =	vgt.f32 v12, v10  }
0x2ee: {  	v10 =	vsel vm2, v12, v10  }
0x2ef: {  	vm3 =	vgt.f32 v61, v10  }
0x2f0: {  	v10 =	vsel vm3, v61, v10  }
0x2f1: {  	vm4 =	vgt.f32 v11, v10  }
0x2f2: {  	v10 =	vsel vm4, v11, v10  }
0x2f3: {  	(xrf0) =	vmax.scan.msk.f32 $0xffff, v10;
	_ =	sdelay $0x4  }
0x2f4: {  	v11 =	vnsel vm0, $0x80000000, v5  }
0x2f5: {  	v11 =	vsel vm14, v6, v11;
	v62, _, _ =	vpop (xrf0)  }
0x2f6: {  	v11 =	vsel vm2, v7, v11;
	v63 =	vbroadcast v62, $0xF  }
0x2f7: {  	v11 =	vsel vm3, v8, v11  }
0x2f8: {  	vm15 =	veq.f32 v10, v63;
	v10 =	vsel vm4, v9, v11  }
0x2f9: {  	(v2sf) =	vpush v62, $0xF;
	v10 =	vnsel vm15, $0x80100000, v10  }
0x2fa: {  	(xrf0) =	vmin.scan.msk.u32 $0xffff, v10;
	_ =	sdelay $0x5  }
0x2fb: {  	v10, _, _ =	vpop (xrf0)  }
0x2fc: {  	(v2sf) =	vpush v10, $0xF;
	_ =	sdelay $0x6  }
0x2fd: {  	p1 =	sgt.u32 s2, $0x62;
	s0 =	spop (v2sf)  }
0x2fe: {  	p2 =	sgt.f32 @!p1 s0, $0.0e+00;
	_ =	sdelay $0x1  }
0x2ff: {  	p2 =	por p1, !p2  }
.Ltmp28:
0x300: {  	_ = 	snop;
	(pc) =	sbr.rel @!p2 .LBB2_37-.Ltmp28, $2  }
0x301: {  	_ =	sdelay $0x2  }
0x302: {  	s2 =	sadd.s32 $0x1, s2;
	s5 =	spop (v2sf)  }
.Ltmp29:
0x303: {  	(pc) =	sbr.rel .LBB2_39-.Ltmp29, $2  }
0x304: {  	_ =	sdelay $0x2  }
0x305: {  	s2 =	smov.u32 @p1 s2  }
.LBB2_2:
0x306: {  	v7 =	vimm.f32 $-Inf  }
.Ltmp30:
0x307: {  	v10 =	vimm.f32 $-Inf;
	v13 =	vimm.f32 $-Inf;
	v14 =	vimm.f32 $-Inf;
	(pc) =	sbr.rel .LBB2_6-.Ltmp30, $4  }
0x308: {  	v15 =	vimm.f32 $-Inf;
	v20 =	vimm.f32 $-Inf;
	v5 =	vimm.f32 $-Inf  }
0x309: {  	v6 =	vimm.f32 $-Inf;
	v8 =	vimm.f32 $-Inf;
	v9 =	vimm.f32 $-Inf  }
0x30a: {  	v11 =	vimm.f32 $-Inf;
	v12 =	vimm.f32 $-Inf;
	v16 =	vimm.f32 $-Inf  }
0x30b: {  	v17 =	vimm.f32 $-Inf;
	v18 =	vimm.f32 $-Inf;
	v19 =	vimm.f32 $-Inf  }
.LBB2_4:
.Ltmp31:
0x30c: {  	(pc) =	sbr.rel .LBB2_6-.Ltmp31, $3  }
0x30d: {  	_ =	sdelay $0x1  }
0x30e: {  	v7 =	vimm.f32 $-Inf;
	v10 =	vimm.f32 $-Inf;
	v13 =	vimm.f32 $-Inf  }
0x30f: {  	v14 =	vimm.f32 $-Inf;
	v15 =	vimm.f32 $-Inf;
	v20 =	vimm.f32 $-Inf  }
.LBB2_41:
0x310: {  	_ =	sfence.sel $0x180000  }
0x311: {  	[bflag:$0x0] =	sbarrier.arrive $0xFFFF  }
0x312: {  	_ =	strace $0x90000047  }
0x313: {  	s0 =	stileid.u32;
	[bflag:$0x2] =	sbarrier.arrive $0xFFFF  }
0x314: {  	p0 =	sne.s32 s0, $0x0;
	s0 =	rddreg [dreg:$0x4]  }
0x315: {  	s0 =	sadd.s32 @!p0 $0x100000, s0  }
0x316: {  	[sflag:s0] =	ssyncadd.tile.s32 @!p0 $0x1;
	_ =	shalt  }
.Lfunc_end2:
_tile_overlayer_lowered:
.L_overlay_start_2:
0x317: {  	(tag) =	ssettag $0x2  }
0x318: {  	s0 =	rddreg [dreg:$0x0];
	s2 =	stileid.u32  }
0x319: {  	s1 =	rddreg [dreg:$0x1];
	p0 =	sne.s32 s2, $0x0  }
0x31a: {  	s3 =	rddreg [dreg:$0x2];
	[bflag:$0x3] =	sbarrier.arrive $0xFFFF;
	s2 =	simm.s32 @!p0 $0x1C07  }
0x31b: {  	[timem:s3], [sflag:s2] =	dma.local @!p0 [hbm:s0], s1  }
0x31c: {  	s0 =	simm.s32 @!p0 $0x7  }
0x31d: {  	_ =	swait.ge @!p0 [sflag:s0], s1  }
0x31e: {  	s1 =	ssub.s32 @!p0 $0x0, s1;
	[sflag:s0] =	ssyncset.done @!p0 $0x0  }
0x31f: {  	[sflag:s0] =	ssyncadd.s32 @!p0 s1  }
0x320: {  	[bflag:$0x3] =	sbarrier.arrive $0xFFFF  }
0x321: {  	_ =	shalt  }

</sc_bundles>
